<compile_context>
chip_gen: v7x
topology: tpu7x:2x2x1
jax: 0.10.2.dev20260603
libtpu: 0.0.44.dev20260713+nightly
codegen_flags: <defaults>
</compile_context>

<pallas_src>
import functools

import jax
import jax.numpy as jnp
from jax import lax
from jax.experimental import pallas as pl
from jax.experimental.pallas import tpu as pltpu
from jax.experimental.pallas import tpu_sc as plsc

_NW = 32
_IDX_CHUNK = 128



def _round_bits(x):
    return lax.bitcast_convert_type(
        x.astype(jnp.bfloat16).astype(jnp.float32), jnp.uint32)


_ROWS = 8192
_RS = 13


def _pack_u_body(x_ref, out_ref):
    xb = _round_bits(x_ref[...])
    w = xb[0:32] | (xb[32:64] >> 16)
    w2 = jnp.concatenate(
        [w[:, s * _ROWS:(s + 1) * _ROWS] for s in range(4)], axis=0)
    out_ref[...] = lax.bitcast_convert_type(w2, jnp.float32).T


def _pack_i_body(x_ref, out_ref):
    xb = _round_bits(x_ref[...])
    lo = jnp.concatenate(
        [xb[16:24] >> 16, jnp.zeros((8, xb.shape[1]), jnp.uint32)], axis=0)
    w = xb[0:16] | lo
    w2 = jnp.concatenate(
        [w[:, s * _ROWS:(s + 1) * _ROWS] for s in range(8)], axis=0)
    out_ref[...] = lax.bitcast_convert_type(w2, jnp.float32).T


@functools.lru_cache(maxsize=None)
def _make_pack(V, D, cols_per_block, body):
    n = pl.cdiv(V, cols_per_block)
    return pl.pallas_call(
        body,
        grid=(n,),
        in_specs=[pl.BlockSpec((D, cols_per_block), lambda i: (0, i))],
        out_specs=pl.BlockSpec((_ROWS, 128), lambda i: (i, 0)),
        out_shape=jax.ShapeDtypeStruct((n * _ROWS, 128), jnp.float32),
    )



@functools.lru_cache(maxsize=None)
def _make_gather(B, row_shift):
    b_per_w = B // _NW
    n_chunks = b_per_w // _IDX_CHUNK
    mesh = plsc.VectorSubcoreMesh(core_axis_name="c", subcore_axis_name="s")

    @functools.partial(
        pl.kernel,
        mesh=mesh,
        out_type=jax.ShapeDtypeStruct((B, 128), jnp.float32),
        scratch_types=[
            pltpu.VMEM((n_chunks, _IDX_CHUNK), jnp.int32),
            pltpu.VMEM((b_per_w, 128), jnp.float32),
            pltpu.SemaphoreType.DMA,
        ],
    )
    def gather_k(tab, idx_hbm, out, idx, rows, sem):
        wid = lax.axis_index("s") * 2 + lax.axis_index("c")
        base = wid * b_per_w
        for j in range(n_chunks):
            pltpu.sync_copy(idx_hbm.at[pl.ds(base + j * _IDX_CHUNK,
                                             _IDX_CHUNK)],
                            idx.at[j])
        for j in range(n_chunks):
            for k in range(_IDX_CHUNK // 16):
                s = pl.ds(k * 16, 16)
                v = idx[j, s]
                idx[j, s] = ((v >> row_shift) << _RS) | (v & (_ROWS - 1))
        copies = []
        for j in range(n_chunks):
            copies.append(pltpu.async_copy(
                tab.at[idx.at[j]],
                rows.at[pl.ds(j * _IDX_CHUNK, _IDX_CHUNK)], sem))
        for c in copies:
            c.wait()
        pltpu.sync_copy(rows, out.at[pl.ds(base, b_per_w)])

    return gather_k



def _mlp_body(uraw_ref, iraw_ref, users_ref, items_ref,
              wl1u, wl1i, bl1, wl2, bl2,
              wr1u, wr1i, br1, wr2, br2,
              w3cat, b3cat, out_ref):
    u = users_ref[...]
    it = items_ref[...]

    def unpack(words):
        hi = lax.bitcast_convert_type(words & jnp.uint32(0xFFFF0000),
                                      jnp.float32)
        lo = lax.bitcast_convert_type(words << 16, jnp.float32)
        return jnp.concatenate([hi, lo], axis=1)

    ubits = lax.bitcast_convert_type(uraw_ref[...], jnp.uint32)
    ibits = lax.bitcast_convert_type(iraw_ref[...], jnp.uint32)
    s_u = ((u >> _RS) & 3)[:, None]
    uw = jnp.where(
        s_u == 0, ubits[:, 0:32],
        jnp.where(s_u == 1, ubits[:, 32:64],
                  jnp.where(s_u == 2, ubits[:, 64:96], ubits[:, 96:128])))
    xu = unpack(uw)
    s_i = ((it >> _RS) & 7)[:, None]
    iw = ibits[:, 112:128]
    for s in range(6, -1, -1):
        iw = jnp.where(s_i == s, ibits[:, 16 * s:16 * s + 16], iw)
    xi = unpack(iw)[:, 0:24]

    def head(w1u, w1i, b1, w2, b2):
        h = lax.dot(xu, w1u[...], preferred_element_type=jnp.float32)
        h = h + lax.dot(xi, w1i[...], preferred_element_type=jnp.float32)
        h = jnp.maximum(h + b1[...], 0.0)
        return jnp.maximum(
            lax.dot(h, w2[...], preferred_element_type=jnp.float32) + b2[...],
            0.0)

    hcat = jnp.concatenate([head(wl1u, wl1i, bl1, wl2, bl2),
                            head(wr1u, wr1i, br1, wr2, br2)], axis=1)
    z = lax.dot(hcat, w3cat[...],
                preferred_element_type=jnp.float32) + b3cat[...]
    out_ref[...] = 1.0 / (1.0 + jnp.exp(-z))


@functools.lru_cache(maxsize=None)
def _make_mlp(B, D_u, D_i, H1, H2):
    BLK = 2048
    grid = B // BLK

    def w_spec(shape):
        return pl.BlockSpec(shape, lambda i: (0,) * len(shape))

    return pl.pallas_call(
        _mlp_body,
        grid=(grid,),
        in_specs=[
            pl.BlockSpec((BLK, 128), lambda i: (i, 0)),
            pl.BlockSpec((BLK, 128), lambda i: (i, 0)),
            pl.BlockSpec((BLK,), lambda i: (i,)),
            pl.BlockSpec((BLK,), lambda i: (i,)),
            w_spec((D_u, H1)), w_spec((D_i, H1)), w_spec((1, H1)),
            w_spec((H1, H2)), w_spec((1, H2)),
            w_spec((D_u, H1)), w_spec((D_i, H1)), w_spec((1, H1)),
            w_spec((H1, H2)), w_spec((1, H2)),
            w_spec((2 * H2, 2)), w_spec((1, 2)),
        ],
        out_specs=pl.BlockSpec((BLK, 2), lambda i: (i, 0)),
        out_shape=jax.ShapeDtypeStruct((B, 2), jnp.float32),
    )


def kernel(users, items, user_embedding, item_embedding,
           Wl1, bl1, Wl2, bl2, Wl3, bl3,
           Wr1, br1, Wr2, br2, Wr3, br3):
    B = users.shape[0]
    V_u, D_u = user_embedding.shape
    V_i, D_i = item_embedding.shape
    H1 = Wl1.shape[1]
    H2 = Wl2.shape[1]

    su = _make_pack(V_u, D_u, 4 * _ROWS, _pack_u_body)(user_embedding.T)
    si = _make_pack(V_i, D_i, 8 * _ROWS, _pack_i_body)(item_embedding.T)

    uraw = _make_gather(B, _RS + 2)(su, users)
    iraw = _make_gather(B, _RS + 3)(si, items)

    z16 = jnp.zeros((H2, 1), jnp.float32)
    w3cat = jnp.concatenate(
        [jnp.concatenate([Wl3, z16], axis=1),
         jnp.concatenate([z16, Wr3], axis=1)], axis=0)
    b3cat = jnp.concatenate([bl3, br3]).reshape(1, 2)

    mlp = _make_mlp(B, D_u, D_i, H1, H2)
    out = mlp(
        uraw, iraw, users, items,
        Wl1[:D_u], Wl1[D_u:], bl1.reshape(1, H1),
        Wl2, bl2.reshape(1, H2),
        Wr1[:D_u], Wr1[D_u:], br1.reshape(1, H1),
        Wr2, br2.reshape(1, H2),
        w3cat, b3cat,
    )
    return out[:, 0], out[:, 1]

# --- scband reference (transcript-rebuilt; emitter-appended) ---
"""Pipeline reference for scband-neural-logic-rec-171798692310 (READ-ONLY COPY).

The authoritative reference and input builder live on the scoring server;
editing this copy changes nothing except your own understanding.
"""

import jax, jax.numpy as jnp
import numpy as np

NR_USERS = 1000000
NR_ITEMS = 1000000
EMB = 64
ITEM_EMB = 24
B = 16384


def _dense_params(key, d_in, d_out):
    k1, k2 = jax.random.split(key)
    W = jax.random.normal(k1, (d_in, d_out), dtype=jnp.float32) * (1.0 / np.sqrt(d_in))
    b = jnp.zeros((d_out,), dtype=jnp.float32)
    return W, b


def setup_inputs(seed: int = 0) -> dict:
    key = jax.random.key(seed)
    ks = jax.random.split(key, 12)
    users = jax.random.randint(ks[0], (B,), 0, NR_USERS, dtype=jnp.int32)
    items = jax.random.randint(ks[1], (B,), 0, NR_ITEMS, dtype=jnp.int32)
    user_embedding = jax.random.normal(ks[2], (NR_USERS, EMB), dtype=jnp.float32)
    item_embedding = jax.random.normal(ks[3], (NR_ITEMS, ITEM_EMB), dtype=jnp.float32)
    d_in = EMB + ITEM_EMB
    Wl1, bl1 = _dense_params(ks[4], d_in, 32)
    Wl2, bl2 = _dense_params(ks[5], 32, 16)
    Wl3, bl3 = _dense_params(ks[6], 16, 1)
    Wr1, br1 = _dense_params(ks[7], d_in, 32)
    Wr2, br2 = _dense_params(ks[8], 32, 16)
    Wr3, br3 = _dense_params(ks[9], 16, 1)
    return {
        'users': users, 'items': items,
        'user_embedding': user_embedding, 'item_embedding': item_embedding,
        'Wl1': Wl1, 'bl1': bl1, 'Wl2': Wl2, 'bl2': bl2, 'Wl3': Wl3, 'bl3': bl3,
        'Wr1': Wr1, 'br1': br1, 'Wr2': Wr2, 'br2': br2, 'Wr3': Wr3, 'br3': br3,
    }


def _mlp(x, W1, b1, W2, b2, W3, b3):
    h = jax.nn.relu(x @ W1 + b1)
    h = jax.nn.relu(h @ W2 + b2)
    return jnp.squeeze(jax.nn.sigmoid(h @ W3 + b3))


def reference(users, items, user_embedding, item_embedding,
              Wl1, bl1, Wl2, bl2, Wl3, bl3,
              Wr1, br1, Wr2, br2, Wr3, br3):
    embed_user = jnp.take(user_embedding, users, axis=0)
    embed_item = jnp.take(item_embedding, items, axis=0)
    inp = jnp.concatenate([embed_user, embed_item], axis=1)
    estimated_likes = _mlp(inp, Wl1, bl1, Wl2, bl2, Wl3, bl3)
    estimated_rec = _mlp(inp, Wr1, br1, Wr2, br2, Wr3, br3)
    return estimated_likes, estimated_rec

if __name__ == "__main__":
    import jax
    _d = setup_inputs()
    print(jax.jit(kernel)(*tuple(_d.values())))

</pallas_src>

<mosaic_0001>
#map = affine_map<(d0, d1) -> (0, 0)>
#map1 = affine_map<(d0, d1) -> (0)>
module attributes {stable_mosaic.version = 14 : i64} {
  func.func @gather_k(%arg0: i32, %arg1: i32, %arg2: memref<131072x128xf32, #tpu.memory_space<hbm>>, %arg3: memref<16384xi32, #tpu.memory_space<hbm>>, %arg4: memref<16384x128xf32, #tpu.memory_space<hbm>>, %arg5: memref<4x128xi32, #tpu.memory_space<vmem>>, %arg6: memref<512x128xf32, #tpu.memory_space<vmem>>, %arg7: memref<!tpu.dma_semaphore, #tpu.memory_space<semaphore_mem>>) attributes {dimension_semantics = [#tpu.dimension_semantics<core_parallel>, #tpu.dimension_semantics<subcore_parallel>], iteration_bounds = array<i64: 2, 16>, scalar_prefetch = 0 : i64, scratch_operands = 3 : i64, tpu.core_type = #tpu.core_type<sc_vector_subcore>, window_params = [{transform_indices = #map}, {transform_indices = #map1}, {transform_indices = #map}]} {
    %mul3A = arith.constant 2 : i32
    %mul3A_0 = arith.muli %arg1, %mul3A : i32
    %add3A = arith.addi %mul3A_0, %arg0 : i32
    %mul3A_1 = arith.constant 512 : i32
    %mul3A_2 = arith.muli %add3A, %mul3A_1 : i32
    %add3A_3 = arith.constant 0 : i32
    %add3A_4 = arith.addi %mul3A_2, %add3A_3 : i32
    %run_scoped3A = arith.constant 0 : i32
    "tpu.region"() ({
      %run_scoped3A_758 = tpu.sem_alloc : memref<!tpu.dma_semaphore, #tpu.memory_space<semaphore_mem>>
      %dma_start3A_759 = arith.constant 0 : i32
      %dma_start3A_760 = tpu.memref_slice %arg5[%run_scoped3A, %dma_start3A_759] : memref<4x128xi32, #tpu.memory_space<vmem>> -> memref<1x128xi32, #tpu.memory_space<vmem>>
      %dma_start3A_761 = tpu.memref_squeeze %dma_start3A_760 : memref<1x128xi32, #tpu.memory_space<vmem>> -> memref<128xi32, #tpu.memory_space<vmem>>
      %dma_start3A_762 = tpu.memref_slice %arg3[%add3A_4] : memref<16384xi32, #tpu.memory_space<hbm>> -> memref<128xi32, #tpu.memory_space<hbm>>
      %dma_start3A_763 = arith.constant 0 : i32
      %dma_start3A_764 = tpu.memref_slice %arg5[%run_scoped3A, %dma_start3A_763] : memref<4x128xi32, #tpu.memory_space<vmem>> -> memref<1x128xi32, #tpu.memory_space<vmem>>
      %dma_start3A_765 = tpu.memref_squeeze %dma_start3A_764 : memref<1x128xi32, #tpu.memory_space<vmem>> -> memref<128xi32, #tpu.memory_space<vmem>>
      %dma_start3A_766 = tpu.memref_slice %arg3[%add3A_4] : memref<16384xi32, #tpu.memory_space<hbm>> -> memref<128xi32, #tpu.memory_space<hbm>>
      tpu.enqueue_dma source(%dma_start3A_766 : memref<128xi32, #tpu.memory_space<hbm>>) target(%dma_start3A_765 : memref<128xi32, #tpu.memory_space<vmem>>) target_semaphore(%run_scoped3A_758 : memref<!tpu.dma_semaphore, #tpu.memory_space<semaphore_mem>>)
      %dma_wait3A_767 = arith.constant 0 : i32
      %dma_wait3A_768 = tpu.memref_slice %arg5[%run_scoped3A, %dma_wait3A_767] : memref<4x128xi32, #tpu.memory_space<vmem>> -> memref<1x128xi32, #tpu.memory_space<vmem>>
      %dma_wait3A_769 = tpu.memref_squeeze %dma_wait3A_768 : memref<1x128xi32, #tpu.memory_space<vmem>> -> memref<128xi32, #tpu.memory_space<vmem>>
      %dma_wait3A_770 = tpu.memref_slice %arg3[%add3A_4] : memref<16384xi32, #tpu.memory_space<hbm>> -> memref<128xi32, #tpu.memory_space<hbm>>
      %dma_wait3A_771 = arith.constant 0 : i32
      %dma_wait3A_772 = tpu.memref_slice %arg5[%run_scoped3A, %dma_wait3A_771] : memref<4x128xi32, #tpu.memory_space<vmem>> -> memref<1x128xi32, #tpu.memory_space<vmem>>
      %dma_wait3A_773 = tpu.memref_squeeze %dma_wait3A_772 : memref<1x128xi32, #tpu.memory_space<vmem>> -> memref<128xi32, #tpu.memory_space<vmem>>
      %dma_wait3A_774 = tpu.memref_slice %arg3[%add3A_4] : memref<16384xi32, #tpu.memory_space<hbm>> -> memref<128xi32, #tpu.memory_space<hbm>>
      tpu.wait_dma2 semaphore(%run_scoped3A_758 : memref<!tpu.dma_semaphore, #tpu.memory_space<semaphore_mem>>) src(%dma_wait3A_774 : memref<128xi32, #tpu.memory_space<hbm>>) dst(%dma_wait3A_773 : memref<128xi32, #tpu.memory_space<vmem>>)
      tpu.yield
    }) : () -> ()
    %add3A_5 = arith.constant 128 : i32
    %add3A_6 = arith.addi %mul3A_2, %add3A_5 : i32
    %run_scoped3A_7 = arith.constant 1 : i32
    "tpu.region"() ({
      %run_scoped3A_758 = tpu.sem_alloc : memref<!tpu.dma_semaphore, #tpu.memory_space<semaphore_mem>>
      %dma_start3A_759 = arith.constant 0 : i32
      %dma_start3A_760 = tpu.memref_slice %arg5[%run_scoped3A_7, %dma_start3A_759] : memref<4x128xi32, #tpu.memory_space<vmem>> -> memref<1x128xi32, #tpu.memory_space<vmem>>
      %dma_start3A_761 = tpu.memref_squeeze %dma_start3A_760 : memref<1x128xi32, #tpu.memory_space<vmem>> -> memref<128xi32, #tpu.memory_space<vmem>>
      %dma_start3A_762 = tpu.memref_slice %arg3[%add3A_6] : memref<16384xi32, #tpu.memory_space<hbm>> -> memref<128xi32, #tpu.memory_space<hbm>>
      %dma_start3A_763 = arith.constant 0 : i32
      %dma_start3A_764 = tpu.memref_slice %arg5[%run_scoped3A_7, %dma_start3A_763] : memref<4x128xi32, #tpu.memory_space<vmem>> -> memref<1x128xi32, #tpu.memory_space<vmem>>
      %dma_start3A_765 = tpu.memref_squeeze %dma_start3A_764 : memref<1x128xi32, #tpu.memory_space<vmem>> -> memref<128xi32, #tpu.memory_space<vmem>>
      %dma_start3A_766 = tpu.memref_slice %arg3[%add3A_6] : memref<16384xi32, #tpu.memory_space<hbm>> -> memref<128xi32, #tpu.memory_space<hbm>>
      tpu.enqueue_dma source(%dma_start3A_766 : memref<128xi32, #tpu.memory_space<hbm>>) target(%dma_start3A_765 : memref<128xi32, #tpu.memory_space<vmem>>) target_semaphore(%run_scoped3A_758 : memref<!tpu.dma_semaphore, #tpu.memory_space<semaphore_mem>>)
      %dma_wait3A_767 = arith.constant 0 : i32
      %dma_wait3A_768 = tpu.memref_slice %arg5[%run_scoped3A_7, %dma_wait3A_767] : memref<4x128xi32, #tpu.memory_space<vmem>> -> memref<1x128xi32, #tpu.memory_space<vmem>>
      %dma_wait3A_769 = tpu.memref_squeeze %dma_wait3A_768 : memref<1x128xi32, #tpu.memory_space<vmem>> -> memref<128xi32, #tpu.memory_space<vmem>>
      %dma_wait3A_770 = tpu.memref_slice %arg3[%add3A_6] : memref<16384xi32, #tpu.memory_space<hbm>> -> memref<128xi32, #tpu.memory_space<hbm>>
      %dma_wait3A_771 = arith.constant 0 : i32
      %dma_wait3A_772 = tpu.memref_slice %arg5[%run_scoped3A_7, %dma_wait3A_771] : memref<4x128xi32, #tpu.memory_space<vmem>> -> memref<1x128xi32, #tpu.memory_space<vmem>>
      %dma_wait3A_773 = tpu.memref_squeeze %dma_wait3A_772 : memref<1x128xi32, #tpu.memory_space<vmem>> -> memref<128xi32, #tpu.memory_space<vmem>>
      %dma_wait3A_774 = tpu.memref_slice %arg3[%add3A_6] : memref<16384xi32, #tpu.memory_space<hbm>> -> memref<128xi32, #tpu.memory_space<hbm>>
      tpu.wait_dma2 semaphore(%run_scoped3A_758 : memref<!tpu.dma_semaphore, #tpu.memory_space<semaphore_mem>>) src(%dma_wait3A_774 : memref<128xi32, #tpu.memory_space<hbm>>) dst(%dma_wait3A_773 : memref<128xi32, #tpu.memory_space<vmem>>)
      tpu.yield
    }) : () -> ()
    %add3A_8 = arith.constant 256 : i32
    %add3A_9 = arith.addi %mul3A_2, %add3A_8 : i32
    %run_scoped3A_10 = arith.constant 2 : i32
    "tpu.region"() ({
      %run_scoped3A_758 = tpu.sem_alloc : memref<!tpu.dma_semaphore, #tpu.memory_space<semaphore_mem>>
      %dma_start3A_759 = arith.constant 0 : i32
      %dma_start3A_760 = tpu.memref_slice %arg5[%run_scoped3A_10, %dma_start3A_759] : memref<4x128xi32, #tpu.memory_space<vmem>> -> memref<1x128xi32, #tpu.memory_space<vmem>>
      %dma_start3A_761 = tpu.memref_squeeze %dma_start3A_760 : memref<1x128xi32, #tpu.memory_space<vmem>> -> memref<128xi32, #tpu.memory_space<vmem>>
      %dma_start3A_762 = tpu.memref_slice %arg3[%add3A_9] : memref<16384xi32, #tpu.memory_space<hbm>> -> memref<128xi32, #tpu.memory_space<hbm>>
      %dma_start3A_763 = arith.constant 0 : i32
      %dma_start3A_764 = tpu.memref_slice %arg5[%run_scoped3A_10, %dma_start3A_763] : memref<4x128xi32, #tpu.memory_space<vmem>> -> memref<1x128xi32, #tpu.memory_space<vmem>>
      %dma_start3A_765 = tpu.memref_squeeze %dma_start3A_764 : memref<1x128xi32, #tpu.memory_space<vmem>> -> memref<128xi32, #tpu.memory_space<vmem>>
      %dma_start3A_766 = tpu.memref_slice %arg3[%add3A_9] : memref<16384xi32, #tpu.memory_space<hbm>> -> memref<128xi32, #tpu.memory_space<hbm>>
      tpu.enqueue_dma source(%dma_start3A_766 : memref<128xi32, #tpu.memory_space<hbm>>) target(%dma_start3A_765 : memref<128xi32, #tpu.memory_space<vmem>>) target_semaphore(%run_scoped3A_758 : memref<!tpu.dma_semaphore, #tpu.memory_space<semaphore_mem>>)
      %dma_wait3A_767 = arith.constant 0 : i32
      %dma_wait3A_768 = tpu.memref_slice %arg5[%run_scoped3A_10, %dma_wait3A_767] : memref<4x128xi32, #tpu.memory_space<vmem>> -> memref<1x128xi32, #tpu.memory_space<vmem>>
      %dma_wait3A_769 = tpu.memref_squeeze %dma_wait3A_768 : memref<1x128xi32, #tpu.memory_space<vmem>> -> memref<128xi32, #tpu.memory_space<vmem>>
      %dma_wait3A_770 = tpu.memref_slice %arg3[%add3A_9] : memref<16384xi32, #tpu.memory_space<hbm>> -> memref<128xi32, #tpu.memory_space<hbm>>
      %dma_wait3A_771 = arith.constant 0 : i32
      %dma_wait3A_772 = tpu.memref_slice %arg5[%run_scoped3A_10, %dma_wait3A_771] : memref<4x128xi32, #tpu.memory_space<vmem>> -> memref<1x128xi32, #tpu.memory_space<vmem>>
      %dma_wait3A_773 = tpu.memref_squeeze %dma_wait3A_772 : memref<1x128xi32, #tpu.memory_space<vmem>> -> memref<128xi32, #tpu.memory_space<vmem>>
      %dma_wait3A_774 = tpu.memref_slice %arg3[%add3A_9] : memref<16384xi32, #tpu.memory_space<hbm>> -> memref<128xi32, #tpu.memory_space<hbm>>
      tpu.wait_dma2 semaphore(%run_scoped3A_758 : memref<!tpu.dma_semaphore, #tpu.memory_space<semaphore_mem>>) src(%dma_wait3A_774 : memref<128xi32, #tpu.memory_space<hbm>>) dst(%dma_wait3A_773 : memref<128xi32, #tpu.memory_space<vmem>>)
      tpu.yield
    }) : () -> ()
    %add3A_11 = arith.constant 384 : i32
    %add3A_12 = arith.addi %mul3A_2, %add3A_11 : i32
    %run_scoped3A_13 = arith.constant 3 : i32
    "tpu.region"() ({
      %run_scoped3A_758 = tpu.sem_alloc : memref<!tpu.dma_semaphore, #tpu.memory_space<semaphore_mem>>
      %dma_start3A_759 = arith.constant 0 : i32
      %dma_start3A_760 = tpu.memref_slice %arg5[%run_scoped3A_13, %dma_start3A_759] : memref<4x128xi32, #tpu.memory_space<vmem>> -> memref<1x128xi32, #tpu.memory_space<vmem>>
      %dma_start3A_761 = tpu.memref_squeeze %dma_start3A_760 : memref<1x128xi32, #tpu.memory_space<vmem>> -> memref<128xi32, #tpu.memory_space<vmem>>
      %dma_start3A_762 = tpu.memref_slice %arg3[%add3A_12] : memref<16384xi32, #tpu.memory_space<hbm>> -> memref<128xi32, #tpu.memory_space<hbm>>
      %dma_start3A_763 = arith.constant 0 : i32
      %dma_start3A_764 = tpu.memref_slice %arg5[%run_scoped3A_13, %dma_start3A_763] : memref<4x128xi32, #tpu.memory_space<vmem>> -> memref<1x128xi32, #tpu.memory_space<vmem>>
      %dma_start3A_765 = tpu.memref_squeeze %dma_start3A_764 : memref<1x128xi32, #tpu.memory_space<vmem>> -> memref<128xi32, #tpu.memory_space<vmem>>
      %dma_start3A_766 = tpu.memref_slice %arg3[%add3A_12] : memref<16384xi32, #tpu.memory_space<hbm>> -> memref<128xi32, #tpu.memory_space<hbm>>
      tpu.enqueue_dma source(%dma_start3A_766 : memref<128xi32, #tpu.memory_space<hbm>>) target(%dma_start3A_765 : memref<128xi32, #tpu.memory_space<vmem>>) target_semaphore(%run_scoped3A_758 : memref<!tpu.dma_semaphore, #tpu.memory_space<semaphore_mem>>)
      %dma_wait3A_767 = arith.constant 0 : i32
      %dma_wait3A_768 = tpu.memref_slice %arg5[%run_scoped3A_13, %dma_wait3A_767] : memref<4x128xi32, #tpu.memory_space<vmem>> -> memref<1x128xi32, #tpu.memory_space<vmem>>
      %dma_wait3A_769 = tpu.memref_squeeze %dma_wait3A_768 : memref<1x128xi32, #tpu.memory_space<vmem>> -> memref<128xi32, #tpu.memory_space<vmem>>
      %dma_wait3A_770 = tpu.memref_slice %arg3[%add3A_12] : memref<16384xi32, #tpu.memory_space<hbm>> -> memref<128xi32, #tpu.memory_space<hbm>>
      %dma_wait3A_771 = arith.constant 0 : i32
      %dma_wait3A_772 = tpu.memref_slice %arg5[%run_scoped3A_13, %dma_wait3A_771] : memref<4x128xi32, #tpu.memory_space<vmem>> -> memref<1x128xi32, #tpu.memory_space<vmem>>
      %dma_wait3A_773 = tpu.memref_squeeze %dma_wait3A_772 : memref<1x128xi32, #tpu.memory_space<vmem>> -> memref<128xi32, #tpu.memory_space<vmem>>
      %dma_wait3A_774 = tpu.memref_slice %arg3[%add3A_12] : memref<16384xi32, #tpu.memory_space<hbm>> -> memref<128xi32, #tpu.memory_space<hbm>>
      tpu.wait_dma2 semaphore(%run_scoped3A_758 : memref<!tpu.dma_semaphore, #tpu.memory_space<semaphore_mem>>) src(%dma_wait3A_774 : memref<128xi32, #tpu.memory_space<hbm>>) dst(%dma_wait3A_773 : memref<128xi32, #tpu.memory_space<vmem>>)
      tpu.yield
    }) : () -> ()
    %get3A = arith.constant 0 : i32
    %get3A_14 = arith.index_cast %get3A : i32 to index
    %get3A_15 = arith.constant 0 : index
    %get3A_16 = tpu.vector_load %arg5[%get3A_14, %get3A_15] {strides = array<i32>} : memref<4x128xi32, #tpu.memory_space<vmem>>, vector<1x16xi32>,
    %get3A_17 = vector.shape_cast %get3A_16 : vector<1x16xi32> to vector<16xi32>
    %shift_right_arithmetic3A = arith.constant 16 : i32
    %shift_right_arithmetic3A_18 = vector.broadcast %shift_right_arithmetic3A : i32 to vector<16xi32>
    %shift_right_arithmetic3A_19 = arith.shrsi %get3A_17, %shift_right_arithmetic3A_18 : vector<16xi32>
    %shift_left3A = arith.constant 13 : i32
    %shift_left3A_20 = vector.broadcast %shift_left3A : i32 to vector<16xi32>
    %shift_left3A_21 = arith.shli %shift_right_arithmetic3A_19, %shift_left3A_20 : vector<16xi32>
    %and3A = arith.constant 8191 : i32
    %and3A_22 = vector.broadcast %and3A : i32 to vector<16xi32>
    %and3A_23 = arith.andi %get3A_17, %and3A_22 : vector<16xi32>
    %or3A = arith.ori %shift_left3A_21, %and3A_23 : vector<16xi32>
    %swap3A = arith.constant 0 : i32
    %swap3A_24 = arith.index_cast %swap3A : i32 to index
    %swap3A_25 = arith.constant 0 : index
    %swap3A_26 = tpu.vector_load %arg5[%swap3A_24, %swap3A_25] {strides = array<i32>} : memref<4x128xi32, #tpu.memory_space<vmem>>, vector<1x16xi32>,
    %swap3A_27 = vector.shape_cast %swap3A_26 : vector<1x16xi32> to vector<16xi32>
    %swap3A_28 = vector.shape_cast %or3A : vector<16xi32> to vector<1x16xi32>
    tpu.vector_store %arg5[%swap3A_24, %swap3A_25], %swap3A_28 {strides = array<i32>} : memref<4x128xi32, #tpu.memory_space<vmem>>, vector<1x16xi32>,
    %get3A_29 = arith.constant 0 : i32
    %get3A_30 = arith.index_cast %get3A_29 : i32 to index
    %get3A_31 = arith.constant 16 : index
    %get3A_32 = tpu.vector_load %arg5[%get3A_30, %get3A_31] {strides = array<i32>} : memref<4x128xi32, #tpu.memory_space<vmem>>, vector<1x16xi32>,
    %get3A_33 = vector.shape_cast %get3A_32 : vector<1x16xi32> to vector<16xi32>
    %shift_right_arithmetic3A_34 = arith.constant 16 : i32
    %shift_right_arithmetic3A_35 = vector.broadcast %shift_right_arithmetic3A_34 : i32 to vector<16xi32>
    %shift_right_arithmetic3A_36 = arith.shrsi %get3A_33, %shift_right_arithmetic3A_35 : vector<16xi32>
    %shift_left3A_37 = arith.constant 13 : i32
    %shift_left3A_38 = vector.broadcast %shift_left3A_37 : i32 to vector<16xi32>
    %shift_left3A_39 = arith.shli %shift_right_arithmetic3A_36, %shift_left3A_38 : vector<16xi32>
    %and3A_40 = arith.constant 8191 : i32
    %and3A_41 = vector.broadcast %and3A_40 : i32 to vector<16xi32>
    %and3A_42 = arith.andi %get3A_33, %and3A_41 : vector<16xi32>
    %or3A_43 = arith.ori %shift_left3A_39, %and3A_42 : vector<16xi32>
    %swap3A_44 = arith.constant 0 : i32
    %swap3A_45 = arith.index_cast %swap3A_44 : i32 to index
    %swap3A_46 = arith.constant 16 : index
    %swap3A_47 = tpu.vector_load %arg5[%swap3A_45, %swap3A_46] {strides = array<i32>} : memref<4x128xi32, #tpu.memory_space<vmem>>, vector<1x16xi32>,
    %swap3A_48 = vector.shape_cast %swap3A_47 : vector<1x16xi32> to vector<16xi32>
    %swap3A_49 = vector.shape_cast %or3A_43 : vector<16xi32> to vector<1x16xi32>
    tpu.vector_store %arg5[%swap3A_45, %swap3A_46], %swap3A_49 {strides = array<i32>} : memref<4x128xi32, #tpu.memory_space<vmem>>, vector<1x16xi32>,
    %get3A_50 = arith.constant 0 : i32
    %get3A_51 = arith.index_cast %get3A_50 : i32 to index
    %get3A_52 = arith.constant 32 : index
    %get3A_53 = tpu.vector_load %arg5[%get3A_51, %get3A_52] {strides = array<i32>} : memref<4x128xi32, #tpu.memory_space<vmem>>, vector<1x16xi32>,
    %get3A_54 = vector.shape_cast %get3A_53 : vector<1x16xi32> to vector<16xi32>
    %shift_right_arithmetic3A_55 = arith.constant 16 : i32
    %shift_right_arithmetic3A_56 = vector.broadcast %shift_right_arithmetic3A_55 : i32 to vector<16xi32>
    %shift_right_arithmetic3A_57 = arith.shrsi %get3A_54, %shift_right_arithmetic3A_56 : vector<16xi32>
    %shift_left3A_58 = arith.constant 13 : i32
    %shift_left3A_59 = vector.broadcast %shift_left3A_58 : i32 to vector<16xi32>
    %shift_left3A_60 = arith.shli %shift_right_arithmetic3A_57, %shift_left3A_59 : vector<16xi32>
    %and3A_61 = arith.constant 8191 : i32
    %and3A_62 = vector.broadcast %and3A_61 : i32 to vector<16xi32>
    %and3A_63 = arith.andi %get3A_54, %and3A_62 : vector<16xi32>
    %or3A_64 = arith.ori %shift_left3A_60, %and3A_63 : vector<16xi32>
    %swap3A_65 = arith.constant 0 : i32
    %swap3A_66 = arith.index_cast %swap3A_65 : i32 to index
    %swap3A_67 = arith.constant 32 : index
    %swap3A_68 = tpu.vector_load %arg5[%swap3A_66, %swap3A_67] {strides = array<i32>} : memref<4x128xi32, #tpu.memory_space<vmem>>, vector<1x16xi32>,
    %swap3A_69 = vector.shape_cast %swap3A_68 : vector<1x16xi32> to vector<16xi32>
    %swap3A_70 = vector.shape_cast %or3A_64 : vector<16xi32> to vector<1x16xi32>
    tpu.vector_store %arg5[%swap3A_66, %swap3A_67], %swap3A_70 {strides = array<i32>} : memref<4x128xi32, #tpu.memory_space<vmem>>, vector<1x16xi32>,
    %get3A_71 = arith.constant 0 : i32
    %get3A_72 = arith.index_cast %get3A_71 : i32 to index
    %get3A_73 = arith.constant 48 : index
    %get3A_74 = tpu.vector_load %arg5[%get3A_72, %get3A_73] {strides = array<i32>} : memref<4x128xi32, #tpu.memory_space<vmem>>, vector<1x16xi32>,
    %get3A_75 = vector.shape_cast %get3A_74 : vector<1x16xi32> to vector<16xi32>
    %shift_right_arithmetic3A_76 = arith.constant 16 : i32
    %shift_right_arithmetic3A_77 = vector.broadcast %shift_right_arithmetic3A_76 : i32 to vector<16xi32>
    %shift_right_arithmetic3A_78 = arith.shrsi %get3A_75, %shift_right_arithmetic3A_77 : vector<16xi32>
    %shift_left3A_79 = arith.constant 13 : i32
    %shift_left3A_80 = vector.broadcast %shift_left3A_79 : i32 to vector<16xi32>
    %shift_left3A_81 = arith.shli %shift_right_arithmetic3A_78, %shift_left3A_80 : vector<16xi32>
    %and3A_82 = arith.constant 8191 : i32
    %and3A_83 = vector.broadcast %and3A_82 : i32 to vector<16xi32>
    %and3A_84 = arith.andi %get3A_75, %and3A_83 : vector<16xi32>
    %or3A_85 = arith.ori %shift_left3A_81, %and3A_84 : vector<16xi32>
    %swap3A_86 = arith.constant 0 : i32
    %swap3A_87 = arith.index_cast %swap3A_86 : i32 to index
    %swap3A_88 = arith.constant 48 : index
    %swap3A_89 = tpu.vector_load %arg5[%swap3A_87, %swap3A_88] {strides = array<i32>} : memref<4x128xi32, #tpu.memory_space<vmem>>, vector<1x16xi32>,
    %swap3A_90 = vector.shape_cast %swap3A_89 : vector<1x16xi32> to vector<16xi32>
    %swap3A_91 = vector.shape_cast %or3A_85 : vector<16xi32> to vector<1x16xi32>
    tpu.vector_store %arg5[%swap3A_87, %swap3A_88], %swap3A_91 {strides = array<i32>} : memref<4x128xi32, #tpu.memory_space<vmem>>, vector<1x16xi32>,
    %get3A_92 = arith.constant 0 : i32
    %get3A_93 = arith.index_cast %get3A_92 : i32 to index
    %get3A_94 = arith.constant 64 : index
    %get3A_95 = tpu.vector_load %arg5[%get3A_93, %get3A_94] {strides = array<i32>} : memref<4x128xi32, #tpu.memory_space<vmem>>, vector<1x16xi32>,
    %get3A_96 = vector.shape_cast %get3A_95 : vector<1x16xi32> to vector<16xi32>
    %shift_right_arithmetic3A_97 = arith.constant 16 : i32
    %shift_right_arithmetic3A_98 = vector.broadcast %shift_right_arithmetic3A_97 : i32 to vector<16xi32>
    %shift_right_arithmetic3A_99 = arith.shrsi %get3A_96, %shift_right_arithmetic3A_98 : vector<16xi32>
    %shift_left3A_100 = arith.constant 13 : i32
    %shift_left3A_101 = vector.broadcast %shift_left3A_100 : i32 to vector<16xi32>
    %shift_left3A_102 = arith.shli %shift_right_arithmetic3A_99, %shift_left3A_101 : vector<16xi32>
    %and3A_103 = arith.constant 8191 : i32
    %and3A_104 = vector.broadcast %and3A_103 : i32 to vector<16xi32>
    %and3A_105 = arith.andi %get3A_96, %and3A_104 : vector<16xi32>
    %or3A_106 = arith.ori %shift_left3A_102, %and3A_105 : vector<16xi32>
    %swap3A_107 = arith.constant 0 : i32
    %swap3A_108 = arith.index_cast %swap3A_107 : i32 to index
    %swap3A_109 = arith.constant 64 : index
    %swap3A_110 = tpu.vector_load %arg5[%swap3A_108, %swap3A_109] {strides = array<i32>} : memref<4x128xi32, #tpu.memory_space<vmem>>, vector<1x16xi32>,
    %swap3A_111 = vector.shape_cast %swap3A_110 : vector<1x16xi32> to vector<16xi32>
    %swap3A_112 = vector.shape_cast %or3A_106 : vector<16xi32> to vector<1x16xi32>
    tpu.vector_store %arg5[%swap3A_108, %swap3A_109], %swap3A_112 {strides = array<i32>} : memref<4x128xi32, #tpu.memory_space<vmem>>, vector<1x16xi32>,
    %get3A_113 = arith.constant 0 : i32
    %get3A_114 = arith.index_cast %get3A_113 : i32 to index
    %get3A_115 = arith.constant 80 : index
    %get3A_116 = tpu.vector_load %arg5[%get3A_114, %get3A_115] {strides = array<i32>} : memref<4x128xi32, #tpu.memory_space<vmem>>, vector<1x16xi32>,
    %get3A_117 = vector.shape_cast %get3A_116 : vector<1x16xi32> to vector<16xi32>
    %shift_right_arithmetic3A_118 = arith.constant 16 : i32
    %shift_right_arithmetic3A_119 = vector.broadcast %shift_right_arithmetic3A_118 : i32 to vector<16xi32>
    %shift_right_arithmetic3A_120 = arith.shrsi %get3A_117, %shift_right_arithmetic3A_119 : vector<16xi32>
    %shift_left3A_121 = arith.constant 13 : i32
    %shift_left3A_122 = vector.broadcast %shift_left3A_121 : i32 to vector<16xi32>
    %shift_left3A_123 = arith.shli %shift_right_arithmetic3A_120, %shift_left3A_122 : vector<16xi32>
    %and3A_124 = arith.constant 8191 : i32
    %and3A_125 = vector.broadcast %and3A_124 : i32 to vector<16xi32>
    %and3A_126 = arith.andi %get3A_117, %and3A_125 : vector<16xi32>
    %or3A_127 = arith.ori %shift_left3A_123, %and3A_126 : vector<16xi32>
    %swap3A_128 = arith.constant 0 : i32
    %swap3A_129 = arith.index_cast %swap3A_128 : i32 to index
    %swap3A_130 = arith.constant 80 : index
    %swap3A_131 = tpu.vector_load %arg5[%swap3A_129, %swap3A_130] {strides = array<i32>} : memref<4x128xi32, #tpu.memory_space<vmem>>, vector<1x16xi32>,
    %swap3A_132 = vector.shape_cast %swap3A_131 : vector<1x16xi32> to vector<16xi32>
    %swap3A_133 = vector.shape_cast %or3A_127 : vector<16xi32> to vector<1x16xi32>
    tpu.vector_store %arg5[%swap3A_129, %swap3A_130], %swap3A_133 {strides = array<i32>} : memref<4x128xi32, #tpu.memory_space<vmem>>, vector<1x16xi32>,
    %get3A_134 = arith.constant 0 : i32
    %get3A_135 = arith.index_cast %get3A_134 : i32 to index
    %get3A_136 = arith.constant 96 : index
    %get3A_137 = tpu.vector_load %arg5[%get3A_135, %get3A_136] {strides = array<i32>} : memref<4x128xi32, #tpu.memory_space<vmem>>, vector<1x16xi32>,
    %get3A_138 = vector.shape_cast %get3A_137 : vector<1x16xi32> to vector<16xi32>
    %shift_right_arithmetic3A_139 = arith.constant 16 : i32
    %shift_right_arithmetic3A_140 = vector.broadcast %shift_right_arithmetic3A_139 : i32 to vector<16xi32>
    %shift_right_arithmetic3A_141 = arith.shrsi %get3A_138, %shift_right_arithmetic3A_140 : vector<16xi32>
    %shift_left3A_142 = arith.constant 13 : i32
    %shift_left3A_143 = vector.broadcast %shift_left3A_142 : i32 to vector<16xi32>
    %shift_left3A_144 = arith.shli %shift_right_arithmetic3A_141, %shift_left3A_143 : vector<16xi32>
    %and3A_145 = arith.constant 8191 : i32
    %and3A_146 = vector.broadcast %and3A_145 : i32 to vector<16xi32>
    %and3A_147 = arith.andi %get3A_138, %and3A_146 : vector<16xi32>
    %or3A_148 = arith.ori %shift_left3A_144, %and3A_147 : vector<16xi32>
    %swap3A_149 = arith.constant 0 : i32
    %swap3A_150 = arith.index_cast %swap3A_149 : i32 to index
    %swap3A_151 = arith.constant 96 : index
    %swap3A_152 = tpu.vector_load %arg5[%swap3A_150, %swap3A_151] {strides = array<i32>} : memref<4x128xi32, #tpu.memory_space<vmem>>, vector<1x16xi32>,
    %swap3A_153 = vector.shape_cast %swap3A_152 : vector<1x16xi32> to vector<16xi32>
    %swap3A_154 = vector.shape_cast %or3A_148 : vector<16xi32> to vector<1x16xi32>
    tpu.vector_store %arg5[%swap3A_150, %swap3A_151], %swap3A_154 {strides = array<i32>} : memref<4x128xi32, #tpu.memory_space<vmem>>, vector<1x16xi32>,
    %get3A_155 = arith.constant 0 : i32
    %get3A_156 = arith.index_cast %get3A_155 : i32 to index
    %get3A_157 = arith.constant 112 : index
    %get3A_158 = tpu.vector_load %arg5[%get3A_156, %get3A_157] {strides = array<i32>} : memref<4x128xi32, #tpu.memory_space<vmem>>, vector<1x16xi32>,
    %get3A_159 = vector.shape_cast %get3A_158 : vector<1x16xi32> to vector<16xi32>
    %shift_right_arithmetic3A_160 = arith.constant 16 : i32
    %shift_right_arithmetic3A_161 = vector.broadcast %shift_right_arithmetic3A_160 : i32 to vector<16xi32>
    %shift_right_arithmetic3A_162 = arith.shrsi %get3A_159, %shift_right_arithmetic3A_161 : vector<16xi32>
    %shift_left3A_163 = arith.constant 13 : i32
    %shift_left3A_164 = vector.broadcast %shift_left3A_163 : i32 to vector<16xi32>
    %shift_left3A_165 = arith.shli %shift_right_arithmetic3A_162, %shift_left3A_164 : vector<16xi32>
    %and3A_166 = arith.constant 8191 : i32
    %and3A_167 = vector.broadcast %and3A_166 : i32 to vector<16xi32>
    %and3A_168 = arith.andi %get3A_159, %and3A_167 : vector<16xi32>
    %or3A_169 = arith.ori %shift_left3A_165, %and3A_168 : vector<16xi32>
    %swap3A_170 = arith.constant 0 : i32
    %swap3A_171 = arith.index_cast %swap3A_170 : i32 to index
    %swap3A_172 = arith.constant 112 : index
    %swap3A_173 = tpu.vector_load %arg5[%swap3A_171, %swap3A_172] {strides = array<i32>} : memref<4x128xi32, #tpu.memory_space<vmem>>, vector<1x16xi32>,
    %swap3A_174 = vector.shape_cast %swap3A_173 : vector<1x16xi32> to vector<16xi32>
    %swap3A_175 = vector.shape_cast %or3A_169 : vector<16xi32> to vector<1x16xi32>
    tpu.vector_store %arg5[%swap3A_171, %swap3A_172], %swap3A_175 {strides = array<i32>} : memref<4x128xi32, #tpu.memory_space<vmem>>, vector<1x16xi32>,
    %get3A_176 = arith.constant 1 : i32
    %get3A_177 = arith.index_cast %get3A_176 : i32 to index
    %get3A_178 = arith.constant 0 : index
    %get3A_179 = tpu.vector_load %arg5[%get3A_177, %get3A_178] {strides = array<i32>} : memref<4x128xi32, #tpu.memory_space<vmem>>, vector<1x16xi32>,
    %get3A_180 = vector.shape_cast %get3A_179 : vector<1x16xi32> to vector<16xi32>
    %shift_right_arithmetic3A_181 = arith.constant 16 : i32
    %shift_right_arithmetic3A_182 = vector.broadcast %shift_right_arithmetic3A_181 : i32 to vector<16xi32>
    %shift_right_arithmetic3A_183 = arith.shrsi %get3A_180, %shift_right_arithmetic3A_182 : vector<16xi32>
    %shift_left3A_184 = arith.constant 13 : i32
    %shift_left3A_185 = vector.broadcast %shift_left3A_184 : i32 to vector<16xi32>
    %shift_left3A_186 = arith.shli %shift_right_arithmetic3A_183, %shift_left3A_185 : vector<16xi32>
    %and3A_187 = arith.constant 8191 : i32
    %and3A_188 = vector.broadcast %and3A_187 : i32 to vector<16xi32>
    %and3A_189 = arith.andi %get3A_180, %and3A_188 : vector<16xi32>
    %or3A_190 = arith.ori %shift_left3A_186, %and3A_189 : vector<16xi32>
    %swap3A_191 = arith.constant 1 : i32
    %swap3A_192 = arith.index_cast %swap3A_191 : i32 to index
    %swap3A_193 = arith.constant 0 : index
    %swap3A_194 = tpu.vector_load %arg5[%swap3A_192, %swap3A_193] {strides = array<i32>} : memref<4x128xi32, #tpu.memory_space<vmem>>, vector<1x16xi32>,
    %swap3A_195 = vector.shape_cast %swap3A_194 : vector<1x16xi32> to vector<16xi32>
    %swap3A_196 = vector.shape_cast %or3A_190 : vector<16xi32> to vector<1x16xi32>
    tpu.vector_store %arg5[%swap3A_192, %swap3A_193], %swap3A_196 {strides = array<i32>} : memref<4x128xi32, #tpu.memory_space<vmem>>, vector<1x16xi32>,
    %get3A_197 = arith.constant 1 : i32
    %get3A_198 = arith.index_cast %get3A_197 : i32 to index
    %get3A_199 = arith.constant 16 : index
    %get3A_200 = tpu.vector_load %arg5[%get3A_198, %get3A_199] {strides = array<i32>} : memref<4x128xi32, #tpu.memory_space<vmem>>, vector<1x16xi32>,
    %get3A_201 = vector.shape_cast %get3A_200 : vector<1x16xi32> to vector<16xi32>
    %shift_right_arithmetic3A_202 = arith.constant 16 : i32
    %shift_right_arithmetic3A_203 = vector.broadcast %shift_right_arithmetic3A_202 : i32 to vector<16xi32>
    %shift_right_arithmetic3A_204 = arith.shrsi %get3A_201, %shift_right_arithmetic3A_203 : vector<16xi32>
    %shift_left3A_205 = arith.constant 13 : i32
    %shift_left3A_206 = vector.broadcast %shift_left3A_205 : i32 to vector<16xi32>
    %shift_left3A_207 = arith.shli %shift_right_arithmetic3A_204, %shift_left3A_206 : vector<16xi32>
    %and3A_208 = arith.constant 8191 : i32
    %and3A_209 = vector.broadcast %and3A_208 : i32 to vector<16xi32>
    %and3A_210 = arith.andi %get3A_201, %and3A_209 : vector<16xi32>
    %or3A_211 = arith.ori %shift_left3A_207, %and3A_210 : vector<16xi32>
    %swap3A_212 = arith.constant 1 : i32
    %swap3A_213 = arith.index_cast %swap3A_212 : i32 to index
    %swap3A_214 = arith.constant 16 : index
    %swap3A_215 = tpu.vector_load %arg5[%swap3A_213, %swap3A_214] {strides = array<i32>} : memref<4x128xi32, #tpu.memory_space<vmem>>, vector<1x16xi32>,
    %swap3A_216 = vector.shape_cast %swap3A_215 : vector<1x16xi32> to vector<16xi32>
    %swap3A_217 = vector.shape_cast %or3A_211 : vector<16xi32> to vector<1x16xi32>
    tpu.vector_store %arg5[%swap3A_213, %swap3A_214], %swap3A_217 {strides = array<i32>} : memref<4x128xi32, #tpu.memory_space<vmem>>, vector<1x16xi32>,
    %get3A_218 = arith.constant 1 : i32
    %get3A_219 = arith.index_cast %get3A_218 : i32 to index
    %get3A_220 = arith.constant 32 : index
    %get3A_221 = tpu.vector_load %arg5[%get3A_219, %get3A_220] {strides = array<i32>} : memref<4x128xi32, #tpu.memory_space<vmem>>, vector<1x16xi32>,
    %get3A_222 = vector.shape_cast %get3A_221 : vector<1x16xi32> to vector<16xi32>
    %shift_right_arithmetic3A_223 = arith.constant 16 : i32
    %shift_right_arithmetic3A_224 = vector.broadcast %shift_right_arithmetic3A_223 : i32 to vector<16xi32>
    %shift_right_arithmetic3A_225 = arith.shrsi %get3A_222, %shift_right_arithmetic3A_224 : vector<16xi32>
    %shift_left3A_226 = arith.constant 13 : i32
    %shift_left3A_227 = vector.broadcast %shift_left3A_226 : i32 to vector<16xi32>
    %shift_left3A_228 = arith.shli %shift_right_arithmetic3A_225, %shift_left3A_227 : vector<16xi32>
    %and3A_229 = arith.constant 8191 : i32
    %and3A_230 = vector.broadcast %and3A_229 : i32 to vector<16xi32>
    %and3A_231 = arith.andi %get3A_222, %and3A_230 : vector<16xi32>
    %or3A_232 = arith.ori %shift_left3A_228, %and3A_231 : vector<16xi32>
    %swap3A_233 = arith.constant 1 : i32
    %swap3A_234 = arith.index_cast %swap3A_233 : i32 to index
    %swap3A_235 = arith.constant 32 : index
    %swap3A_236 = tpu.vector_load %arg5[%swap3A_234, %swap3A_235] {strides = array<i32>} : memref<4x128xi32, #tpu.memory_space<vmem>>, vector<1x16xi32>,
    %swap3A_237 = vector.shape_cast %swap3A_236 : vector<1x16xi32> to vector<16xi32>
    %swap3A_238 = vector.shape_cast %or3A_232 : vector<16xi32> to vector<1x16xi32>
    tpu.vector_store %arg5[%swap3A_234, %swap3A_235], %swap3A_238 {strides = array<i32>} : memref<4x128xi32, #tpu.memory_space<vmem>>, vector<1x16xi32>,
    %get3A_239 = arith.constant 1 : i32
    %get3A_240 = arith.index_cast %get3A_239 : i32 to index
    %get3A_241 = arith.constant 48 : index
    %get3A_242 = tpu.vector_load %arg5[%get3A_240, %get3A_241] {strides = array<i32>} : memref<4x128xi32, #tpu.memory_space<vmem>>, vector<1x16xi32>,
    %get3A_243 = vector.shape_cast %get3A_242 : vector<1x16xi32> to vector<16xi32>
    %shift_right_arithmetic3A_244 = arith.constant 16 : i32
    %shift_right_arithmetic3A_245 = vector.broadcast %shift_right_arithmetic3A_244 : i32 to vector<16xi32>
    %shift_right_arithmetic3A_246 = arith.shrsi %get3A_243, %shift_right_arithmetic3A_245 : vector<16xi32>
    %shift_left3A_247 = arith.constant 13 : i32
    %shift_left3A_248 = vector.broadcast %shift_left3A_247 : i32 to vector<16xi32>
    %shift_left3A_249 = arith.shli %shift_right_arithmetic3A_246, %shift_left3A_248 : vector<16xi32>
    %and3A_250 = arith.constant 8191 : i32
    %and3A_251 = vector.broadcast %and3A_250 : i32 to vector<16xi32>
    %and3A_252 = arith.andi %get3A_243, %and3A_251 : vector<16xi32>
    %or3A_253 = arith.ori %shift_left3A_249, %and3A_252 : vector<16xi32>
    %swap3A_254 = arith.constant 1 : i32
    %swap3A_255 = arith.index_cast %swap3A_254 : i32 to index
    %swap3A_256 = arith.constant 48 : index
    %swap3A_257 = tpu.vector_load %arg5[%swap3A_255, %swap3A_256] {strides = array<i32>} : memref<4x128xi32, #tpu.memory_space<vmem>>, vector<1x16xi32>,
    %swap3A_258 = vector.shape_cast %swap3A_257 : vector<1x16xi32> to vector<16xi32>
    %swap3A_259 = vector.shape_cast %or3A_253 : vector<16xi32> to vector<1x16xi32>
    tpu.vector_store %arg5[%swap3A_255, %swap3A_256], %swap3A_259 {strides = array<i32>} : memref<4x128xi32, #tpu.memory_space<vmem>>, vector<1x16xi32>,
    %get3A_260 = arith.constant 1 : i32
    %get3A_261 = arith.index_cast %get3A_260 : i32 to index
    %get3A_262 = arith.constant 64 : index
    %get3A_263 = tpu.vector_load %arg5[%get3A_261, %get3A_262] {strides = array<i32>} : memref<4x128xi32, #tpu.memory_space<vmem>>, vector<1x16xi32>,
    %get3A_264 = vector.shape_cast %get3A_263 : vector<1x16xi32> to vector<16xi32>
    %shift_right_arithmetic3A_265 = arith.constant 16 : i32
    %shift_right_arithmetic3A_266 = vector.broadcast %shift_right_arithmetic3A_265 : i32 to vector<16xi32>
    %shift_right_arithmetic3A_267 = arith.shrsi %get3A_264, %shift_right_arithmetic3A_266 : vector<16xi32>
    %shift_left3A_268 = arith.constant 13 : i32
    %shift_left3A_269 = vector.broadcast %shift_left3A_268 : i32 to vector<16xi32>
    %shift_left3A_270 = arith.shli %shift_right_arithmetic3A_267, %shift_left3A_269 : vector<16xi32>
    %and3A_271 = arith.constant 8191 : i32
    %and3A_272 = vector.broadcast %and3A_271 : i32 to vector<16xi32>
    %and3A_273 = arith.andi %get3A_264, %and3A_272 : vector<16xi32>
    %or3A_274 = arith.ori %shift_left3A_270, %and3A_273 : vector<16xi32>
    %swap3A_275 = arith.constant 1 : i32
    %swap3A_276 = arith.index_cast %swap3A_275 : i32 to index
    %swap3A_277 = arith.constant 64 : index
    %swap3A_278 = tpu.vector_load %arg5[%swap3A_276, %swap3A_277] {strides = array<i32>} : memref<4x128xi32, #tpu.memory_space<vmem>>, vector<1x16xi32>,
    %swap3A_279 = vector.shape_cast %swap3A_278 : vector<1x16xi32> to vector<16xi32>
    %swap3A_280 = vector.shape_cast %or3A_274 : vector<16xi32> to vector<1x16xi32>
    tpu.vector_store %arg5[%swap3A_276, %swap3A_277], %swap3A_280 {strides = array<i32>} : memref<4x128xi32, #tpu.memory_space<vmem>>, vector<1x16xi32>,
    %get3A_281 = arith.constant 1 : i32
    %get3A_282 = arith.index_cast %get3A_281 : i32 to index
    %get3A_283 = arith.constant 80 : index
    %get3A_284 = tpu.vector_load %arg5[%get3A_282, %get3A_283] {strides = array<i32>} : memref<4x128xi32, #tpu.memory_space<vmem>>, vector<1x16xi32>,
    %get3A_285 = vector.shape_cast %get3A_284 : vector<1x16xi32> to vector<16xi32>
    %shift_right_arithmetic3A_286 = arith.constant 16 : i32
    %shift_right_arithmetic3A_287 = vector.broadcast %shift_right_arithmetic3A_286 : i32 to vector<16xi32>
    %shift_right_arithmetic3A_288 = arith.shrsi %get3A_285, %shift_right_arithmetic3A_287 : vector<16xi32>
    %shift_left3A_289 = arith.constant 13 : i32
    %shift_left3A_290 = vector.broadcast %shift_left3A_289 : i32 to vector<16xi32>
    %shift_left3A_291 = arith.shli %shift_right_arithmetic3A_288, %shift_left3A_290 : vector<16xi32>
    %and3A_292 = arith.constant 8191 : i32
    %and3A_293 = vector.broadcast %and3A_292 : i32 to vector<16xi32>
    %and3A_294 = arith.andi %get3A_285, %and3A_293 : vector<16xi32>
    %or3A_295 = arith.ori %shift_left3A_291, %and3A_294 : vector<16xi32>
    %swap3A_296 = arith.constant 1 : i32
    %swap3A_297 = arith.index_cast %swap3A_296 : i32 to index
    %swap3A_298 = arith.constant 80 : index
    %swap3A_299 = tpu.vector_load %arg5[%swap3A_297, %swap3A_298] {strides = array<i32>} : memref<4x128xi32, #tpu.memory_space<vmem>>, vector<1x16xi32>,
    %swap3A_300 = vector.shape_cast %swap3A_299 : vector<1x16xi32> to vector<16xi32>
    %swap3A_301 = vector.shape_cast %or3A_295 : vector<16xi32> to vector<1x16xi32>
    tpu.vector_store %arg5[%swap3A_297, %swap3A_298], %swap3A_301 {strides = array<i32>} : memref<4x128xi32, #tpu.memory_space<vmem>>, vector<1x16xi32>,
    %get3A_302 = arith.constant 1 : i32
    %get3A_303 = arith.index_cast %get3A_302 : i32 to index
    %get3A_304 = arith.constant 96 : index
    %get3A_305 = tpu.vector_load %arg5[%get3A_303, %get3A_304] {strides = array<i32>} : memref<4x128xi32, #tpu.memory_space<vmem>>, vector<1x16xi32>,
    %get3A_306 = vector.shape_cast %get3A_305 : vector<1x16xi32> to vector<16xi32>
    %shift_right_arithmetic3A_307 = arith.constant 16 : i32
    %shift_right_arithmetic3A_308 = vector.broadcast %shift_right_arithmetic3A_307 : i32 to vector<16xi32>
    %shift_right_arithmetic3A_309 = arith.shrsi %get3A_306, %shift_right_arithmetic3A_308 : vector<16xi32>
    %shift_left3A_310 = arith.constant 13 : i32
    %shift_left3A_311 = vector.broadcast %shift_left3A_310 : i32 to vector<16xi32>
    %shift_left3A_312 = arith.shli %shift_right_arithmetic3A_309, %shift_left3A_311 : vector<16xi32>
    %and3A_313 = arith.constant 8191 : i32
    %and3A_314 = vector.broadcast %and3A_313 : i32 to vector<16xi32>
    %and3A_315 = arith.andi %get3A_306, %and3A_314 : vector<16xi32>
    %or3A_316 = arith.ori %shift_left3A_312, %and3A_315 : vector<16xi32>
    %swap3A_317 = arith.constant 1 : i32
    %swap3A_318 = arith.index_cast %swap3A_317 : i32 to index
    %swap3A_319 = arith.constant 96 : index
    %swap3A_320 = tpu.vector_load %arg5[%swap3A_318, %swap3A_319] {strides = array<i32>} : memref<4x128xi32, #tpu.memory_space<vmem>>, vector<1x16xi32>,
    %swap3A_321 = vector.shape_cast %swap3A_320 : vector<1x16xi32> to vector<16xi32>
    %swap3A_322 = vector.shape_cast %or3A_316 : vector<16xi32> to vector<1x16xi32>
    tpu.vector_store %arg5[%swap3A_318, %swap3A_319], %swap3A_322 {strides = array<i32>} : memref<4x128xi32, #tpu.memory_space<vmem>>, vector<1x16xi32>,
    %get3A_323 = arith.constant 1 : i32
    %get3A_324 = arith.index_cast %get3A_323 : i32 to index
    %get3A_325 = arith.constant 112 : index
    %get3A_326 = tpu.vector_load %arg5[%get3A_324, %get3A_325] {strides = array<i32>} : memref<4x128xi32, #tpu.memory_space<vmem>>, vector<1x16xi32>,
    %get3A_327 = vector.shape_cast %get3A_326 : vector<1x16xi32> to vector<16xi32>
    %shift_right_arithmetic3A_328 = arith.constant 16 : i32
    %shift_right_arithmetic3A_329 = vector.broadcast %shift_right_arithmetic3A_328 : i32 to vector<16xi32>
    %shift_right_arithmetic3A_330 = arith.shrsi %get3A_327, %shift_right_arithmetic3A_329 : vector<16xi32>
    %shift_left3A_331 = arith.constant 13 : i32
    %shift_left3A_332 = vector.broadcast %shift_left3A_331 : i32 to vector<16xi32>
    %shift_left3A_333 = arith.shli %shift_right_arithmetic3A_330, %shift_left3A_332 : vector<16xi32>
    %and3A_334 = arith.constant 8191 : i32
    %and3A_335 = vector.broadcast %and3A_334 : i32 to vector<16xi32>
    %and3A_336 = arith.andi %get3A_327, %and3A_335 : vector<16xi32>
    %or3A_337 = arith.ori %shift_left3A_333, %and3A_336 : vector<16xi32>
    %swap3A_338 = arith.constant 1 : i32
    %swap3A_339 = arith.index_cast %swap3A_338 : i32 to index
    %swap3A_340 = arith.constant 112 : index
    %swap3A_341 = tpu.vector_load %arg5[%swap3A_339, %swap3A_340] {strides = array<i32>} : memref<4x128xi32, #tpu.memory_space<vmem>>, vector<1x16xi32>,
    %swap3A_342 = vector.shape_cast %swap3A_341 : vector<1x16xi32> to vector<16xi32>
    %swap3A_343 = vector.shape_cast %or3A_337 : vector<16xi32> to vector<1x16xi32>
    tpu.vector_store %arg5[%swap3A_339, %swap3A_340], %swap3A_343 {strides = array<i32>} : memref<4x128xi32, #tpu.memory_space<vmem>>, vector<1x16xi32>,
    %get3A_344 = arith.constant 2 : i32
    %get3A_345 = arith.index_cast %get3A_344 : i32 to index
    %get3A_346 = arith.constant 0 : index
    %get3A_347 = tpu.vector_load %arg5[%get3A_345, %get3A_346] {strides = array<i32>} : memref<4x128xi32, #tpu.memory_space<vmem>>, vector<1x16xi32>,
    %get3A_348 = vector.shape_cast %get3A_347 : vector<1x16xi32> to vector<16xi32>
    %shift_right_arithmetic3A_349 = arith.constant 16 : i32
    %shift_right_arithmetic3A_350 = vector.broadcast %shift_right_arithmetic3A_349 : i32 to vector<16xi32>
    %shift_right_arithmetic3A_351 = arith.shrsi %get3A_348, %shift_right_arithmetic3A_350 : vector<16xi32>
    %shift_left3A_352 = arith.constant 13 : i32
    %shift_left3A_353 = vector.broadcast %shift_left3A_352 : i32 to vector<16xi32>
    %shift_left3A_354 = arith.shli %shift_right_arithmetic3A_351, %shift_left3A_353 : vector<16xi32>
    %and3A_355 = arith.constant 8191 : i32
    %and3A_356 = vector.broadcast %and3A_355 : i32 to vector<16xi32>
    %and3A_357 = arith.andi %get3A_348, %and3A_356 : vector<16xi32>
    %or3A_358 = arith.ori %shift_left3A_354, %and3A_357 : vector<16xi32>
    %swap3A_359 = arith.constant 2 : i32
    %swap3A_360 = arith.index_cast %swap3A_359 : i32 to index
    %swap3A_361 = arith.constant 0 : index
    %swap3A_362 = tpu.vector_load %arg5[%swap3A_360, %swap3A_361] {strides = array<i32>} : memref<4x128xi32, #tpu.memory_space<vmem>>, vector<1x16xi32>,
    %swap3A_363 = vector.shape_cast %swap3A_362 : vector<1x16xi32> to vector<16xi32>
    %swap3A_364 = vector.shape_cast %or3A_358 : vector<16xi32> to vector<1x16xi32>
    tpu.vector_store %arg5[%swap3A_360, %swap3A_361], %swap3A_364 {strides = array<i32>} : memref<4x128xi32, #tpu.memory_space<vmem>>, vector<1x16xi32>,
    %get3A_365 = arith.constant 2 : i32
    %get3A_366 = arith.index_cast %get3A_365 : i32 to index
    %get3A_367 = arith.constant 16 : index
    %get3A_368 = tpu.vector_load %arg5[%get3A_366, %get3A_367] {strides = array<i32>} : memref<4x128xi32, #tpu.memory_space<vmem>>, vector<1x16xi32>,
    %get3A_369 = vector.shape_cast %get3A_368 : vector<1x16xi32> to vector<16xi32>
    %shift_right_arithmetic3A_370 = arith.constant 16 : i32
    %shift_right_arithmetic3A_371 = vector.broadcast %shift_right_arithmetic3A_370 : i32 to vector<16xi32>
    %shift_right_arithmetic3A_372 = arith.shrsi %get3A_369, %shift_right_arithmetic3A_371 : vector<16xi32>
    %shift_left3A_373 = arith.constant 13 : i32
    %shift_left3A_374 = vector.broadcast %shift_left3A_373 : i32 to vector<16xi32>
    %shift_left3A_375 = arith.shli %shift_right_arithmetic3A_372, %shift_left3A_374 : vector<16xi32>
    %and3A_376 = arith.constant 8191 : i32
    %and3A_377 = vector.broadcast %and3A_376 : i32 to vector<16xi32>
    %and3A_378 = arith.andi %get3A_369, %and3A_377 : vector<16xi32>
    %or3A_379 = arith.ori %shift_left3A_375, %and3A_378 : vector<16xi32>
    %swap3A_380 = arith.constant 2 : i32
    %swap3A_381 = arith.index_cast %swap3A_380 : i32 to index
    %swap3A_382 = arith.constant 16 : index
    %swap3A_383 = tpu.vector_load %arg5[%swap3A_381, %swap3A_382] {strides = array<i32>} : memref<4x128xi32, #tpu.memory_space<vmem>>, vector<1x16xi32>,
    %swap3A_384 = vector.shape_cast %swap3A_383 : vector<1x16xi32> to vector<16xi32>
    %swap3A_385 = vector.shape_cast %or3A_379 : vector<16xi32> to vector<1x16xi32>
    tpu.vector_store %arg5[%swap3A_381, %swap3A_382], %swap3A_385 {strides = array<i32>} : memref<4x128xi32, #tpu.memory_space<vmem>>, vector<1x16xi32>,
    %get3A_386 = arith.constant 2 : i32
    %get3A_387 = arith.index_cast %get3A_386 : i32 to index
    %get3A_388 = arith.constant 32 : index
    %get3A_389 = tpu.vector_load %arg5[%get3A_387, %get3A_388] {strides = array<i32>} : memref<4x128xi32, #tpu.memory_space<vmem>>, vector<1x16xi32>,
    %get3A_390 = vector.shape_cast %get3A_389 : vector<1x16xi32> to vector<16xi32>
    %shift_right_arithmetic3A_391 = arith.constant 16 : i32
    %shift_right_arithmetic3A_392 = vector.broadcast %shift_right_arithmetic3A_391 : i32 to vector<16xi32>
    %shift_right_arithmetic3A_393 = arith.shrsi %get3A_390, %shift_right_arithmetic3A_392 : vector<16xi32>
    %shift_left3A_394 = arith.constant 13 : i32
    %shift_left3A_395 = vector.broadcast %shift_left3A_394 : i32 to vector<16xi32>
    %shift_left3A_396 = arith.shli %shift_right_arithmetic3A_393, %shift_left3A_395 : vector<16xi32>
    %and3A_397 = arith.constant 8191 : i32
    %and3A_398 = vector.broadcast %and3A_397 : i32 to vector<16xi32>
    %and3A_399 = arith.andi %get3A_390, %and3A_398 : vector<16xi32>
    %or3A_400 = arith.ori %shift_left3A_396, %and3A_399 : vector<16xi32>
    %swap3A_401 = arith.constant 2 : i32
    %swap3A_402 = arith.index_cast %swap3A_401 : i32 to index
    %swap3A_403 = arith.constant 32 : index
    %swap3A_404 = tpu.vector_load %arg5[%swap3A_402, %swap3A_403] {strides = array<i32>} : memref<4x128xi32, #tpu.memory_space<vmem>>, vector<1x16xi32>,
    %swap3A_405 = vector.shape_cast %swap3A_404 : vector<1x16xi32> to vector<16xi32>
    %swap3A_406 = vector.shape_cast %or3A_400 : vector<16xi32> to vector<1x16xi32>
    tpu.vector_store %arg5[%swap3A_402, %swap3A_403], %swap3A_406 {strides = array<i32>} : memref<4x128xi32, #tpu.memory_space<vmem>>, vector<1x16xi32>,
    %get3A_407 = arith.constant 2 : i32
    %get3A_408 = arith.index_cast %get3A_407 : i32 to index
    %get3A_409 = arith.constant 48 : index
    %get3A_410 = tpu.vector_load %arg5[%get3A_408, %get3A_409] {strides = array<i32>} : memref<4x128xi32, #tpu.memory_space<vmem>>, vector<1x16xi32>,
    %get3A_411 = vector.shape_cast %get3A_410 : vector<1x16xi32> to vector<16xi32>
    %shift_right_arithmetic3A_412 = arith.constant 16 : i32
    %shift_right_arithmetic3A_413 = vector.broadcast %shift_right_arithmetic3A_412 : i32 to vector<16xi32>
    %shift_right_arithmetic3A_414 = arith.shrsi %get3A_411, %shift_right_arithmetic3A_413 : vector<16xi32>
    %shift_left3A_415 = arith.constant 13 : i32
    %shift_left3A_416 = vector.broadcast %shift_left3A_415 : i32 to vector<16xi32>
    %shift_left3A_417 = arith.shli %shift_right_arithmetic3A_414, %shift_left3A_416 : vector<16xi32>
    %and3A_418 = arith.constant 8191 : i32
    %and3A_419 = vector.broadcast %and3A_418 : i32 to vector<16xi32>
    %and3A_420 = arith.andi %get3A_411, %and3A_419 : vector<16xi32>
    %or3A_421 = arith.ori %shift_left3A_417, %and3A_420 : vector<16xi32>
    %swap3A_422 = arith.constant 2 : i32
    %swap3A_423 = arith.index_cast %swap3A_422 : i32 to index
    %swap3A_424 = arith.constant 48 : index
    %swap3A_425 = tpu.vector_load %arg5[%swap3A_423, %swap3A_424] {strides = array<i32>} : memref<4x128xi32, #tpu.memory_space<vmem>>, vector<1x16xi32>,
    %swap3A_426 = vector.shape_cast %swap3A_425 : vector<1x16xi32> to vector<16xi32>
    %swap3A_427 = vector.shape_cast %or3A_421 : vector<16xi32> to vector<1x16xi32>
    tpu.vector_store %arg5[%swap3A_423, %swap3A_424], %swap3A_427 {strides = array<i32>} : memref<4x128xi32, #tpu.memory_space<vmem>>, vector<1x16xi32>,
    %get3A_428 = arith.constant 2 : i32
    %get3A_429 = arith.index_cast %get3A_428 : i32 to index
    %get3A_430 = arith.constant 64 : index
    %get3A_431 = tpu.vector_load %arg5[%get3A_429, %get3A_430] {strides = array<i32>} : memref<4x128xi32, #tpu.memory_space<vmem>>, vector<1x16xi32>,
    %get3A_432 = vector.shape_cast %get3A_431 : vector<1x16xi32> to vector<16xi32>
    %shift_right_arithmetic3A_433 = arith.constant 16 : i32
    %shift_right_arithmetic3A_434 = vector.broadcast %shift_right_arithmetic3A_433 : i32 to vector<16xi32>
    %shift_right_arithmetic3A_435 = arith.shrsi %get3A_432, %shift_right_arithmetic3A_434 : vector<16xi32>
    %shift_left3A_436 = arith.constant 13 : i32
    %shift_left3A_437 = vector.broadcast %shift_left3A_436 : i32 to vector<16xi32>
    %shift_left3A_438 = arith.shli %shift_right_arithmetic3A_435, %shift_left3A_437 : vector<16xi32>
    %and3A_439 = arith.constant 8191 : i32
    %and3A_440 = vector.broadcast %and3A_439 : i32 to vector<16xi32>
    %and3A_441 = arith.andi %get3A_432, %and3A_440 : vector<16xi32>
    %or3A_442 = arith.ori %shift_left3A_438, %and3A_441 : vector<16xi32>
    %swap3A_443 = arith.constant 2 : i32
    %swap3A_444 = arith.index_cast %swap3A_443 : i32 to index
    %swap3A_445 = arith.constant 64 : index
    %swap3A_446 = tpu.vector_load %arg5[%swap3A_444, %swap3A_445] {strides = array<i32>} : memref<4x128xi32, #tpu.memory_space<vmem>>, vector<1x16xi32>,
    %swap3A_447 = vector.shape_cast %swap3A_446 : vector<1x16xi32> to vector<16xi32>
    %swap3A_448 = vector.shape_cast %or3A_442 : vector<16xi32> to vector<1x16xi32>
    tpu.vector_store %arg5[%swap3A_444, %swap3A_445], %swap3A_448 {strides = array<i32>} : memref<4x128xi32, #tpu.memory_space<vmem>>, vector<1x16xi32>,
    %get3A_449 = arith.constant 2 : i32
    %get3A_450 = arith.index_cast %get3A_449 : i32 to index
    %get3A_451 = arith.constant 80 : index
    %get3A_452 = tpu.vector_load %arg5[%get3A_450, %get3A_451] {strides = array<i32>} : memref<4x128xi32, #tpu.memory_space<vmem>>, vector<1x16xi32>,
    %get3A_453 = vector.shape_cast %get3A_452 : vector<1x16xi32> to vector<16xi32>
    %shift_right_arithmetic3A_454 = arith.constant 16 : i32
    %shift_right_arithmetic3A_455 = vector.broadcast %shift_right_arithmetic3A_454 : i32 to vector<16xi32>
    %shift_right_arithmetic3A_456 = arith.shrsi %get3A_453, %shift_right_arithmetic3A_455 : vector<16xi32>
    %shift_left3A_457 = arith.constant 13 : i32
    %shift_left3A_458 = vector.broadcast %shift_left3A_457 : i32 to vector<16xi32>
    %shift_left3A_459 = arith.shli %shift_right_arithmetic3A_456, %shift_left3A_458 : vector<16xi32>
    %and3A_460 = arith.constant 8191 : i32
    %and3A_461 = vector.broadcast %and3A_460 : i32 to vector<16xi32>
    %and3A_462 = arith.andi %get3A_453, %and3A_461 : vector<16xi32>
    %or3A_463 = arith.ori %shift_left3A_459, %and3A_462 : vector<16xi32>
    %swap3A_464 = arith.constant 2 : i32
    %swap3A_465 = arith.index_cast %swap3A_464 : i32 to index
    %swap3A_466 = arith.constant 80 : index
    %swap3A_467 = tpu.vector_load %arg5[%swap3A_465, %swap3A_466] {strides = array<i32>} : memref<4x128xi32, #tpu.memory_space<vmem>>, vector<1x16xi32>,
    %swap3A_468 = vector.shape_cast %swap3A_467 : vector<1x16xi32> to vector<16xi32>
    %swap3A_469 = vector.shape_cast %or3A_463 : vector<16xi32> to vector<1x16xi32>
    tpu.vector_store %arg5[%swap3A_465, %swap3A_466], %swap3A_469 {strides = array<i32>} : memref<4x128xi32, #tpu.memory_space<vmem>>, vector<1x16xi32>,
    %get3A_470 = arith.constant 2 : i32
    %get3A_471 = arith.index_cast %get3A_470 : i32 to index
    %get3A_472 = arith.constant 96 : index
    %get3A_473 = tpu.vector_load %arg5[%get3A_471, %get3A_472] {strides = array<i32>} : memref<4x128xi32, #tpu.memory_space<vmem>>, vector<1x16xi32>,
    %get3A_474 = vector.shape_cast %get3A_473 : vector<1x16xi32> to vector<16xi32>
    %shift_right_arithmetic3A_475 = arith.constant 16 : i32
    %shift_right_arithmetic3A_476 = vector.broadcast %shift_right_arithmetic3A_475 : i32 to vector<16xi32>
    %shift_right_arithmetic3A_477 = arith.shrsi %get3A_474, %shift_right_arithmetic3A_476 : vector<16xi32>
    %shift_left3A_478 = arith.constant 13 : i32
    %shift_left3A_479 = vector.broadcast %shift_left3A_478 : i32 to vector<16xi32>
    %shift_left3A_480 = arith.shli %shift_right_arithmetic3A_477, %shift_left3A_479 : vector<16xi32>
    %and3A_481 = arith.constant 8191 : i32
    %and3A_482 = vector.broadcast %and3A_481 : i32 to vector<16xi32>
    %and3A_483 = arith.andi %get3A_474, %and3A_482 : vector<16xi32>
    %or3A_484 = arith.ori %shift_left3A_480, %and3A_483 : vector<16xi32>
    %swap3A_485 = arith.constant 2 : i32
    %swap3A_486 = arith.index_cast %swap3A_485 : i32 to index
    %swap3A_487 = arith.constant 96 : index
    %swap3A_488 = tpu.vector_load %arg5[%swap3A_486, %swap3A_487] {strides = array<i32>} : memref<4x128xi32, #tpu.memory_space<vmem>>, vector<1x16xi32>,
    %swap3A_489 = vector.shape_cast %swap3A_488 : vector<1x16xi32> to vector<16xi32>
    %swap3A_490 = vector.shape_cast %or3A_484 : vector<16xi32> to vector<1x16xi32>
    tpu.vector_store %arg5[%swap3A_486, %swap3A_487], %swap3A_490 {strides = array<i32>} : memref<4x128xi32, #tpu.memory_space<vmem>>, vector<1x16xi32>,
    %get3A_491 = arith.constant 2 : i32
    %get3A_492 = arith.index_cast %get3A_491 : i32 to index
    %get3A_493 = arith.constant 112 : index
    %get3A_494 = tpu.vector_load %arg5[%get3A_492, %get3A_493] {strides = array<i32>} : memref<4x128xi32, #tpu.memory_space<vmem>>, vector<1x16xi32>,
    %get3A_495 = vector.shape_cast %get3A_494 : vector<1x16xi32> to vector<16xi32>
    %shift_right_arithmetic3A_496 = arith.constant 16 : i32
    %shift_right_arithmetic3A_497 = vector.broadcast %shift_right_arithmetic3A_496 : i32 to vector<16xi32>
    %shift_right_arithmetic3A_498 = arith.shrsi %get3A_495, %shift_right_arithmetic3A_497 : vector<16xi32>
    %shift_left3A_499 = arith.constant 13 : i32
    %shift_left3A_500 = vector.broadcast %shift_left3A_499 : i32 to vector<16xi32>
    %shift_left3A_501 = arith.shli %shift_right_arithmetic3A_498, %shift_left3A_500 : vector<16xi32>
    %and3A_502 = arith.constant 8191 : i32
    %and3A_503 = vector.broadcast %and3A_502 : i32 to vector<16xi32>
    %and3A_504 = arith.andi %get3A_495, %and3A_503 : vector<16xi32>
    %or3A_505 = arith.ori %shift_left3A_501, %and3A_504 : vector<16xi32>
    %swap3A_506 = arith.constant 2 : i32
    %swap3A_507 = arith.index_cast %swap3A_506 : i32 to index
    %swap3A_508 = arith.constant 112 : index
    %swap3A_509 = tpu.vector_load %arg5[%swap3A_507, %swap3A_508] {strides = array<i32>} : memref<4x128xi32, #tpu.memory_space<vmem>>, vector<1x16xi32>,
    %swap3A_510 = vector.shape_cast %swap3A_509 : vector<1x16xi32> to vector<16xi32>
    %swap3A_511 = vector.shape_cast %or3A_505 : vector<16xi32> to vector<1x16xi32>
    tpu.vector_store %arg5[%swap3A_507, %swap3A_508], %swap3A_511 {strides = array<i32>} : memref<4x128xi32, #tpu.memory_space<vmem>>, vector<1x16xi32>,
    %get3A_512 = arith.constant 3 : i32
    %get3A_513 = arith.index_cast %get3A_512 : i32 to index
    %get3A_514 = arith.constant 0 : index
    %get3A_515 = tpu.vector_load %arg5[%get3A_513, %get3A_514] {strides = array<i32>} : memref<4x128xi32, #tpu.memory_space<vmem>>, vector<1x16xi32>,
    %get3A_516 = vector.shape_cast %get3A_515 : vector<1x16xi32> to vector<16xi32>
    %shift_right_arithmetic3A_517 = arith.constant 16 : i32
    %shift_right_arithmetic3A_518 = vector.broadcast %shift_right_arithmetic3A_517 : i32 to vector<16xi32>
    %shift_right_arithmetic3A_519 = arith.shrsi %get3A_516, %shift_right_arithmetic3A_518 : vector<16xi32>
    %shift_left3A_520 = arith.constant 13 : i32
    %shift_left3A_521 = vector.broadcast %shift_left3A_520 : i32 to vector<16xi32>
    %shift_left3A_522 = arith.shli %shift_right_arithmetic3A_519, %shift_left3A_521 : vector<16xi32>
    %and3A_523 = arith.constant 8191 : i32
    %and3A_524 = vector.broadcast %and3A_523 : i32 to vector<16xi32>
    %and3A_525 = arith.andi %get3A_516, %and3A_524 : vector<16xi32>
    %or3A_526 = arith.ori %shift_left3A_522, %and3A_525 : vector<16xi32>
    %swap3A_527 = arith.constant 3 : i32
    %swap3A_528 = arith.index_cast %swap3A_527 : i32 to index
    %swap3A_529 = arith.constant 0 : index
    %swap3A_530 = tpu.vector_load %arg5[%swap3A_528, %swap3A_529] {strides = array<i32>} : memref<4x128xi32, #tpu.memory_space<vmem>>, vector<1x16xi32>,
    %swap3A_531 = vector.shape_cast %swap3A_530 : vector<1x16xi32> to vector<16xi32>
    %swap3A_532 = vector.shape_cast %or3A_526 : vector<16xi32> to vector<1x16xi32>
    tpu.vector_store %arg5[%swap3A_528, %swap3A_529], %swap3A_532 {strides = array<i32>} : memref<4x128xi32, #tpu.memory_space<vmem>>, vector<1x16xi32>,
    %get3A_533 = arith.constant 3 : i32
    %get3A_534 = arith.index_cast %get3A_533 : i32 to index
    %get3A_535 = arith.constant 16 : index
    %get3A_536 = tpu.vector_load %arg5[%get3A_534, %get3A_535] {strides = array<i32>} : memref<4x128xi32, #tpu.memory_space<vmem>>, vector<1x16xi32>,
    %get3A_537 = vector.shape_cast %get3A_536 : vector<1x16xi32> to vector<16xi32>
    %shift_right_arithmetic3A_538 = arith.constant 16 : i32
    %shift_right_arithmetic3A_539 = vector.broadcast %shift_right_arithmetic3A_538 : i32 to vector<16xi32>
    %shift_right_arithmetic3A_540 = arith.shrsi %get3A_537, %shift_right_arithmetic3A_539 : vector<16xi32>
    %shift_left3A_541 = arith.constant 13 : i32
    %shift_left3A_542 = vector.broadcast %shift_left3A_541 : i32 to vector<16xi32>
    %shift_left3A_543 = arith.shli %shift_right_arithmetic3A_540, %shift_left3A_542 : vector<16xi32>
    %and3A_544 = arith.constant 8191 : i32
    %and3A_545 = vector.broadcast %and3A_544 : i32 to vector<16xi32>
    %and3A_546 = arith.andi %get3A_537, %and3A_545 : vector<16xi32>
    %or3A_547 = arith.ori %shift_left3A_543, %and3A_546 : vector<16xi32>
    %swap3A_548 = arith.constant 3 : i32
    %swap3A_549 = arith.index_cast %swap3A_548 : i32 to index
    %swap3A_550 = arith.constant 16 : index
    %swap3A_551 = tpu.vector_load %arg5[%swap3A_549, %swap3A_550] {strides = array<i32>} : memref<4x128xi32, #tpu.memory_space<vmem>>, vector<1x16xi32>,
    %swap3A_552 = vector.shape_cast %swap3A_551 : vector<1x16xi32> to vector<16xi32>
    %swap3A_553 = vector.shape_cast %or3A_547 : vector<16xi32> to vector<1x16xi32>
    tpu.vector_store %arg5[%swap3A_549, %swap3A_550], %swap3A_553 {strides = array<i32>} : memref<4x128xi32, #tpu.memory_space<vmem>>, vector<1x16xi32>,
    %get3A_554 = arith.constant 3 : i32
    %get3A_555 = arith.index_cast %get3A_554 : i32 to index
    %get3A_556 = arith.constant 32 : index
    %get3A_557 = tpu.vector_load %arg5[%get3A_555, %get3A_556] {strides = array<i32>} : memref<4x128xi32, #tpu.memory_space<vmem>>, vector<1x16xi32>,
    %get3A_558 = vector.shape_cast %get3A_557 : vector<1x16xi32> to vector<16xi32>
    %shift_right_arithmetic3A_559 = arith.constant 16 : i32
    %shift_right_arithmetic3A_560 = vector.broadcast %shift_right_arithmetic3A_559 : i32 to vector<16xi32>
    %shift_right_arithmetic3A_561 = arith.shrsi %get3A_558, %shift_right_arithmetic3A_560 : vector<16xi32>
    %shift_left3A_562 = arith.constant 13 : i32
    %shift_left3A_563 = vector.broadcast %shift_left3A_562 : i32 to vector<16xi32>
    %shift_left3A_564 = arith.shli %shift_right_arithmetic3A_561, %shift_left3A_563 : vector<16xi32>
    %and3A_565 = arith.constant 8191 : i32
    %and3A_566 = vector.broadcast %and3A_565 : i32 to vector<16xi32>
    %and3A_567 = arith.andi %get3A_558, %and3A_566 : vector<16xi32>
    %or3A_568 = arith.ori %shift_left3A_564, %and3A_567 : vector<16xi32>
    %swap3A_569 = arith.constant 3 : i32
    %swap3A_570 = arith.index_cast %swap3A_569 : i32 to index
    %swap3A_571 = arith.constant 32 : index
    %swap3A_572 = tpu.vector_load %arg5[%swap3A_570, %swap3A_571] {strides = array<i32>} : memref<4x128xi32, #tpu.memory_space<vmem>>, vector<1x16xi32>,
    %swap3A_573 = vector.shape_cast %swap3A_572 : vector<1x16xi32> to vector<16xi32>
    %swap3A_574 = vector.shape_cast %or3A_568 : vector<16xi32> to vector<1x16xi32>
    tpu.vector_store %arg5[%swap3A_570, %swap3A_571], %swap3A_574 {strides = array<i32>} : memref<4x128xi32, #tpu.memory_space<vmem>>, vector<1x16xi32>,
    %get3A_575 = arith.constant 3 : i32
    %get3A_576 = arith.index_cast %get3A_575 : i32 to index
    %get3A_577 = arith.constant 48 : index
    %get3A_578 = tpu.vector_load %arg5[%get3A_576, %get3A_577] {strides = array<i32>} : memref<4x128xi32, #tpu.memory_space<vmem>>, vector<1x16xi32>,
    %get3A_579 = vector.shape_cast %get3A_578 : vector<1x16xi32> to vector<16xi32>
    %shift_right_arithmetic3A_580 = arith.constant 16 : i32
    %shift_right_arithmetic3A_581 = vector.broadcast %shift_right_arithmetic3A_580 : i32 to vector<16xi32>
    %shift_right_arithmetic3A_582 = arith.shrsi %get3A_579, %shift_right_arithmetic3A_581 : vector<16xi32>
    %shift_left3A_583 = arith.constant 13 : i32
    %shift_left3A_584 = vector.broadcast %shift_left3A_583 : i32 to vector<16xi32>
    %shift_left3A_585 = arith.shli %shift_right_arithmetic3A_582, %shift_left3A_584 : vector<16xi32>
    %and3A_586 = arith.constant 8191 : i32
    %and3A_587 = vector.broadcast %and3A_586 : i32 to vector<16xi32>
    %and3A_588 = arith.andi %get3A_579, %and3A_587 : vector<16xi32>
    %or3A_589 = arith.ori %shift_left3A_585, %and3A_588 : vector<16xi32>
    %swap3A_590 = arith.constant 3 : i32
    %swap3A_591 = arith.index_cast %swap3A_590 : i32 to index
    %swap3A_592 = arith.constant 48 : index
    %swap3A_593 = tpu.vector_load %arg5[%swap3A_591, %swap3A_592] {strides = array<i32>} : memref<4x128xi32, #tpu.memory_space<vmem>>, vector<1x16xi32>,
    %swap3A_594 = vector.shape_cast %swap3A_593 : vector<1x16xi32> to vector<16xi32>
    %swap3A_595 = vector.shape_cast %or3A_589 : vector<16xi32> to vector<1x16xi32>
    tpu.vector_store %arg5[%swap3A_591, %swap3A_592], %swap3A_595 {strides = array<i32>} : memref<4x128xi32, #tpu.memory_space<vmem>>, vector<1x16xi32>,
    %get3A_596 = arith.constant 3 : i32
    %get3A_597 = arith.index_cast %get3A_596 : i32 to index
    %get3A_598 = arith.constant 64 : index
    %get3A_599 = tpu.vector_load %arg5[%get3A_597, %get3A_598] {strides = array<i32>} : memref<4x128xi32, #tpu.memory_space<vmem>>, vector<1x16xi32>,
    %get3A_600 = vector.shape_cast %get3A_599 : vector<1x16xi32> to vector<16xi32>
    %shift_right_arithmetic3A_601 = arith.constant 16 : i32
    %shift_right_arithmetic3A_602 = vector.broadcast %shift_right_arithmetic3A_601 : i32 to vector<16xi32>
    %shift_right_arithmetic3A_603 = arith.shrsi %get3A_600, %shift_right_arithmetic3A_602 : vector<16xi32>
    %shift_left3A_604 = arith.constant 13 : i32
    %shift_left3A_605 = vector.broadcast %shift_left3A_604 : i32 to vector<16xi32>
    %shift_left3A_606 = arith.shli %shift_right_arithmetic3A_603, %shift_left3A_605 : vector<16xi32>
    %and3A_607 = arith.constant 8191 : i32
    %and3A_608 = vector.broadcast %and3A_607 : i32 to vector<16xi32>
    %and3A_609 = arith.andi %get3A_600, %and3A_608 : vector<16xi32>
    %or3A_610 = arith.ori %shift_left3A_606, %and3A_609 : vector<16xi32>
    %swap3A_611 = arith.constant 3 : i32
    %swap3A_612 = arith.index_cast %swap3A_611 : i32 to index
    %swap3A_613 = arith.constant 64 : index
    %swap3A_614 = tpu.vector_load %arg5[%swap3A_612, %swap3A_613] {strides = array<i32>} : memref<4x128xi32, #tpu.memory_space<vmem>>, vector<1x16xi32>,
    %swap3A_615 = vector.shape_cast %swap3A_614 : vector<1x16xi32> to vector<16xi32>
    %swap3A_616 = vector.shape_cast %or3A_610 : vector<16xi32> to vector<1x16xi32>
    tpu.vector_store %arg5[%swap3A_612, %swap3A_613], %swap3A_616 {strides = array<i32>} : memref<4x128xi32, #tpu.memory_space<vmem>>, vector<1x16xi32>,
    %get3A_617 = arith.constant 3 : i32
    %get3A_618 = arith.index_cast %get3A_617 : i32 to index
    %get3A_619 = arith.constant 80 : index
    %get3A_620 = tpu.vector_load %arg5[%get3A_618, %get3A_619] {strides = array<i32>} : memref<4x128xi32, #tpu.memory_space<vmem>>, vector<1x16xi32>,
    %get3A_621 = vector.shape_cast %get3A_620 : vector<1x16xi32> to vector<16xi32>
    %shift_right_arithmetic3A_622 = arith.constant 16 : i32
    %shift_right_arithmetic3A_623 = vector.broadcast %shift_right_arithmetic3A_622 : i32 to vector<16xi32>
    %shift_right_arithmetic3A_624 = arith.shrsi %get3A_621, %shift_right_arithmetic3A_623 : vector<16xi32>
    %shift_left3A_625 = arith.constant 13 : i32
    %shift_left3A_626 = vector.broadcast %shift_left3A_625 : i32 to vector<16xi32>
    %shift_left3A_627 = arith.shli %shift_right_arithmetic3A_624, %shift_left3A_626 : vector<16xi32>
    %and3A_628 = arith.constant 8191 : i32
    %and3A_629 = vector.broadcast %and3A_628 : i32 to vector<16xi32>
    %and3A_630 = arith.andi %get3A_621, %and3A_629 : vector<16xi32>
    %or3A_631 = arith.ori %shift_left3A_627, %and3A_630 : vector<16xi32>
    %swap3A_632 = arith.constant 3 : i32
    %swap3A_633 = arith.index_cast %swap3A_632 : i32 to index
    %swap3A_634 = arith.constant 80 : index
    %swap3A_635 = tpu.vector_load %arg5[%swap3A_633, %swap3A_634] {strides = array<i32>} : memref<4x128xi32, #tpu.memory_space<vmem>>, vector<1x16xi32>,
    %swap3A_636 = vector.shape_cast %swap3A_635 : vector<1x16xi32> to vector<16xi32>
    %swap3A_637 = vector.shape_cast %or3A_631 : vector<16xi32> to vector<1x16xi32>
    tpu.vector_store %arg5[%swap3A_633, %swap3A_634], %swap3A_637 {strides = array<i32>} : memref<4x128xi32, #tpu.memory_space<vmem>>, vector<1x16xi32>,
    %get3A_638 = arith.constant 3 : i32
    %get3A_639 = arith.index_cast %get3A_638 : i32 to index
    %get3A_640 = arith.constant 96 : index
    %get3A_641 = tpu.vector_load %arg5[%get3A_639, %get3A_640] {strides = array<i32>} : memref<4x128xi32, #tpu.memory_space<vmem>>, vector<1x16xi32>,
    %get3A_642 = vector.shape_cast %get3A_641 : vector<1x16xi32> to vector<16xi32>
    %shift_right_arithmetic3A_643 = arith.constant 16 : i32
    %shift_right_arithmetic3A_644 = vector.broadcast %shift_right_arithmetic3A_643 : i32 to vector<16xi32>
    %shift_right_arithmetic3A_645 = arith.shrsi %get3A_642, %shift_right_arithmetic3A_644 : vector<16xi32>
    %shift_left3A_646 = arith.constant 13 : i32
    %shift_left3A_647 = vector.broadcast %shift_left3A_646 : i32 to vector<16xi32>
    %shift_left3A_648 = arith.shli %shift_right_arithmetic3A_645, %shift_left3A_647 : vector<16xi32>
    %and3A_649 = arith.constant 8191 : i32
    %and3A_650 = vector.broadcast %and3A_649 : i32 to vector<16xi32>
    %and3A_651 = arith.andi %get3A_642, %and3A_650 : vector<16xi32>
    %or3A_652 = arith.ori %shift_left3A_648, %and3A_651 : vector<16xi32>
    %swap3A_653 = arith.constant 3 : i32
    %swap3A_654 = arith.index_cast %swap3A_653 : i32 to index
    %swap3A_655 = arith.constant 96 : index
    %swap3A_656 = tpu.vector_load %arg5[%swap3A_654, %swap3A_655] {strides = array<i32>} : memref<4x128xi32, #tpu.memory_space<vmem>>, vector<1x16xi32>,
    %swap3A_657 = vector.shape_cast %swap3A_656 : vector<1x16xi32> to vector<16xi32>
    %swap3A_658 = vector.shape_cast %or3A_652 : vector<16xi32> to vector<1x16xi32>
    tpu.vector_store %arg5[%swap3A_654, %swap3A_655], %swap3A_658 {strides = array<i32>} : memref<4x128xi32, #tpu.memory_space<vmem>>, vector<1x16xi32>,
    %get3A_659 = arith.constant 3 : i32
    %get3A_660 = arith.index_cast %get3A_659 : i32 to index
    %get3A_661 = arith.constant 112 : index
    %get3A_662 = tpu.vector_load %arg5[%get3A_660, %get3A_661] {strides = array<i32>} : memref<4x128xi32, #tpu.memory_space<vmem>>, vector<1x16xi32>,
    %get3A_663 = vector.shape_cast %get3A_662 : vector<1x16xi32> to vector<16xi32>
    %shift_right_arithmetic3A_664 = arith.constant 16 : i32
    %shift_right_arithmetic3A_665 = vector.broadcast %shift_right_arithmetic3A_664 : i32 to vector<16xi32>
    %shift_right_arithmetic3A_666 = arith.shrsi %get3A_663, %shift_right_arithmetic3A_665 : vector<16xi32>
    %shift_left3A_667 = arith.constant 13 : i32
    %shift_left3A_668 = vector.broadcast %shift_left3A_667 : i32 to vector<16xi32>
    %shift_left3A_669 = arith.shli %shift_right_arithmetic3A_666, %shift_left3A_668 : vector<16xi32>
    %and3A_670 = arith.constant 8191 : i32
    %and3A_671 = vector.broadcast %and3A_670 : i32 to vector<16xi32>
    %and3A_672 = arith.andi %get3A_663, %and3A_671 : vector<16xi32>
    %or3A_673 = arith.ori %shift_left3A_669, %and3A_672 : vector<16xi32>
    %swap3A_674 = arith.constant 3 : i32
    %swap3A_675 = arith.index_cast %swap3A_674 : i32 to index
    %swap3A_676 = arith.constant 112 : index
    %swap3A_677 = tpu.vector_load %arg5[%swap3A_675, %swap3A_676] {strides = array<i32>} : memref<4x128xi32, #tpu.memory_space<vmem>>, vector<1x16xi32>,
    %swap3A_678 = vector.shape_cast %swap3A_677 : vector<1x16xi32> to vector<16xi32>
    %swap3A_679 = vector.shape_cast %or3A_673 : vector<16xi32> to vector<1x16xi32>
    tpu.vector_store %arg5[%swap3A_675, %swap3A_676], %swap3A_679 {strides = array<i32>} : memref<4x128xi32, #tpu.memory_space<vmem>>, vector<1x16xi32>,
    %dma_start3A = arith.constant 0 : i32
    %dma_start3A_680 = arith.constant 0 : i32
    %dma_start3A_681 = arith.constant 0 : i32
    %dma_start3A_682 = tpu.memref_slice %arg6[%dma_start3A_680, %dma_start3A_681] : memref<512x128xf32, #tpu.memory_space<vmem>> -> memref<128x128xf32, #tpu.memory_space<vmem>>
    %dma_start3A_683 = arith.constant 0 : i32
    %dma_start3A_684 = tpu.memref_slice %arg5[%dma_start3A, %dma_start3A_683] : memref<4x128xi32, #tpu.memory_space<vmem>> -> memref<1x128xi32, #tpu.memory_space<vmem>>
    %dma_start3A_685 = tpu.memref_squeeze %dma_start3A_684 : memref<1x128xi32, #tpu.memory_space<vmem>> -> memref<128xi32, #tpu.memory_space<vmem>>
    %dma_start3A_686 = arith.constant 0 : i32
    %dma_start3A_687 = arith.constant 0 : i32
    %dma_start3A_688 = tpu.memref_slice %arg2[%dma_start3A_686, %dma_start3A_687] : memref<131072x128xf32, #tpu.memory_space<hbm>> -> memref<131072x128xf32, #tpu.memory_space<hbm>>
    tpu.enqueue_indirect_dma source(%dma_start3A_688 : memref<131072x128xf32, #tpu.memory_space<hbm>>) target(%dma_start3A_682 : memref<128x128xf32, #tpu.memory_space<vmem>>) offsets(%dma_start3A_685 : memref<128xi32, #tpu.memory_space<vmem>>) semaphore(%arg7 : memref<!tpu.dma_semaphore, #tpu.memory_space<semaphore_mem>>)
    %dma_start3A_689 = arith.constant 1 : i32
    %dma_start3A_690 = arith.constant 128 : i32
    %dma_start3A_691 = arith.constant 0 : i32
    %dma_start3A_692 = tpu.memref_slice %arg6[%dma_start3A_690, %dma_start3A_691] : memref<512x128xf32, #tpu.memory_space<vmem>> -> memref<128x128xf32, #tpu.memory_space<vmem>>
    %dma_start3A_693 = arith.constant 0 : i32
    %dma_start3A_694 = tpu.memref_slice %arg5[%dma_start3A_689, %dma_start3A_693] : memref<4x128xi32, #tpu.memory_space<vmem>> -> memref<1x128xi32, #tpu.memory_space<vmem>>
    %dma_start3A_695 = tpu.memref_squeeze %dma_start3A_694 : memref<1x128xi32, #tpu.memory_space<vmem>> -> memref<128xi32, #tpu.memory_space<vmem>>
    %dma_start3A_696 = arith.constant 0 : i32
    %dma_start3A_697 = arith.constant 0 : i32
    %dma_start3A_698 = tpu.memref_slice %arg2[%dma_start3A_696, %dma_start3A_697] : memref<131072x128xf32, #tpu.memory_space<hbm>> -> memref<131072x128xf32, #tpu.memory_space<hbm>>
    tpu.enqueue_indirect_dma source(%dma_start3A_698 : memref<131072x128xf32, #tpu.memory_space<hbm>>) target(%dma_start3A_692 : memref<128x128xf32, #tpu.memory_space<vmem>>) offsets(%dma_start3A_695 : memref<128xi32, #tpu.memory_space<vmem>>) semaphore(%arg7 : memref<!tpu.dma_semaphore, #tpu.memory_space<semaphore_mem>>)
    %dma_start3A_699 = arith.constant 2 : i32
    %dma_start3A_700 = arith.constant 256 : i32
    %dma_start3A_701 = arith.constant 0 : i32
    %dma_start3A_702 = tpu.memref_slice %arg6[%dma_start3A_700, %dma_start3A_701] : memref<512x128xf32, #tpu.memory_space<vmem>> -> memref<128x128xf32, #tpu.memory_space<vmem>>
    %dma_start3A_703 = arith.constant 0 : i32
    %dma_start3A_704 = tpu.memref_slice %arg5[%dma_start3A_699, %dma_start3A_703] : memref<4x128xi32, #tpu.memory_space<vmem>> -> memref<1x128xi32, #tpu.memory_space<vmem>>
    %dma_start3A_705 = tpu.memref_squeeze %dma_start3A_704 : memref<1x128xi32, #tpu.memory_space<vmem>> -> memref<128xi32, #tpu.memory_space<vmem>>
    %dma_start3A_706 = arith.constant 0 : i32
    %dma_start3A_707 = arith.constant 0 : i32
    %dma_start3A_708 = tpu.memref_slice %arg2[%dma_start3A_706, %dma_start3A_707] : memref<131072x128xf32, #tpu.memory_space<hbm>> -> memref<131072x128xf32, #tpu.memory_space<hbm>>
    tpu.enqueue_indirect_dma source(%dma_start3A_708 : memref<131072x128xf32, #tpu.memory_space<hbm>>) target(%dma_start3A_702 : memref<128x128xf32, #tpu.memory_space<vmem>>) offsets(%dma_start3A_705 : memref<128xi32, #tpu.memory_space<vmem>>) semaphore(%arg7 : memref<!tpu.dma_semaphore, #tpu.memory_space<semaphore_mem>>)
    %dma_start3A_709 = arith.constant 3 : i32
    %dma_start3A_710 = arith.constant 384 : i32
    %dma_start3A_711 = arith.constant 0 : i32
    %dma_start3A_712 = tpu.memref_slice %arg6[%dma_start3A_710, %dma_start3A_711] : memref<512x128xf32, #tpu.memory_space<vmem>> -> memref<128x128xf32, #tpu.memory_space<vmem>>
    %dma_start3A_713 = arith.constant 0 : i32
    %dma_start3A_714 = tpu.memref_slice %arg5[%dma_start3A_709, %dma_start3A_713] : memref<4x128xi32, #tpu.memory_space<vmem>> -> memref<1x128xi32, #tpu.memory_space<vmem>>
    %dma_start3A_715 = tpu.memref_squeeze %dma_start3A_714 : memref<1x128xi32, #tpu.memory_space<vmem>> -> memref<128xi32, #tpu.memory_space<vmem>>
    %dma_start3A_716 = arith.constant 0 : i32
    %dma_start3A_717 = arith.constant 0 : i32
    %dma_start3A_718 = tpu.memref_slice %arg2[%dma_start3A_716, %dma_start3A_717] : memref<131072x128xf32, #tpu.memory_space<hbm>> -> memref<131072x128xf32, #tpu.memory_space<hbm>>
    tpu.enqueue_indirect_dma source(%dma_start3A_718 : memref<131072x128xf32, #tpu.memory_space<hbm>>) target(%dma_start3A_712 : memref<128x128xf32, #tpu.memory_space<vmem>>) offsets(%dma_start3A_715 : memref<128xi32, #tpu.memory_space<vmem>>) semaphore(%arg7 : memref<!tpu.dma_semaphore, #tpu.memory_space<semaphore_mem>>)
    %dma_wait3A = arith.constant 0 : i32
    %dma_wait3A_719 = arith.constant 0 : i32
    %dma_wait3A_720 = arith.constant 0 : i32
    %dma_wait3A_721 = tpu.memref_slice %arg6[%dma_wait3A_719, %dma_wait3A_720] : memref<512x128xf32, #tpu.memory_space<vmem>> -> memref<128x128xf32, #tpu.memory_space<vmem>>
    %dma_wait3A_722 = arith.constant 0 : i32
    %dma_wait3A_723 = tpu.memref_slice %arg5[%dma_wait3A, %dma_wait3A_722] : memref<4x128xi32, #tpu.memory_space<vmem>> -> memref<1x128xi32, #tpu.memory_space<vmem>>
    %dma_wait3A_724 = tpu.memref_squeeze %dma_wait3A_723 : memref<1x128xi32, #tpu.memory_space<vmem>> -> memref<128xi32, #tpu.memory_space<vmem>>
    %dma_wait3A_725 = arith.constant 0 : i32
    %dma_wait3A_726 = arith.constant 0 : i32
    %dma_wait3A_727 = tpu.memref_slice %arg2[%dma_wait3A_725, %dma_wait3A_726] : memref<131072x128xf32, #tpu.memory_space<hbm>> -> memref<131072x128xf32, #tpu.memory_space<hbm>>
    tpu.wait_indirect_dma semaphore(%arg7 : memref<!tpu.dma_semaphore, #tpu.memory_space<semaphore_mem>>) src(%dma_wait3A_727 : memref<131072x128xf32, #tpu.memory_space<hbm>>) dst(%dma_wait3A_721 : memref<128x128xf32, #tpu.memory_space<vmem>>)
    %dma_wait3A_728 = arith.constant 1 : i32
    %dma_wait3A_729 = arith.constant 128 : i32
    %dma_wait3A_730 = arith.constant 0 : i32
    %dma_wait3A_731 = tpu.memref_slice %arg6[%dma_wait3A_729, %dma_wait3A_730] : memref<512x128xf32, #tpu.memory_space<vmem>> -> memref<128x128xf32, #tpu.memory_space<vmem>>
    %dma_wait3A_732 = arith.constant 0 : i32
    %dma_wait3A_733 = tpu.memref_slice %arg5[%dma_wait3A_728, %dma_wait3A_732] : memref<4x128xi32, #tpu.memory_space<vmem>> -> memref<1x128xi32, #tpu.memory_space<vmem>>
    %dma_wait3A_734 = tpu.memref_squeeze %dma_wait3A_733 : memref<1x128xi32, #tpu.memory_space<vmem>> -> memref<128xi32, #tpu.memory_space<vmem>>
    %dma_wait3A_735 = arith.constant 0 : i32
    %dma_wait3A_736 = arith.constant 0 : i32
    %dma_wait3A_737 = tpu.memref_slice %arg2[%dma_wait3A_735, %dma_wait3A_736] : memref<131072x128xf32, #tpu.memory_space<hbm>> -> memref<131072x128xf32, #tpu.memory_space<hbm>>
    tpu.wait_indirect_dma semaphore(%arg7 : memref<!tpu.dma_semaphore, #tpu.memory_space<semaphore_mem>>) src(%dma_wait3A_737 : memref<131072x128xf32, #tpu.memory_space<hbm>>) dst(%dma_wait3A_731 : memref<128x128xf32, #tpu.memory_space<vmem>>)
    %dma_wait3A_738 = arith.constant 2 : i32
    %dma_wait3A_739 = arith.constant 256 : i32
    %dma_wait3A_740 = arith.constant 0 : i32
    %dma_wait3A_741 = tpu.memref_slice %arg6[%dma_wait3A_739, %dma_wait3A_740] : memref<512x128xf32, #tpu.memory_space<vmem>> -> memref<128x128xf32, #tpu.memory_space<vmem>>
    %dma_wait3A_742 = arith.constant 0 : i32
    %dma_wait3A_743 = tpu.memref_slice %arg5[%dma_wait3A_738, %dma_wait3A_742] : memref<4x128xi32, #tpu.memory_space<vmem>> -> memref<1x128xi32, #tpu.memory_space<vmem>>
    %dma_wait3A_744 = tpu.memref_squeeze %dma_wait3A_743 : memref<1x128xi32, #tpu.memory_space<vmem>> -> memref<128xi32, #tpu.memory_space<vmem>>
    %dma_wait3A_745 = arith.constant 0 : i32
    %dma_wait3A_746 = arith.constant 0 : i32
    %dma_wait3A_747 = tpu.memref_slice %arg2[%dma_wait3A_745, %dma_wait3A_746] : memref<131072x128xf32, #tpu.memory_space<hbm>> -> memref<131072x128xf32, #tpu.memory_space<hbm>>
    tpu.wait_indirect_dma semaphore(%arg7 : memref<!tpu.dma_semaphore, #tpu.memory_space<semaphore_mem>>) src(%dma_wait3A_747 : memref<131072x128xf32, #tpu.memory_space<hbm>>) dst(%dma_wait3A_741 : memref<128x128xf32, #tpu.memory_space<vmem>>)
    %dma_wait3A_748 = arith.constant 3 : i32
    %dma_wait3A_749 = arith.constant 384 : i32
    %dma_wait3A_750 = arith.constant 0 : i32
    %dma_wait3A_751 = tpu.memref_slice %arg6[%dma_wait3A_749, %dma_wait3A_750] : memref<512x128xf32, #tpu.memory_space<vmem>> -> memref<128x128xf32, #tpu.memory_space<vmem>>
    %dma_wait3A_752 = arith.constant 0 : i32
    %dma_wait3A_753 = tpu.memref_slice %arg5[%dma_wait3A_748, %dma_wait3A_752] : memref<4x128xi32, #tpu.memory_space<vmem>> -> memref<1x128xi32, #tpu.memory_space<vmem>>
    %dma_wait3A_754 = tpu.memref_squeeze %dma_wait3A_753 : memref<1x128xi32, #tpu.memory_space<vmem>> -> memref<128xi32, #tpu.memory_space<vmem>>
    %dma_wait3A_755 = arith.constant 0 : i32
    %dma_wait3A_756 = arith.constant 0 : i32
    %dma_wait3A_757 = tpu.memref_slice %arg2[%dma_wait3A_755, %dma_wait3A_756] : memref<131072x128xf32, #tpu.memory_space<hbm>> -> memref<131072x128xf32, #tpu.memory_space<hbm>>
    tpu.wait_indirect_dma semaphore(%arg7 : memref<!tpu.dma_semaphore, #tpu.memory_space<semaphore_mem>>) src(%dma_wait3A_757 : memref<131072x128xf32, #tpu.memory_space<hbm>>) dst(%dma_wait3A_751 : memref<128x128xf32, #tpu.memory_space<vmem>>)
    "tpu.region"() ({
      %run_scoped3A_758 = tpu.sem_alloc : memref<!tpu.dma_semaphore, #tpu.memory_space<semaphore_mem>>
      %dma_start3A_759 = arith.constant 0 : i32
      %dma_start3A_760 = tpu.memref_slice %arg4[%mul3A_2, %dma_start3A_759] : memref<16384x128xf32, #tpu.memory_space<hbm>> -> memref<512x128xf32, #tpu.memory_space<hbm>>
      %dma_start3A_761 = arith.constant 0 : i32
      %dma_start3A_762 = tpu.memref_slice %arg4[%mul3A_2, %dma_start3A_761] : memref<16384x128xf32, #tpu.memory_space<hbm>> -> memref<512x128xf32, #tpu.memory_space<hbm>>
      tpu.enqueue_dma source(%arg6 : memref<512x128xf32, #tpu.memory_space<vmem>>) target(%dma_start3A_762 : memref<512x128xf32, #tpu.memory_space<hbm>>) target_semaphore(%run_scoped3A_758 : memref<!tpu.dma_semaphore, #tpu.memory_space<semaphore_mem>>)
      %dma_wait3A_763 = arith.constant 0 : i32
      %dma_wait3A_764 = tpu.memref_slice %arg4[%mul3A_2, %dma_wait3A_763] : memref<16384x128xf32, #tpu.memory_space<hbm>> -> memref<512x128xf32, #tpu.memory_space<hbm>>
      %dma_wait3A_765 = arith.constant 0 : i32
      %dma_wait3A_766 = tpu.memref_slice %arg4[%mul3A_2, %dma_wait3A_765] : memref<16384x128xf32, #tpu.memory_space<hbm>> -> memref<512x128xf32, #tpu.memory_space<hbm>>
      tpu.wait_dma2 semaphore(%run_scoped3A_758 : memref<!tpu.dma_semaphore, #tpu.memory_space<semaphore_mem>>) src(%arg6 : memref<512x128xf32, #tpu.memory_space<vmem>>) dst(%dma_wait3A_766 : memref<512x128xf32, #tpu.memory_space<hbm>>)
      tpu.yield
    }) : () -> ()
    return
  }
}

#map = affine_map<(d0, d1) -> (0, 0)>
#map1 = affine_map<(d0, d1) -> (0)>
module attributes {stable_mosaic.version = 14 : i64} {
  func.func @gather_k(%arg0: i32, %arg1: i32, %arg2: memref<253952x128xf32, #tpu.memory_space<hbm>>, %arg3: memref<16384xi32, #tpu.memory_space<hbm>>, %arg4: memref<16384x128xf32, #tpu.memory_space<hbm>>, %arg5: memref<4x128xi32, #tpu.memory_space<vmem>>, %arg6: memref<512x128xf32, #tpu.memory_space<vmem>>, %arg7: memref<!tpu.dma_semaphore, #tpu.memory_space<semaphore_mem>>) attributes {dimension_semantics = [#tpu.dimension_semantics<core_parallel>, #tpu.dimension_semantics<subcore_parallel>], iteration_bounds = array<i64: 2, 16>, scalar_prefetch = 0 : i64, scratch_operands = 3 : i64, tpu.core_type = #tpu.core_type<sc_vector_subcore>, window_params = [{transform_indices = #map}, {transform_indices = #map1}, {transform_indices = #map}]} {
    %mul3A = arith.constant 2 : i32
    %mul3A_0 = arith.muli %arg1, %mul3A : i32
    %add3A = arith.addi %mul3A_0, %arg0 : i32
    %mul3A_1 = arith.constant 512 : i32
    %mul3A_2 = arith.muli %add3A, %mul3A_1 : i32
    %add3A_3 = arith.constant 0 : i32
    %add3A_4 = arith.addi %mul3A_2, %add3A_3 : i32
    %run_scoped3A = arith.constant 0 : i32
    "tpu.region"() ({
      %run_scoped3A_758 = tpu.sem_alloc : memref<!tpu.dma_semaphore, #tpu.memory_space<semaphore_mem>>
      %dma_start3A_759 = arith.constant 0 : i32
      %dma_start3A_760 = tpu.memref_slice %arg5[%run_scoped3A, %dma_start3A_759] : memref<4x128xi32, #tpu.memory_space<vmem>> -> memref<1x128xi32, #tpu.memory_space<vmem>>
      %dma_start3A_761 = tpu.memref_squeeze %dma_start3A_760 : memref<1x128xi32, #tpu.memory_space<vmem>> -> memref<128xi32, #tpu.memory_space<vmem>>
      %dma_start3A_762 = tpu.memref_slice %arg3[%add3A_4] : memref<16384xi32, #tpu.memory_space<hbm>> -> memref<128xi32, #tpu.memory_space<hbm>>
      %dma_start3A_763 = arith.constant 0 : i32
      %dma_start3A_764 = tpu.memref_slice %arg5[%run_scoped3A, %dma_start3A_763] : memref<4x128xi32, #tpu.memory_space<vmem>> -> memref<1x128xi32, #tpu.memory_space<vmem>>
      %dma_start3A_765 = tpu.memref_squeeze %dma_start3A_764 : memref<1x128xi32, #tpu.memory_space<vmem>> -> memref<128xi32, #tpu.memory_space<vmem>>
      %dma_start3A_766 = tpu.memref_slice %arg3[%add3A_4] : memref<16384xi32, #tpu.memory_space<hbm>> -> memref<128xi32, #tpu.memory_space<hbm>>
      tpu.enqueue_dma source(%dma_start3A_766 : memref<128xi32, #tpu.memory_space<hbm>>) target(%dma_start3A_765 : memref<128xi32, #tpu.memory_space<vmem>>) target_semaphore(%run_scoped3A_758 : memref<!tpu.dma_semaphore, #tpu.memory_space<semaphore_mem>>)
      %dma_wait3A_767 = arith.constant 0 : i32
      %dma_wait3A_768 = tpu.memref_slice %arg5[%run_scoped3A, %dma_wait3A_767] : memref<4x128xi32, #tpu.memory_space<vmem>> -> memref<1x128xi32, #tpu.memory_space<vmem>>
      %dma_wait3A_769 = tpu.memref_squeeze %dma_wait3A_768 : memref<1x128xi32, #tpu.memory_space<vmem>> -> memref<128xi32, #tpu.memory_space<vmem>>
      %dma_wait3A_770 = tpu.memref_slice %arg3[%add3A_4] : memref<16384xi32, #tpu.memory_space<hbm>> -> memref<128xi32, #tpu.memory_space<hbm>>
      %dma_wait3A_771 = arith.constant 0 : i32
      %dma_wait3A_772 = tpu.memref_slice %arg5[%run_scoped3A, %dma_wait3A_771] : memref<4x128xi32, #tpu.memory_space<vmem>> -> memref<1x128xi32, #tpu.memory_space<vmem>>
      %dma_wait3A_773 = tpu.memref_squeeze %dma_wait3A_772 : memref<1x128xi32, #tpu.memory_space<vmem>> -> memref<128xi32, #tpu.memory_space<vmem>>
      %dma_wait3A_774 = tpu.memref_slice %arg3[%add3A_4] : memref<16384xi32, #tpu.memory_space<hbm>> -> memref<128xi32, #tpu.memory_space<hbm>>
      tpu.wait_dma2 semaphore(%run_scoped3A_758 : memref<!tpu.dma_semaphore, #tpu.memory_space<semaphore_mem>>) src(%dma_wait3A_774 : memref<128xi32, #tpu.memory_space<hbm>>) dst(%dma_wait3A_773 : memref<128xi32, #tpu.memory_space<vmem>>)
      tpu.yield
    }) : () -> ()
    %add3A_5 = arith.constant 128 : i32
    %add3A_6 = arith.addi %mul3A_2, %add3A_5 : i32
    %run_scoped3A_7 = arith.constant 1 : i32
    "tpu.region"() ({
      %run_scoped3A_758 = tpu.sem_alloc : memref<!tpu.dma_semaphore, #tpu.memory_space<semaphore_mem>>
      %dma_start3A_759 = arith.constant 0 : i32
      %dma_start3A_760 = tpu.memref_slice %arg5[%run_scoped3A_7, %dma_start3A_759] : memref<4x128xi32, #tpu.memory_space<vmem>> -> memref<1x128xi32, #tpu.memory_space<vmem>>
      %dma_start3A_761 = tpu.memref_squeeze %dma_start3A_760 : memref<1x128xi32, #tpu.memory_space<vmem>> -> memref<128xi32, #tpu.memory_space<vmem>>
      %dma_start3A_762 = tpu.memref_slice %arg3[%add3A_6] : memref<16384xi32, #tpu.memory_space<hbm>> -> memref<128xi32, #tpu.memory_space<hbm>>
      %dma_start3A_763 = arith.constant 0 : i32
      %dma_start3A_764 = tpu.memref_slice %arg5[%run_scoped3A_7, %dma_start3A_763] : memref<4x128xi32, #tpu.memory_space<vmem>> -> memref<1x128xi32, #tpu.memory_space<vmem>>
      %dma_start3A_765 = tpu.memref_squeeze %dma_start3A_764 : memref<1x128xi32, #tpu.memory_space<vmem>> -> memref<128xi32, #tpu.memory_space<vmem>>
      %dma_start3A_766 = tpu.memref_slice %arg3[%add3A_6] : memref<16384xi32, #tpu.memory_space<hbm>> -> memref<128xi32, #tpu.memory_space<hbm>>
      tpu.enqueue_dma source(%dma_start3A_766 : memref<128xi32, #tpu.memory_space<hbm>>) target(%dma_start3A_765 : memref<128xi32, #tpu.memory_space<vmem>>) target_semaphore(%run_scoped3A_758 : memref<!tpu.dma_semaphore, #tpu.memory_space<semaphore_mem>>)
      %dma_wait3A_767 = arith.constant 0 : i32
      %dma_wait3A_768 = tpu.memref_slice %arg5[%run_scoped3A_7, %dma_wait3A_767] : memref<4x128xi32, #tpu.memory_space<vmem>> -> memref<1x128xi32, #tpu.memory_space<vmem>>
      %dma_wait3A_769 = tpu.memref_squeeze %dma_wait3A_768 : memref<1x128xi32, #tpu.memory_space<vmem>> -> memref<128xi32, #tpu.memory_space<vmem>>
      %dma_wait3A_770 = tpu.memref_slice %arg3[%add3A_6] : memref<16384xi32, #tpu.memory_space<hbm>> -> memref<128xi32, #tpu.memory_space<hbm>>
      %dma_wait3A_771 = arith.constant 0 : i32
      %dma_wait3A_772 = tpu.memref_slice %arg5[%run_scoped3A_7, %dma_wait3A_771] : memref<4x128xi32, #tpu.memory_space<vmem>> -> memref<1x128xi32, #tpu.memory_space<vmem>>
      %dma_wait3A_773 = tpu.memref_squeeze %dma_wait3A_772 : memref<1x128xi32, #tpu.memory_space<vmem>> -> memref<128xi32, #tpu.memory_space<vmem>>
      %dma_wait3A_774 = tpu.memref_slice %arg3[%add3A_6] : memref<16384xi32, #tpu.memory_space<hbm>> -> memref<128xi32, #tpu.memory_space<hbm>>
      tpu.wait_dma2 semaphore(%run_scoped3A_758 : memref<!tpu.dma_semaphore, #tpu.memory_space<semaphore_mem>>) src(%dma_wait3A_774 : memref<128xi32, #tpu.memory_space<hbm>>) dst(%dma_wait3A_773 : memref<128xi32, #tpu.memory_space<vmem>>)
      tpu.yield
    }) : () -> ()
    %add3A_8 = arith.constant 256 : i32
    %add3A_9 = arith.addi %mul3A_2, %add3A_8 : i32
    %run_scoped3A_10 = arith.constant 2 : i32
    "tpu.region"() ({
      %run_scoped3A_758 = tpu.sem_alloc : memref<!tpu.dma_semaphore, #tpu.memory_space<semaphore_mem>>
      %dma_start3A_759 = arith.constant 0 : i32
      %dma_start3A_760 = tpu.memref_slice %arg5[%run_scoped3A_10, %dma_start3A_759] : memref<4x128xi32, #tpu.memory_space<vmem>> -> memref<1x128xi32, #tpu.memory_space<vmem>>
      %dma_start3A_761 = tpu.memref_squeeze %dma_start3A_760 : memref<1x128xi32, #tpu.memory_space<vmem>> -> memref<128xi32, #tpu.memory_space<vmem>>
      %dma_start3A_762 = tpu.memref_slice %arg3[%add3A_9] : memref<16384xi32, #tpu.memory_space<hbm>> -> memref<128xi32, #tpu.memory_space<hbm>>
      %dma_start3A_763 = arith.constant 0 : i32
      %dma_start3A_764 = tpu.memref_slice %arg5[%run_scoped3A_10, %dma_start3A_763] : memref<4x128xi32, #tpu.memory_space<vmem>> -> memref<1x128xi32, #tpu.memory_space<vmem>>
      %dma_start3A_765 = tpu.memref_squeeze %dma_start3A_764 : memref<1x128xi32, #tpu.memory_space<vmem>> -> memref<128xi32, #tpu.memory_space<vmem>>
      %dma_start3A_766 = tpu.memref_slice %arg3[%add3A_9] : memref<16384xi32, #tpu.memory_space<hbm>> -> memref<128xi32, #tpu.memory_space<hbm>>
      tpu.enqueue_dma source(%dma_start3A_766 : memref<128xi32, #tpu.memory_space<hbm>>) target(%dma_start3A_765 : memref<128xi32, #tpu.memory_space<vmem>>) target_semaphore(%run_scoped3A_758 : memref<!tpu.dma_semaphore, #tpu.memory_space<semaphore_mem>>)
      %dma_wait3A_767 = arith.constant 0 : i32
      %dma_wait3A_768 = tpu.memref_slice %arg5[%run_scoped3A_10, %dma_wait3A_767] : memref<4x128xi32, #tpu.memory_space<vmem>> -> memref<1x128xi32, #tpu.memory_space<vmem>>
      %dma_wait3A_769 = tpu.memref_squeeze %dma_wait3A_768 : memref<1x128xi32, #tpu.memory_space<vmem>> -> memref<128xi32, #tpu.memory_space<vmem>>
      %dma_wait3A_770 = tpu.memref_slice %arg3[%add3A_9] : memref<16384xi32, #tpu.memory_space<hbm>> -> memref<128xi32, #tpu.memory_space<hbm>>
      %dma_wait3A_771 = arith.constant 0 : i32
      %dma_wait3A_772 = tpu.memref_slice %arg5[%run_scoped3A_10, %dma_wait3A_771] : memref<4x128xi32, #tpu.memory_space<vmem>> -> memref<1x128xi32, #tpu.memory_space<vmem>>
      %dma_wait3A_773 = tpu.memref_squeeze %dma_wait3A_772 : memref<1x128xi32, #tpu.memory_space<vmem>> -> memref<128xi32, #tpu.memory_space<vmem>>
      %dma_wait3A_774 = tpu.memref_slice %arg3[%add3A_9] : memref<16384xi32, #tpu.memory_space<hbm>> -> memref<128xi32, #tpu.memory_space<hbm>>
      tpu.wait_dma2 semaphore(%run_scoped3A_758 : memref<!tpu.dma_semaphore, #tpu.memory_space<semaphore_mem>>) src(%dma_wait3A_774 : memref<128xi32, #tpu.memory_space<hbm>>) dst(%dma_wait3A_773 : memref<128xi32, #tpu.memory_space<vmem>>)
      tpu.yield
    }) : () -> ()
    %add3A_11 = arith.constant 384 : i32
    %add3A_12 = arith.addi %mul3A_2, %add3A_11 : i32
    %run_scoped3A_13 = arith.constant 3 : i32
    "tpu.region"() ({
      %run_scoped3A_758 = tpu.sem_alloc : memref<!tpu.dma_semaphore, #tpu.memory_space<semaphore_mem>>
      %dma_start3A_759 = arith.constant 0 : i32
      %dma_start3A_760 = tpu.memref_slice %arg5[%run_scoped3A_13, %dma_start3A_759] : memref<4x128xi32, #tpu.memory_space<vmem>> -> memref<1x128xi32, #tpu.memory_space<vmem>>
      %dma_start3A_761 = tpu.memref_squeeze %dma_start3A_760 : memref<1x128xi32, #tpu.memory_space<vmem>> -> memref<128xi32, #tpu.memory_space<vmem>>
      %dma_start3A_762 = tpu.memref_slice %arg3[%add3A_12] : memref<16384xi32, #tpu.memory_space<hbm>> -> memref<128xi32, #tpu.memory_space<hbm>>
      %dma_start3A_763 = arith.constant 0 : i32
      %dma_start3A_764 = tpu.memref_slice %arg5[%run_scoped3A_13, %dma_start3A_763] : memref<4x128xi32, #tpu.memory_space<vmem>> -> memref<1x128xi32, #tpu.memory_space<vmem>>
      %dma_start3A_765 = tpu.memref_squeeze %dma_start3A_764 : memref<1x128xi32, #tpu.memory_space<vmem>> -> memref<128xi32, #tpu.memory_space<vmem>>
      %dma_start3A_766 = tpu.memref_slice %arg3[%add3A_12] : memref<16384xi32, #tpu.memory_space<hbm>> -> memref<128xi32, #tpu.memory_space<hbm>>
      tpu.enqueue_dma source(%dma_start3A_766 : memref<128xi32, #tpu.memory_space<hbm>>) target(%dma_start3A_765 : memref<128xi32, #tpu.memory_space<vmem>>) target_semaphore(%run_scoped3A_758 : memref<!tpu.dma_semaphore, #tpu.memory_space<semaphore_mem>>)
      %dma_wait3A_767 = arith.constant 0 : i32
      %dma_wait3A_768 = tpu.memref_slice %arg5[%run_scoped3A_13, %dma_wait3A_767] : memref<4x128xi32, #tpu.memory_space<vmem>> -> memref<1x128xi32, #tpu.memory_space<vmem>>
      %dma_wait3A_769 = tpu.memref_squeeze %dma_wait3A_768 : memref<1x128xi32, #tpu.memory_space<vmem>> -> memref<128xi32, #tpu.memory_space<vmem>>
      %dma_wait3A_770 = tpu.memref_slice %arg3[%add3A_12] : memref<16384xi32, #tpu.memory_space<hbm>> -> memref<128xi32, #tpu.memory_space<hbm>>
      %dma_wait3A_771 = arith.constant 0 : i32
      %dma_wait3A_772 = tpu.memref_slice %arg5[%run_scoped3A_13, %dma_wait3A_771] : memref<4x128xi32, #tpu.memory_space<vmem>> -> memref<1x128xi32, #tpu.memory_space<vmem>>
      %dma_wait3A_773 = tpu.memref_squeeze %dma_wait3A_772 : memref<1x128xi32, #tpu.memory_space<vmem>> -> memref<128xi32, #tpu.memory_space<vmem>>
      %dma_wait3A_774 = tpu.memref_slice %arg3[%add3A_12] : memref<16384xi32, #tpu.memory_space<hbm>> -> memref<128xi32, #tpu.memory_space<hbm>>
      tpu.wait_dma2 semaphore(%run_scoped3A_758 : memref<!tpu.dma_semaphore, #tpu.memory_space<semaphore_mem>>) src(%dma_wait3A_774 : memref<128xi32, #tpu.memory_space<hbm>>) dst(%dma_wait3A_773 : memref<128xi32, #tpu.memory_space<vmem>>)
      tpu.yield
    }) : () -> ()
    %get3A = arith.constant 0 : i32
    %get3A_14 = arith.index_cast %get3A : i32 to index
    %get3A_15 = arith.constant 0 : index
    %get3A_16 = tpu.vector_load %arg5[%get3A_14, %get3A_15] {strides = array<i32>} : memref<4x128xi32, #tpu.memory_space<vmem>>, vector<1x16xi32>,
    %get3A_17 = vector.shape_cast %get3A_16 : vector<1x16xi32> to vector<16xi32>
    %shift_right_arithmetic3A = arith.constant 15 : i32
    %shift_right_arithmetic3A_18 = vector.broadcast %shift_right_arithmetic3A : i32 to vector<16xi32>
    %shift_right_arithmetic3A_19 = arith.shrsi %get3A_17, %shift_right_arithmetic3A_18 : vector<16xi32>
    %shift_left3A = arith.constant 13 : i32
    %shift_left3A_20 = vector.broadcast %shift_left3A : i32 to vector<16xi32>
    %shift_left3A_21 = arith.shli %shift_right_arithmetic3A_19, %shift_left3A_20 : vector<16xi32>
    %and3A = arith.constant 8191 : i32
    %and3A_22 = vector.broadcast %and3A : i32 to vector<16xi32>
    %and3A_23 = arith.andi %get3A_17, %and3A_22 : vector<16xi32>
    %or3A = arith.ori %shift_left3A_21, %and3A_23 : vector<16xi32>
    %swap3A = arith.constant 0 : i32
    %swap3A_24 = arith.index_cast %swap3A : i32 to index
    %swap3A_25 = arith.constant 0 : index
    %swap3A_26 = tpu.vector_load %arg5[%swap3A_24, %swap3A_25] {strides = array<i32>} : memref<4x128xi32, #tpu.memory_space<vmem>>, vector<1x16xi32>,
    %swap3A_27 = vector.shape_cast %swap3A_26 : vector<1x16xi32> to vector<16xi32>
    %swap3A_28 = vector.shape_cast %or3A : vector<16xi32> to vector<1x16xi32>
    tpu.vector_store %arg5[%swap3A_24, %swap3A_25], %swap3A_28 {strides = array<i32>} : memref<4x128xi32, #tpu.memory_space<vmem>>, vector<1x16xi32>,
    %get3A_29 = arith.constant 0 : i32
    %get3A_30 = arith.index_cast %get3A_29 : i32 to index
    %get3A_31 = arith.constant 16 : index
    %get3A_32 = tpu.vector_load %arg5[%get3A_30, %get3A_31] {strides = array<i32>} : memref<4x128xi32, #tpu.memory_space<vmem>>, vector<1x16xi32>,
    %get3A_33 = vector.shape_cast %get3A_32 : vector<1x16xi32> to vector<16xi32>
    %shift_right_arithmetic3A_34 = arith.constant 15 : i32
    %shift_right_arithmetic3A_35 = vector.broadcast %shift_right_arithmetic3A_34 : i32 to vector<16xi32>
    %shift_right_arithmetic3A_36 = arith.shrsi %get3A_33, %shift_right_arithmetic3A_35 : vector<16xi32>
    %shift_left3A_37 = arith.constant 13 : i32
    %shift_left3A_38 = vector.broadcast %shift_left3A_37 : i32 to vector<16xi32>
    %shift_left3A_39 = arith.shli %shift_right_arithmetic3A_36, %shift_left3A_38 : vector<16xi32>
    %and3A_40 = arith.constant 8191 : i32
    %and3A_41 = vector.broadcast %and3A_40 : i32 to vector<16xi32>
    %and3A_42 = arith.andi %get3A_33, %and3A_41 : vector<16xi32>
    %or3A_43 = arith.ori %shift_left3A_39, %and3A_42 : vector<16xi32>
    %swap3A_44 = arith.constant 0 : i32
    %swap3A_45 = arith.index_cast %swap3A_44 : i32 to index
    %swap3A_46 = arith.constant 16 : index
    %swap3A_47 = tpu.vector_load %arg5[%swap3A_45, %swap3A_46] {strides = array<i32>} : memref<4x128xi32, #tpu.memory_space<vmem>>, vector<1x16xi32>,
    %swap3A_48 = vector.shape_cast %swap3A_47 : vector<1x16xi32> to vector<16xi32>
    %swap3A_49 = vector.shape_cast %or3A_43 : vector<16xi32> to vector<1x16xi32>
    tpu.vector_store %arg5[%swap3A_45, %swap3A_46], %swap3A_49 {strides = array<i32>} : memref<4x128xi32, #tpu.memory_space<vmem>>, vector<1x16xi32>,
    %get3A_50 = arith.constant 0 : i32
    %get3A_51 = arith.index_cast %get3A_50 : i32 to index
    %get3A_52 = arith.constant 32 : index
    %get3A_53 = tpu.vector_load %arg5[%get3A_51, %get3A_52] {strides = array<i32>} : memref<4x128xi32, #tpu.memory_space<vmem>>, vector<1x16xi32>,
    %get3A_54 = vector.shape_cast %get3A_53 : vector<1x16xi32> to vector<16xi32>
    %shift_right_arithmetic3A_55 = arith.constant 15 : i32
    %shift_right_arithmetic3A_56 = vector.broadcast %shift_right_arithmetic3A_55 : i32 to vector<16xi32>
    %shift_right_arithmetic3A_57 = arith.shrsi %get3A_54, %shift_right_arithmetic3A_56 : vector<16xi32>
    %shift_left3A_58 = arith.constant 13 : i32
    %shift_left3A_59 = vector.broadcast %shift_left3A_58 : i32 to vector<16xi32>
    %shift_left3A_60 = arith.shli %shift_right_arithmetic3A_57, %shift_left3A_59 : vector<16xi32>
    %and3A_61 = arith.constant 8191 : i32
    %and3A_62 = vector.broadcast %and3A_61 : i32 to vector<16xi32>
    %and3A_63 = arith.andi %get3A_54, %and3A_62 : vector<16xi32>
    %or3A_64 = arith.ori %shift_left3A_60, %and3A_63 : vector<16xi32>
    %swap3A_65 = arith.constant 0 : i32
    %swap3A_66 = arith.index_cast %swap3A_65 : i32 to index
    %swap3A_67 = arith.constant 32 : index
    %swap3A_68 = tpu.vector_load %arg5[%swap3A_66, %swap3A_67] {strides = array<i32>} : memref<4x128xi32, #tpu.memory_space<vmem>>, vector<1x16xi32>,
    %swap3A_69 = vector.shape_cast %swap3A_68 : vector<1x16xi32> to vector<16xi32>
    %swap3A_70 = vector.shape_cast %or3A_64 : vector<16xi32> to vector<1x16xi32>
    tpu.vector_store %arg5[%swap3A_66, %swap3A_67], %swap3A_70 {strides = array<i32>} : memref<4x128xi32, #tpu.memory_space<vmem>>, vector<1x16xi32>,
    %get3A_71 = arith.constant 0 : i32
    %get3A_72 = arith.index_cast %get3A_71 : i32 to index
    %get3A_73 = arith.constant 48 : index
    %get3A_74 = tpu.vector_load %arg5[%get3A_72, %get3A_73] {strides = array<i32>} : memref<4x128xi32, #tpu.memory_space<vmem>>, vector<1x16xi32>,
    %get3A_75 = vector.shape_cast %get3A_74 : vector<1x16xi32> to vector<16xi32>
    %shift_right_arithmetic3A_76 = arith.constant 15 : i32
    %shift_right_arithmetic3A_77 = vector.broadcast %shift_right_arithmetic3A_76 : i32 to vector<16xi32>
    %shift_right_arithmetic3A_78 = arith.shrsi %get3A_75, %shift_right_arithmetic3A_77 : vector<16xi32>
    %shift_left3A_79 = arith.constant 13 : i32
    %shift_left3A_80 = vector.broadcast %shift_left3A_79 : i32 to vector<16xi32>
    %shift_left3A_81 = arith.shli %shift_right_arithmetic3A_78, %shift_left3A_80 : vector<16xi32>
    %and3A_82 = arith.constant 8191 : i32
    %and3A_83 = vector.broadcast %and3A_82 : i32 to vector<16xi32>
    %and3A_84 = arith.andi %get3A_75, %and3A_83 : vector<16xi32>
    %or3A_85 = arith.ori %shift_left3A_81, %and3A_84 : vector<16xi32>
    %swap3A_86 = arith.constant 0 : i32
    %swap3A_87 = arith.index_cast %swap3A_86 : i32 to index
    %swap3A_88 = arith.constant 48 : index
    %swap3A_89 = tpu.vector_load %arg5[%swap3A_87, %swap3A_88] {strides = array<i32>} : memref<4x128xi32, #tpu.memory_space<vmem>>, vector<1x16xi32>,
    %swap3A_90 = vector.shape_cast %swap3A_89 : vector<1x16xi32> to vector<16xi32>
    %swap3A_91 = vector.shape_cast %or3A_85 : vector<16xi32> to vector<1x16xi32>
    tpu.vector_store %arg5[%swap3A_87, %swap3A_88], %swap3A_91 {strides = array<i32>} : memref<4x128xi32, #tpu.memory_space<vmem>>, vector<1x16xi32>,
    %get3A_92 = arith.constant 0 : i32
    %get3A_93 = arith.index_cast %get3A_92 : i32 to index
    %get3A_94 = arith.constant 64 : index
    %get3A_95 = tpu.vector_load %arg5[%get3A_93, %get3A_94] {strides = array<i32>} : memref<4x128xi32, #tpu.memory_space<vmem>>, vector<1x16xi32>,
    %get3A_96 = vector.shape_cast %get3A_95 : vector<1x16xi32> to vector<16xi32>
    %shift_right_arithmetic3A_97 = arith.constant 15 : i32
    %shift_right_arithmetic3A_98 = vector.broadcast %shift_right_arithmetic3A_97 : i32 to vector<16xi32>
    %shift_right_arithmetic3A_99 = arith.shrsi %get3A_96, %shift_right_arithmetic3A_98 : vector<16xi32>
    %shift_left3A_100 = arith.constant 13 : i32
    %shift_left3A_101 = vector.broadcast %shift_left3A_100 : i32 to vector<16xi32>
    %shift_left3A_102 = arith.shli %shift_right_arithmetic3A_99, %shift_left3A_101 : vector<16xi32>
    %and3A_103 = arith.constant 8191 : i32
    %and3A_104 = vector.broadcast %and3A_103 : i32 to vector<16xi32>
    %and3A_105 = arith.andi %get3A_96, %and3A_104 : vector<16xi32>
    %or3A_106 = arith.ori %shift_left3A_102, %and3A_105 : vector<16xi32>
    %swap3A_107 = arith.constant 0 : i32
    %swap3A_108 = arith.index_cast %swap3A_107 : i32 to index
    %swap3A_109 = arith.constant 64 : index
    %swap3A_110 = tpu.vector_load %arg5[%swap3A_108, %swap3A_109] {strides = array<i32>} : memref<4x128xi32, #tpu.memory_space<vmem>>, vector<1x16xi32>,
    %swap3A_111 = vector.shape_cast %swap3A_110 : vector<1x16xi32> to vector<16xi32>
    %swap3A_112 = vector.shape_cast %or3A_106 : vector<16xi32> to vector<1x16xi32>
    tpu.vector_store %arg5[%swap3A_108, %swap3A_109], %swap3A_112 {strides = array<i32>} : memref<4x128xi32, #tpu.memory_space<vmem>>, vector<1x16xi32>,
    %get3A_113 = arith.constant 0 : i32
    %get3A_114 = arith.index_cast %get3A_113 : i32 to index
    %get3A_115 = arith.constant 80 : index
    %get3A_116 = tpu.vector_load %arg5[%get3A_114, %get3A_115] {strides = array<i32>} : memref<4x128xi32, #tpu.memory_space<vmem>>, vector<1x16xi32>,
    %get3A_117 = vector.shape_cast %get3A_116 : vector<1x16xi32> to vector<16xi32>
    %shift_right_arithmetic3A_118 = arith.constant 15 : i32
    %shift_right_arithmetic3A_119 = vector.broadcast %shift_right_arithmetic3A_118 : i32 to vector<16xi32>
    %shift_right_arithmetic3A_120 = arith.shrsi %get3A_117, %shift_right_arithmetic3A_119 : vector<16xi32>
    %shift_left3A_121 = arith.constant 13 : i32
    %shift_left3A_122 = vector.broadcast %shift_left3A_121 : i32 to vector<16xi32>
    %shift_left3A_123 = arith.shli %shift_right_arithmetic3A_120, %shift_left3A_122 : vector<16xi32>
    %and3A_124 = arith.constant 8191 : i32
    %and3A_125 = vector.broadcast %and3A_124 : i32 to vector<16xi32>
    %and3A_126 = arith.andi %get3A_117, %and3A_125 : vector<16xi32>
    %or3A_127 = arith.ori %shift_left3A_123, %and3A_126 : vector<16xi32>
    %swap3A_128 = arith.constant 0 : i32
    %swap3A_129 = arith.index_cast %swap3A_128 : i32 to index
    %swap3A_130 = arith.constant 80 : index
    %swap3A_131 = tpu.vector_load %arg5[%swap3A_129, %swap3A_130] {strides = array<i32>} : memref<4x128xi32, #tpu.memory_space<vmem>>, vector<1x16xi32>,
    %swap3A_132 = vector.shape_cast %swap3A_131 : vector<1x16xi32> to vector<16xi32>
    %swap3A_133 = vector.shape_cast %or3A_127 : vector<16xi32> to vector<1x16xi32>
    tpu.vector_store %arg5[%swap3A_129, %swap3A_130], %swap3A_133 {strides = array<i32>} : memref<4x128xi32, #tpu.memory_space<vmem>>, vector<1x16xi32>,
    %get3A_134 = arith.constant 0 : i32
    %get3A_135 = arith.index_cast %get3A_134 : i32 to index
    %get3A_136 = arith.constant 96 : index
    %get3A_137 = tpu.vector_load %arg5[%get3A_135, %get3A_136] {strides = array<i32>} : memref<4x128xi32, #tpu.memory_space<vmem>>, vector<1x16xi32>,
    %get3A_138 = vector.shape_cast %get3A_137 : vector<1x16xi32> to vector<16xi32>
    %shift_right_arithmetic3A_139 = arith.constant 15 : i32
    %shift_right_arithmetic3A_140 = vector.broadcast %shift_right_arithmetic3A_139 : i32 to vector<16xi32>
    %shift_right_arithmetic3A_141 = arith.shrsi %get3A_138, %shift_right_arithmetic3A_140 : vector<16xi32>
    %shift_left3A_142 = arith.constant 13 : i32
    %shift_left3A_143 = vector.broadcast %shift_left3A_142 : i32 to vector<16xi32>
    %shift_left3A_144 = arith.shli %shift_right_arithmetic3A_141, %shift_left3A_143 : vector<16xi32>
    %and3A_145 = arith.constant 8191 : i32
    %and3A_146 = vector.broadcast %and3A_145 : i32 to vector<16xi32>
    %and3A_147 = arith.andi %get3A_138, %and3A_146 : vector<16xi32>
    %or3A_148 = arith.ori %shift_left3A_144, %and3A_147 : vector<16xi32>
    %swap3A_149 = arith.constant 0 : i32
    %swap3A_150 = arith.index_cast %swap3A_149 : i32 to index
    %swap3A_151 = arith.constant 96 : index
    %swap3A_152 = tpu.vector_load %arg5[%swap3A_150, %swap3A_151] {strides = array<i32>} : memref<4x128xi32, #tpu.memory_space<vmem>>, vector<1x16xi32>,
    %swap3A_153 = vector.shape_cast %swap3A_152 : vector<1x16xi32> to vector<16xi32>
    %swap3A_154 = vector.shape_cast %or3A_148 : vector<16xi32> to vector<1x16xi32>
    tpu.vector_store %arg5[%swap3A_150, %swap3A_151], %swap3A_154 {strides = array<i32>} : memref<4x128xi32, #tpu.memory_space<vmem>>, vector<1x16xi32>,
    %get3A_155 = arith.constant 0 : i32
    %get3A_156 = arith.index_cast %get3A_155 : i32 to index
    %get3A_157 = arith.constant 112 : index
    %get3A_158 = tpu.vector_load %arg5[%get3A_156, %get3A_157] {strides = array<i32>} : memref<4x128xi32, #tpu.memory_space<vmem>>, vector<1x16xi32>,
    %get3A_159 = vector.shape_cast %get3A_158 : vector<1x16xi32> to vector<16xi32>
    %shift_right_arithmetic3A_160 = arith.constant 15 : i32
    %shift_right_arithmetic3A_161 = vector.broadcast %shift_right_arithmetic3A_160 : i32 to vector<16xi32>
    %shift_right_arithmetic3A_162 = arith.shrsi %get3A_159, %shift_right_arithmetic3A_161 : vector<16xi32>
    %shift_left3A_163 = arith.constant 13 : i32
    %shift_left3A_164 = vector.broadcast %shift_left3A_163 : i32 to vector<16xi32>
    %shift_left3A_165 = arith.shli %shift_right_arithmetic3A_162, %shift_left3A_164 : vector<16xi32>
    %and3A_166 = arith.constant 8191 : i32
    %and3A_167 = vector.broadcast %and3A_166 : i32 to vector<16xi32>
    %and3A_168 = arith.andi %get3A_159, %and3A_167 : vector<16xi32>
    %or3A_169 = arith.ori %shift_left3A_165, %and3A_168 : vector<16xi32>
    %swap3A_170 = arith.constant 0 : i32
    %swap3A_171 = arith.index_cast %swap3A_170 : i32 to index
    %swap3A_172 = arith.constant 112 : index
    %swap3A_173 = tpu.vector_load %arg5[%swap3A_171, %swap3A_172] {strides = array<i32>} : memref<4x128xi32, #tpu.memory_space<vmem>>, vector<1x16xi32>,
    %swap3A_174 = vector.shape_cast %swap3A_173 : vector<1x16xi32> to vector<16xi32>
    %swap3A_175 = vector.shape_cast %or3A_169 : vector<16xi32> to vector<1x16xi32>
    tpu.vector_store %arg5[%swap3A_171, %swap3A_172], %swap3A_175 {strides = array<i32>} : memref<4x128xi32, #tpu.memory_space<vmem>>, vector<1x16xi32>,
    %get3A_176 = arith.constant 1 : i32
    %get3A_177 = arith.index_cast %get3A_176 : i32 to index
    %get3A_178 = arith.constant 0 : index
    %get3A_179 = tpu.vector_load %arg5[%get3A_177, %get3A_178] {strides = array<i32>} : memref<4x128xi32, #tpu.memory_space<vmem>>, vector<1x16xi32>,
    %get3A_180 = vector.shape_cast %get3A_179 : vector<1x16xi32> to vector<16xi32>
    %shift_right_arithmetic3A_181 = arith.constant 15 : i32
    %shift_right_arithmetic3A_182 = vector.broadcast %shift_right_arithmetic3A_181 : i32 to vector<16xi32>
    %shift_right_arithmetic3A_183 = arith.shrsi %get3A_180, %shift_right_arithmetic3A_182 : vector<16xi32>
    %shift_left3A_184 = arith.constant 13 : i32
    %shift_left3A_185 = vector.broadcast %shift_left3A_184 : i32 to vector<16xi32>
    %shift_left3A_186 = arith.shli %shift_right_arithmetic3A_183, %shift_left3A_185 : vector<16xi32>
    %and3A_187 = arith.constant 8191 : i32
    %and3A_188 = vector.broadcast %and3A_187 : i32 to vector<16xi32>
    %and3A_189 = arith.andi %get3A_180, %and3A_188 : vector<16xi32>
    %or3A_190 = arith.ori %shift_left3A_186, %and3A_189 : vector<16xi32>
    %swap3A_191 = arith.constant 1 : i32
    %swap3A_192 = arith.index_cast %swap3A_191 : i32 to index
    %swap3A_193 = arith.constant 0 : index
    %swap3A_194 = tpu.vector_load %arg5[%swap3A_192, %swap3A_193] {strides = array<i32>} : memref<4x128xi32, #tpu.memory_space<vmem>>, vector<1x16xi32>,
    %swap3A_195 = vector.shape_cast %swap3A_194 : vector<1x16xi32> to vector<16xi32>
    %swap3A_196 = vector.shape_cast %or3A_190 : vector<16xi32> to vector<1x16xi32>
    tpu.vector_store %arg5[%swap3A_192, %swap3A_193], %swap3A_196 {strides = array<i32>} : memref<4x128xi32, #tpu.memory_space<vmem>>, vector<1x16xi32>,
    %get3A_197 = arith.constant 1 : i32
    %get3A_198 = arith.index_cast %get3A_197 : i32 to index
    %get3A_199 = arith.constant 16 : index
    %get3A_200 = tpu.vector_load %arg5[%get3A_198, %get3A_199] {strides = array<i32>} : memref<4x128xi32, #tpu.memory_space<vmem>>, vector<1x16xi32>,
    %get3A_201 = vector.shape_cast %get3A_200 : vector<1x16xi32> to vector<16xi32>
    %shift_right_arithmetic3A_202 = arith.constant 15 : i32
    %shift_right_arithmetic3A_203 = vector.broadcast %shift_right_arithmetic3A_202 : i32 to vector<16xi32>
    %shift_right_arithmetic3A_204 = arith.shrsi %get3A_201, %shift_right_arithmetic3A_203 : vector<16xi32>
    %shift_left3A_205 = arith.constant 13 : i32
    %shift_left3A_206 = vector.broadcast %shift_left3A_205 : i32 to vector<16xi32>
    %shift_left3A_207 = arith.shli %shift_right_arithmetic3A_204, %shift_left3A_206 : vector<16xi32>
    %and3A_208 = arith.constant 8191 : i32
    %and3A_209 = vector.broadcast %and3A_208 : i32 to vector<16xi32>
    %and3A_210 = arith.andi %get3A_201, %and3A_209 : vector<16xi32>
    %or3A_211 = arith.ori %shift_left3A_207, %and3A_210 : vector<16xi32>
    %swap3A_212 = arith.constant 1 : i32
    %swap3A_213 = arith.index_cast %swap3A_212 : i32 to index
    %swap3A_214 = arith.constant 16 : index
    %swap3A_215 = tpu.vector_load %arg5[%swap3A_213, %swap3A_214] {strides = array<i32>} : memref<4x128xi32, #tpu.memory_space<vmem>>, vector<1x16xi32>,
    %swap3A_216 = vector.shape_cast %swap3A_215 : vector<1x16xi32> to vector<16xi32>
    %swap3A_217 = vector.shape_cast %or3A_211 : vector<16xi32> to vector<1x16xi32>
    tpu.vector_store %arg5[%swap3A_213, %swap3A_214], %swap3A_217 {strides = array<i32>} : memref<4x128xi32, #tpu.memory_space<vmem>>, vector<1x16xi32>,
    %get3A_218 = arith.constant 1 : i32
    %get3A_219 = arith.index_cast %get3A_218 : i32 to index
    %get3A_220 = arith.constant 32 : index
    %get3A_221 = tpu.vector_load %arg5[%get3A_219, %get3A_220] {strides = array<i32>} : memref<4x128xi32, #tpu.memory_space<vmem>>, vector<1x16xi32>,
    %get3A_222 = vector.shape_cast %get3A_221 : vector<1x16xi32> to vector<16xi32>
    %shift_right_arithmetic3A_223 = arith.constant 15 : i32
    %shift_right_arithmetic3A_224 = vector.broadcast %shift_right_arithmetic3A_223 : i32 to vector<16xi32>
    %shift_right_arithmetic3A_225 = arith.shrsi %get3A_222, %shift_right_arithmetic3A_224 : vector<16xi32>
    %shift_left3A_226 = arith.constant 13 : i32
    %shift_left3A_227 = vector.broadcast %shift_left3A_226 : i32 to vector<16xi32>
    %shift_left3A_228 = arith.shli %shift_right_arithmetic3A_225, %shift_left3A_227 : vector<16xi32>
    %and3A_229 = arith.constant 8191 : i32
    %and3A_230 = vector.broadcast %and3A_229 : i32 to vector<16xi32>
    %and3A_231 = arith.andi %get3A_222, %and3A_230 : vector<16xi32>
    %or3A_232 = arith.ori %shift_left3A_228, %and3A_231 : vector<16xi32>
    %swap3A_233 = arith.constant 1 : i32
    %swap3A_234 = arith.index_cast %swap3A_233 : i32 to index
    %swap3A_235 = arith.constant 32 : index
    %swap3A_236 = tpu.vector_load %arg5[%swap3A_234, %swap3A_235] {strides = array<i32>} : memref<4x128xi32, #tpu.memory_space<vmem>>, vector<1x16xi32>,
    %swap3A_237 = vector.shape_cast %swap3A_236 : vector<1x16xi32> to vector<16xi32>
    %swap3A_238 = vector.shape_cast %or3A_232 : vector<16xi32> to vector<1x16xi32>
    tpu.vector_store %arg5[%swap3A_234, %swap3A_235], %swap3A_238 {strides = array<i32>} : memref<4x128xi32, #tpu.memory_space<vmem>>, vector<1x16xi32>,
    %get3A_239 = arith.constant 1 : i32
    %get3A_240 = arith.index_cast %get3A_239 : i32 to index
    %get3A_241 = arith.constant 48 : index
    %get3A_242 = tpu.vector_load %arg5[%get3A_240, %get3A_241] {strides = array<i32>} : memref<4x128xi32, #tpu.memory_space<vmem>>, vector<1x16xi32>,
    %get3A_243 = vector.shape_cast %get3A_242 : vector<1x16xi32> to vector<16xi32>
    %shift_right_arithmetic3A_244 = arith.constant 15 : i32
    %shift_right_arithmetic3A_245 = vector.broadcast %shift_right_arithmetic3A_244 : i32 to vector<16xi32>
    %shift_right_arithmetic3A_246 = arith.shrsi %get3A_243, %shift_right_arithmetic3A_245 : vector<16xi32>
    %shift_left3A_247 = arith.constant 13 : i32
    %shift_left3A_248 = vector.broadcast %shift_left3A_247 : i32 to vector<16xi32>
    %shift_left3A_249 = arith.shli %shift_right_arithmetic3A_246, %shift_left3A_248 : vector<16xi32>
    %and3A_250 = arith.constant 8191 : i32
    %and3A_251 = vector.broadcast %and3A_250 : i32 to vector<16xi32>
    %and3A_252 = arith.andi %get3A_243, %and3A_251 : vector<16xi32>
    %or3A_253 = arith.ori %shift_left3A_249, %and3A_252 : vector<16xi32>
    %swap3A_254 = arith.constant 1 : i32
    %swap3A_255 = arith.index_cast %swap3A_254 : i32 to index
    %swap3A_256 = arith.constant 48 : index
    %swap3A_257 = tpu.vector_load %arg5[%swap3A_255, %swap3A_256] {strides = array<i32>} : memref<4x128xi32, #tpu.memory_space<vmem>>, vector<1x16xi32>,
    %swap3A_258 = vector.shape_cast %swap3A_257 : vector<1x16xi32> to vector<16xi32>
    %swap3A_259 = vector.shape_cast %or3A_253 : vector<16xi32> to vector<1x16xi32>
    tpu.vector_store %arg5[%swap3A_255, %swap3A_256], %swap3A_259 {strides = array<i32>} : memref<4x128xi32, #tpu.memory_space<vmem>>, vector<1x16xi32>,
    %get3A_260 = arith.constant 1 : i32
    %get3A_261 = arith.index_cast %get3A_260 : i32 to index
    %get3A_262 = arith.constant 64 : index
    %get3A_263 = tpu.vector_load %arg5[%get3A_261, %get3A_262] {strides = array<i32>} : memref<4x128xi32, #tpu.memory_space<vmem>>, vector<1x16xi32>,
    %get3A_264 = vector.shape_cast %get3A_263 : vector<1x16xi32> to vector<16xi32>
    %shift_right_arithmetic3A_265 = arith.constant 15 : i32
    %shift_right_arithmetic3A_266 = vector.broadcast %shift_right_arithmetic3A_265 : i32 to vector<16xi32>
    %shift_right_arithmetic3A_267 = arith.shrsi %get3A_264, %shift_right_arithmetic3A_266 : vector<16xi32>
    %shift_left3A_268 = arith.constant 13 : i32
    %shift_left3A_269 = vector.broadcast %shift_left3A_268 : i32 to vector<16xi32>
    %shift_left3A_270 = arith.shli %shift_right_arithmetic3A_267, %shift_left3A_269 : vector<16xi32>
    %and3A_271 = arith.constant 8191 : i32
    %and3A_272 = vector.broadcast %and3A_271 : i32 to vector<16xi32>
    %and3A_273 = arith.andi %get3A_264, %and3A_272 : vector<16xi32>
    %or3A_274 = arith.ori %shift_left3A_270, %and3A_273 : vector<16xi32>
    %swap3A_275 = arith.constant 1 : i32
    %swap3A_276 = arith.index_cast %swap3A_275 : i32 to index
    %swap3A_277 = arith.constant 64 : index
    %swap3A_278 = tpu.vector_load %arg5[%swap3A_276, %swap3A_277] {strides = array<i32>} : memref<4x128xi32, #tpu.memory_space<vmem>>, vector<1x16xi32>,
    %swap3A_279 = vector.shape_cast %swap3A_278 : vector<1x16xi32> to vector<16xi32>
    %swap3A_280 = vector.shape_cast %or3A_274 : vector<16xi32> to vector<1x16xi32>
    tpu.vector_store %arg5[%swap3A_276, %swap3A_277], %swap3A_280 {strides = array<i32>} : memref<4x128xi32, #tpu.memory_space<vmem>>, vector<1x16xi32>,
    %get3A_281 = arith.constant 1 : i32
    %get3A_282 = arith.index_cast %get3A_281 : i32 to index
    %get3A_283 = arith.constant 80 : index
    %get3A_284 = tpu.vector_load %arg5[%get3A_282, %get3A_283] {strides = array<i32>} : memref<4x128xi32, #tpu.memory_space<vmem>>, vector<1x16xi32>,
    %get3A_285 = vector.shape_cast %get3A_284 : vector<1x16xi32> to vector<16xi32>
    %shift_right_arithmetic3A_286 = arith.constant 15 : i32
    %shift_right_arithmetic3A_287 = vector.broadcast %shift_right_arithmetic3A_286 : i32 to vector<16xi32>
    %shift_right_arithmetic3A_288 = arith.shrsi %get3A_285, %shift_right_arithmetic3A_287 : vector<16xi32>
    %shift_left3A_289 = arith.constant 13 : i32
    %shift_left3A_290 = vector.broadcast %shift_left3A_289 : i32 to vector<16xi32>
    %shift_left3A_291 = arith.shli %shift_right_arithmetic3A_288, %shift_left3A_290 : vector<16xi32>
    %and3A_292 = arith.constant 8191 : i32
    %and3A_293 = vector.broadcast %and3A_292 : i32 to vector<16xi32>
    %and3A_294 = arith.andi %get3A_285, %and3A_293 : vector<16xi32>
    %or3A_295 = arith.ori %shift_left3A_291, %and3A_294 : vector<16xi32>
    %swap3A_296 = arith.constant 1 : i32
    %swap3A_297 = arith.index_cast %swap3A_296 : i32 to index
    %swap3A_298 = arith.constant 80 : index
    %swap3A_299 = tpu.vector_load %arg5[%swap3A_297, %swap3A_298] {strides = array<i32>} : memref<4x128xi32, #tpu.memory_space<vmem>>, vector<1x16xi32>,
    %swap3A_300 = vector.shape_cast %swap3A_299 : vector<1x16xi32> to vector<16xi32>
    %swap3A_301 = vector.shape_cast %or3A_295 : vector<16xi32> to vector<1x16xi32>
    tpu.vector_store %arg5[%swap3A_297, %swap3A_298], %swap3A_301 {strides = array<i32>} : memref<4x128xi32, #tpu.memory_space<vmem>>, vector<1x16xi32>,
    %get3A_302 = arith.constant 1 : i32
    %get3A_303 = arith.index_cast %get3A_302 : i32 to index
    %get3A_304 = arith.constant 96 : index
    %get3A_305 = tpu.vector_load %arg5[%get3A_303, %get3A_304] {strides = array<i32>} : memref<4x128xi32, #tpu.memory_space<vmem>>, vector<1x16xi32>,
    %get3A_306 = vector.shape_cast %get3A_305 : vector<1x16xi32> to vector<16xi32>
    %shift_right_arithmetic3A_307 = arith.constant 15 : i32
    %shift_right_arithmetic3A_308 = vector.broadcast %shift_right_arithmetic3A_307 : i32 to vector<16xi32>
    %shift_right_arithmetic3A_309 = arith.shrsi %get3A_306, %shift_right_arithmetic3A_308 : vector<16xi32>
    %shift_left3A_310 = arith.constant 13 : i32
    %shift_left3A_311 = vector.broadcast %shift_left3A_310 : i32 to vector<16xi32>
    %shift_left3A_312 = arith.shli %shift_right_arithmetic3A_309, %shift_left3A_311 : vector<16xi32>
    %and3A_313 = arith.constant 8191 : i32
    %and3A_314 = vector.broadcast %and3A_313 : i32 to vector<16xi32>
    %and3A_315 = arith.andi %get3A_306, %and3A_314 : vector<16xi32>
    %or3A_316 = arith.ori %shift_left3A_312, %and3A_315 : vector<16xi32>
    %swap3A_317 = arith.constant 1 : i32
    %swap3A_318 = arith.index_cast %swap3A_317 : i32 to index
    %swap3A_319 = arith.constant 96 : index
    %swap3A_320 = tpu.vector_load %arg5[%swap3A_318, %swap3A_319] {strides = array<i32>} : memref<4x128xi32, #tpu.memory_space<vmem>>, vector<1x16xi32>,
    %swap3A_321 = vector.shape_cast %swap3A_320 : vector<1x16xi32> to vector<16xi32>
    %swap3A_322 = vector.shape_cast %or3A_316 : vector<16xi32> to vector<1x16xi32>
    tpu.vector_store %arg5[%swap3A_318, %swap3A_319], %swap3A_322 {strides = array<i32>} : memref<4x128xi32, #tpu.memory_space<vmem>>, vector<1x16xi32>,
    %get3A_323 = arith.constant 1 : i32
    %get3A_324 = arith.index_cast %get3A_323 : i32 to index
    %get3A_325 = arith.constant 112 : index
    %get3A_326 = tpu.vector_load %arg5[%get3A_324, %get3A_325] {strides = array<i32>} : memref<4x128xi32, #tpu.memory_space<vmem>>, vector<1x16xi32>,
    %get3A_327 = vector.shape_cast %get3A_326 : vector<1x16xi32> to vector<16xi32>
    %shift_right_arithmetic3A_328 = arith.constant 15 : i32
    %shift_right_arithmetic3A_329 = vector.broadcast %shift_right_arithmetic3A_328 : i32 to vector<16xi32>
    %shift_right_arithmetic3A_330 = arith.shrsi %get3A_327, %shift_right_arithmetic3A_329 : vector<16xi32>
    %shift_left3A_331 = arith.constant 13 : i32
    %shift_left3A_332 = vector.broadcast %shift_left3A_331 : i32 to vector<16xi32>
    %shift_left3A_333 = arith.shli %shift_right_arithmetic3A_330, %shift_left3A_332 : vector<16xi32>
    %and3A_334 = arith.constant 8191 : i32
    %and3A_335 = vector.broadcast %and3A_334 : i32 to vector<16xi32>
    %and3A_336 = arith.andi %get3A_327, %and3A_335 : vector<16xi32>
    %or3A_337 = arith.ori %shift_left3A_333, %and3A_336 : vector<16xi32>
    %swap3A_338 = arith.constant 1 : i32
    %swap3A_339 = arith.index_cast %swap3A_338 : i32 to index
    %swap3A_340 = arith.constant 112 : index
    %swap3A_341 = tpu.vector_load %arg5[%swap3A_339, %swap3A_340] {strides = array<i32>} : memref<4x128xi32, #tpu.memory_space<vmem>>, vector<1x16xi32>,
    %swap3A_342 = vector.shape_cast %swap3A_341 : vector<1x16xi32> to vector<16xi32>
    %swap3A_343 = vector.shape_cast %or3A_337 : vector<16xi32> to vector<1x16xi32>
    tpu.vector_store %arg5[%swap3A_339, %swap3A_340], %swap3A_343 {strides = array<i32>} : memref<4x128xi32, #tpu.memory_space<vmem>>, vector<1x16xi32>,
    %get3A_344 = arith.constant 2 : i32
    %get3A_345 = arith.index_cast %get3A_344 : i32 to index
    %get3A_346 = arith.constant 0 : index
    %get3A_347 = tpu.vector_load %arg5[%get3A_345, %get3A_346] {strides = array<i32>} : memref<4x128xi32, #tpu.memory_space<vmem>>, vector<1x16xi32>,
    %get3A_348 = vector.shape_cast %get3A_347 : vector<1x16xi32> to vector<16xi32>
    %shift_right_arithmetic3A_349 = arith.constant 15 : i32
    %shift_right_arithmetic3A_350 = vector.broadcast %shift_right_arithmetic3A_349 : i32 to vector<16xi32>
    %shift_right_arithmetic3A_351 = arith.shrsi %get3A_348, %shift_right_arithmetic3A_350 : vector<16xi32>
    %shift_left3A_352 = arith.constant 13 : i32
    %shift_left3A_353 = vector.broadcast %shift_left3A_352 : i32 to vector<16xi32>
    %shift_left3A_354 = arith.shli %shift_right_arithmetic3A_351, %shift_left3A_353 : vector<16xi32>
    %and3A_355 = arith.constant 8191 : i32
    %and3A_356 = vector.broadcast %and3A_355 : i32 to vector<16xi32>
    %and3A_357 = arith.andi %get3A_348, %and3A_356 : vector<16xi32>
    %or3A_358 = arith.ori %shift_left3A_354, %and3A_357 : vector<16xi32>
    %swap3A_359 = arith.constant 2 : i32
    %swap3A_360 = arith.index_cast %swap3A_359 : i32 to index
    %swap3A_361 = arith.constant 0 : index
    %swap3A_362 = tpu.vector_load %arg5[%swap3A_360, %swap3A_361] {strides = array<i32>} : memref<4x128xi32, #tpu.memory_space<vmem>>, vector<1x16xi32>,
    %swap3A_363 = vector.shape_cast %swap3A_362 : vector<1x16xi32> to vector<16xi32>
    %swap3A_364 = vector.shape_cast %or3A_358 : vector<16xi32> to vector<1x16xi32>
    tpu.vector_store %arg5[%swap3A_360, %swap3A_361], %swap3A_364 {strides = array<i32>} : memref<4x128xi32, #tpu.memory_space<vmem>>, vector<1x16xi32>,
    %get3A_365 = arith.constant 2 : i32
    %get3A_366 = arith.index_cast %get3A_365 : i32 to index
    %get3A_367 = arith.constant 16 : index
    %get3A_368 = tpu.vector_load %arg5[%get3A_366, %get3A_367] {strides = array<i32>} : memref<4x128xi32, #tpu.memory_space<vmem>>, vector<1x16xi32>,
    %get3A_369 = vector.shape_cast %get3A_368 : vector<1x16xi32> to vector<16xi32>
    %shift_right_arithmetic3A_370 = arith.constant 15 : i32
    %shift_right_arithmetic3A_371 = vector.broadcast %shift_right_arithmetic3A_370 : i32 to vector<16xi32>
    %shift_right_arithmetic3A_372 = arith.shrsi %get3A_369, %shift_right_arithmetic3A_371 : vector<16xi32>
    %shift_left3A_373 = arith.constant 13 : i32
    %shift_left3A_374 = vector.broadcast %shift_left3A_373 : i32 to vector<16xi32>
    %shift_left3A_375 = arith.shli %shift_right_arithmetic3A_372, %shift_left3A_374 : vector<16xi32>
    %and3A_376 = arith.constant 8191 : i32
    %and3A_377 = vector.broadcast %and3A_376 : i32 to vector<16xi32>
    %and3A_378 = arith.andi %get3A_369, %and3A_377 : vector<16xi32>
    %or3A_379 = arith.ori %shift_left3A_375, %and3A_378 : vector<16xi32>
    %swap3A_380 = arith.constant 2 : i32
    %swap3A_381 = arith.index_cast %swap3A_380 : i32 to index
    %swap3A_382 = arith.constant 16 : index
    %swap3A_383 = tpu.vector_load %arg5[%swap3A_381, %swap3A_382] {strides = array<i32>} : memref<4x128xi32, #tpu.memory_space<vmem>>, vector<1x16xi32>,
    %swap3A_384 = vector.shape_cast %swap3A_383 : vector<1x16xi32> to vector<16xi32>
    %swap3A_385 = vector.shape_cast %or3A_379 : vector<16xi32> to vector<1x16xi32>
    tpu.vector_store %arg5[%swap3A_381, %swap3A_382], %swap3A_385 {strides = array<i32>} : memref<4x128xi32, #tpu.memory_space<vmem>>, vector<1x16xi32>,
    %get3A_386 = arith.constant 2 : i32
    %get3A_387 = arith.index_cast %get3A_386 : i32 to index
    %get3A_388 = arith.constant 32 : index
    %get3A_389 = tpu.vector_load %arg5[%get3A_387, %get3A_388] {strides = array<i32>} : memref<4x128xi32, #tpu.memory_space<vmem>>, vector<1x16xi32>,
    %get3A_390 = vector.shape_cast %get3A_389 : vector<1x16xi32> to vector<16xi32>
    %shift_right_arithmetic3A_391 = arith.constant 15 : i32
    %shift_right_arithmetic3A_392 = vector.broadcast %shift_right_arithmetic3A_391 : i32 to vector<16xi32>
    %shift_right_arithmetic3A_393 = arith.shrsi %get3A_390, %shift_right_arithmetic3A_392 : vector<16xi32>
    %shift_left3A_394 = arith.constant 13 : i32
    %shift_left3A_395 = vector.broadcast %shift_left3A_394 : i32 to vector<16xi32>
    %shift_left3A_396 = arith.shli %shift_right_arithmetic3A_393, %shift_left3A_395 : vector<16xi32>
    %and3A_397 = arith.constant 8191 : i32
    %and3A_398 = vector.broadcast %and3A_397 : i32 to vector<16xi32>
    %and3A_399 = arith.andi %get3A_390, %and3A_398 : vector<16xi32>
    %or3A_400 = arith.ori %shift_left3A_396, %and3A_399 : vector<16xi32>
    %swap3A_401 = arith.constant 2 : i32
    %swap3A_402 = arith.index_cast %swap3A_401 : i32 to index
    %swap3A_403 = arith.constant 32 : index
    %swap3A_404 = tpu.vector_load %arg5[%swap3A_402, %swap3A_403] {strides = array<i32>} : memref<4x128xi32, #tpu.memory_space<vmem>>, vector<1x16xi32>,
    %swap3A_405 = vector.shape_cast %swap3A_404 : vector<1x16xi32> to vector<16xi32>
    %swap3A_406 = vector.shape_cast %or3A_400 : vector<16xi32> to vector<1x16xi32>
    tpu.vector_store %arg5[%swap3A_402, %swap3A_403], %swap3A_406 {strides = array<i32>} : memref<4x128xi32, #tpu.memory_space<vmem>>, vector<1x16xi32>,
    %get3A_407 = arith.constant 2 : i32
    %get3A_408 = arith.index_cast %get3A_407 : i32 to index
    %get3A_409 = arith.constant 48 : index
    %get3A_410 = tpu.vector_load %arg5[%get3A_408, %get3A_409] {strides = array<i32>} : memref<4x128xi32, #tpu.memory_space<vmem>>, vector<1x16xi32>,
    %get3A_411 = vector.shape_cast %get3A_410 : vector<1x16xi32> to vector<16xi32>
    %shift_right_arithmetic3A_412 = arith.constant 15 : i32
    %shift_right_arithmetic3A_413 = vector.broadcast %shift_right_arithmetic3A_412 : i32 to vector<16xi32>
    %shift_right_arithmetic3A_414 = arith.shrsi %get3A_411, %shift_right_arithmetic3A_413 : vector<16xi32>
    %shift_left3A_415 = arith.constant 13 : i32
    %shift_left3A_416 = vector.broadcast %shift_left3A_415 : i32 to vector<16xi32>
    %shift_left3A_417 = arith.shli %shift_right_arithmetic3A_414, %shift_left3A_416 : vector<16xi32>
    %and3A_418 = arith.constant 8191 : i32
    %and3A_419 = vector.broadcast %and3A_418 : i32 to vector<16xi32>
    %and3A_420 = arith.andi %get3A_411, %and3A_419 : vector<16xi32>
    %or3A_421 = arith.ori %shift_left3A_417, %and3A_420 : vector<16xi32>
    %swap3A_422 = arith.constant 2 : i32
    %swap3A_423 = arith.index_cast %swap3A_422 : i32 to index
    %swap3A_424 = arith.constant 48 : index
    %swap3A_425 = tpu.vector_load %arg5[%swap3A_423, %swap3A_424] {strides = array<i32>} : memref<4x128xi32, #tpu.memory_space<vmem>>, vector<1x16xi32>,
    %swap3A_426 = vector.shape_cast %swap3A_425 : vector<1x16xi32> to vector<16xi32>
    %swap3A_427 = vector.shape_cast %or3A_421 : vector<16xi32> to vector<1x16xi32>
    tpu.vector_store %arg5[%swap3A_423, %swap3A_424], %swap3A_427 {strides = array<i32>} : memref<4x128xi32, #tpu.memory_space<vmem>>, vector<1x16xi32>,
    %get3A_428 = arith.constant 2 : i32
    %get3A_429 = arith.index_cast %get3A_428 : i32 to index
    %get3A_430 = arith.constant 64 : index
    %get3A_431 = tpu.vector_load %arg5[%get3A_429, %get3A_430] {strides = array<i32>} : memref<4x128xi32, #tpu.memory_space<vmem>>, vector<1x16xi32>,
    %get3A_432 = vector.shape_cast %get3A_431 : vector<1x16xi32> to vector<16xi32>
    %shift_right_arithmetic3A_433 = arith.constant 15 : i32
    %shift_right_arithmetic3A_434 = vector.broadcast %shift_right_arithmetic3A_433 : i32 to vector<16xi32>
    %shift_right_arithmetic3A_435 = arith.shrsi %get3A_432, %shift_right_arithmetic3A_434 : vector<16xi32>
    %shift_left3A_436 = arith.constant 13 : i32
    %shift_left3A_437 = vector.broadcast %shift_left3A_436 : i32 to vector<16xi32>
    %shift_left3A_438 = arith.shli %shift_right_arithmetic3A_435, %shift_left3A_437 : vector<16xi32>
    %and3A_439 = arith.constant 8191 : i32
    %and3A_440 = vector.broadcast %and3A_439 : i32 to vector<16xi32>
    %and3A_441 = arith.andi %get3A_432, %and3A_440 : vector<16xi32>
    %or3A_442 = arith.ori %shift_left3A_438, %and3A_441 : vector<16xi32>
    %swap3A_443 = arith.constant 2 : i32
    %swap3A_444 = arith.index_cast %swap3A_443 : i32 to index
    %swap3A_445 = arith.constant 64 : index
    %swap3A_446 = tpu.vector_load %arg5[%swap3A_444, %swap3A_445] {strides = array<i32>} : memref<4x128xi32, #tpu.memory_space<vmem>>, vector<1x16xi32>,
    %swap3A_447 = vector.shape_cast %swap3A_446 : vector<1x16xi32> to vector<16xi32>
    %swap3A_448 = vector.shape_cast %or3A_442 : vector<16xi32> to vector<1x16xi32>
    tpu.vector_store %arg5[%swap3A_444, %swap3A_445], %swap3A_448 {strides = array<i32>} : memref<4x128xi32, #tpu.memory_space<vmem>>, vector<1x16xi32>,
    %get3A_449 = arith.constant 2 : i32
    %get3A_450 = arith.index_cast %get3A_449 : i32 to index
    %get3A_451 = arith.constant 80 : index
    %get3A_452 = tpu.vector_load %arg5[%get3A_450, %get3A_451] {strides = array<i32>} : memref<4x128xi32, #tpu.memory_space<vmem>>, vector<1x16xi32>,
    %get3A_453 = vector.shape_cast %get3A_452 : vector<1x16xi32> to vector<16xi32>
    %shift_right_arithmetic3A_454 = arith.constant 15 : i32
    %shift_right_arithmetic3A_455 = vector.broadcast %shift_right_arithmetic3A_454 : i32 to vector<16xi32>
    %shift_right_arithmetic3A_456 = arith.shrsi %get3A_453, %shift_right_arithmetic3A_455 : vector<16xi32>
    %shift_left3A_457 = arith.constant 13 : i32
    %shift_left3A_458 = vector.broadcast %shift_left3A_457 : i32 to vector<16xi32>
    %shift_left3A_459 = arith.shli %shift_right_arithmetic3A_456, %shift_left3A_458 : vector<16xi32>
    %and3A_460 = arith.constant 8191 : i32
    %and3A_461 = vector.broadcast %and3A_460 : i32 to vector<16xi32>
    %and3A_462 = arith.andi %get3A_453, %and3A_461 : vector<16xi32>
    %or3A_463 = arith.ori %shift_left3A_459, %and3A_462 : vector<16xi32>
    %swap3A_464 = arith.constant 2 : i32
    %swap3A_465 = arith.index_cast %swap3A_464 : i32 to index
    %swap3A_466 = arith.constant 80 : index
    %swap3A_467 = tpu.vector_load %arg5[%swap3A_465, %swap3A_466] {strides = array<i32>} : memref<4x128xi32, #tpu.memory_space<vmem>>, vector<1x16xi32>,
    %swap3A_468 = vector.shape_cast %swap3A_467 : vector<1x16xi32> to vector<16xi32>
    %swap3A_469 = vector.shape_cast %or3A_463 : vector<16xi32> to vector<1x16xi32>
    tpu.vector_store %arg5[%swap3A_465, %swap3A_466], %swap3A_469 {strides = array<i32>} : memref<4x128xi32, #tpu.memory_space<vmem>>, vector<1x16xi32>,
    %get3A_470 = arith.constant 2 : i32
    %get3A_471 = arith.index_cast %get3A_470 : i32 to index
    %get3A_472 = arith.constant 96 : index
    %get3A_473 = tpu.vector_load %arg5[%get3A_471, %get3A_472] {strides = array<i32>} : memref<4x128xi32, #tpu.memory_space<vmem>>, vector<1x16xi32>,
    %get3A_474 = vector.shape_cast %get3A_473 : vector<1x16xi32> to vector<16xi32>
    %shift_right_arithmetic3A_475 = arith.constant 15 : i32
    %shift_right_arithmetic3A_476 = vector.broadcast %shift_right_arithmetic3A_475 : i32 to vector<16xi32>
    %shift_right_arithmetic3A_477 = arith.shrsi %get3A_474, %shift_right_arithmetic3A_476 : vector<16xi32>
    %shift_left3A_478 = arith.constant 13 : i32
    %shift_left3A_479 = vector.broadcast %shift_left3A_478 : i32 to vector<16xi32>
    %shift_left3A_480 = arith.shli %shift_right_arithmetic3A_477, %shift_left3A_479 : vector<16xi32>
    %and3A_481 = arith.constant 8191 : i32
    %and3A_482 = vector.broadcast %and3A_481 : i32 to vector<16xi32>
    %and3A_483 = arith.andi %get3A_474, %and3A_482 : vector<16xi32>
    %or3A_484 = arith.ori %shift_left3A_480, %and3A_483 : vector<16xi32>
    %swap3A_485 = arith.constant 2 : i32
    %swap3A_486 = arith.index_cast %swap3A_485 : i32 to index
    %swap3A_487 = arith.constant 96 : index
    %swap3A_488 = tpu.vector_load %arg5[%swap3A_486, %swap3A_487] {strides = array<i32>} : memref<4x128xi32, #tpu.memory_space<vmem>>, vector<1x16xi32>,
    %swap3A_489 = vector.shape_cast %swap3A_488 : vector<1x16xi32> to vector<16xi32>
    %swap3A_490 = vector.shape_cast %or3A_484 : vector<16xi32> to vector<1x16xi32>
    tpu.vector_store %arg5[%swap3A_486, %swap3A_487], %swap3A_490 {strides = array<i32>} : memref<4x128xi32, #tpu.memory_space<vmem>>, vector<1x16xi32>,
    %get3A_491 = arith.constant 2 : i32
    %get3A_492 = arith.index_cast %get3A_491 : i32 to index
    %get3A_493 = arith.constant 112 : index
    %get3A_494 = tpu.vector_load %arg5[%get3A_492, %get3A_493] {strides = array<i32>} : memref<4x128xi32, #tpu.memory_space<vmem>>, vector<1x16xi32>,
    %get3A_495 = vector.shape_cast %get3A_494 : vector<1x16xi32> to vector<16xi32>
    %shift_right_arithmetic3A_496 = arith.constant 15 : i32
    %shift_right_arithmetic3A_497 = vector.broadcast %shift_right_arithmetic3A_496 : i32 to vector<16xi32>
    %shift_right_arithmetic3A_498 = arith.shrsi %get3A_495, %shift_right_arithmetic3A_497 : vector<16xi32>
    %shift_left3A_499 = arith.constant 13 : i32
    %shift_left3A_500 = vector.broadcast %shift_left3A_499 : i32 to vector<16xi32>
    %shift_left3A_501 = arith.shli %shift_right_arithmetic3A_498, %shift_left3A_500 : vector<16xi32>
    %and3A_502 = arith.constant 8191 : i32
    %and3A_503 = vector.broadcast %and3A_502 : i32 to vector<16xi32>
    %and3A_504 = arith.andi %get3A_495, %and3A_503 : vector<16xi32>
    %or3A_505 = arith.ori %shift_left3A_501, %and3A_504 : vector<16xi32>
    %swap3A_506 = arith.constant 2 : i32
    %swap3A_507 = arith.index_cast %swap3A_506 : i32 to index
    %swap3A_508 = arith.constant 112 : index
    %swap3A_509 = tpu.vector_load %arg5[%swap3A_507, %swap3A_508] {strides = array<i32>} : memref<4x128xi32, #tpu.memory_space<vmem>>, vector<1x16xi32>,
    %swap3A_510 = vector.shape_cast %swap3A_509 : vector<1x16xi32> to vector<16xi32>
    %swap3A_511 = vector.shape_cast %or3A_505 : vector<16xi32> to vector<1x16xi32>
    tpu.vector_store %arg5[%swap3A_507, %swap3A_508], %swap3A_511 {strides = array<i32>} : memref<4x128xi32, #tpu.memory_space<vmem>>, vector<1x16xi32>,
    %get3A_512 = arith.constant 3 : i32
    %get3A_513 = arith.index_cast %get3A_512 : i32 to index
    %get3A_514 = arith.constant 0 : index
    %get3A_515 = tpu.vector_load %arg5[%get3A_513, %get3A_514] {strides = array<i32>} : memref<4x128xi32, #tpu.memory_space<vmem>>, vector<1x16xi32>,
    %get3A_516 = vector.shape_cast %get3A_515 : vector<1x16xi32> to vector<16xi32>
    %shift_right_arithmetic3A_517 = arith.constant 15 : i32
    %shift_right_arithmetic3A_518 = vector.broadcast %shift_right_arithmetic3A_517 : i32 to vector<16xi32>
    %shift_right_arithmetic3A_519 = arith.shrsi %get3A_516, %shift_right_arithmetic3A_518 : vector<16xi32>
    %shift_left3A_520 = arith.constant 13 : i32
    %shift_left3A_521 = vector.broadcast %shift_left3A_520 : i32 to vector<16xi32>
    %shift_left3A_522 = arith.shli %shift_right_arithmetic3A_519, %shift_left3A_521 : vector<16xi32>
    %and3A_523 = arith.constant 8191 : i32
    %and3A_524 = vector.broadcast %and3A_523 : i32 to vector<16xi32>
    %and3A_525 = arith.andi %get3A_516, %and3A_524 : vector<16xi32>
    %or3A_526 = arith.ori %shift_left3A_522, %and3A_525 : vector<16xi32>
    %swap3A_527 = arith.constant 3 : i32
    %swap3A_528 = arith.index_cast %swap3A_527 : i32 to index
    %swap3A_529 = arith.constant 0 : index
    %swap3A_530 = tpu.vector_load %arg5[%swap3A_528, %swap3A_529] {strides = array<i32>} : memref<4x128xi32, #tpu.memory_space<vmem>>, vector<1x16xi32>,
    %swap3A_531 = vector.shape_cast %swap3A_530 : vector<1x16xi32> to vector<16xi32>
    %swap3A_532 = vector.shape_cast %or3A_526 : vector<16xi32> to vector<1x16xi32>
    tpu.vector_store %arg5[%swap3A_528, %swap3A_529], %swap3A_532 {strides = array<i32>} : memref<4x128xi32, #tpu.memory_space<vmem>>, vector<1x16xi32>,
    %get3A_533 = arith.constant 3 : i32
    %get3A_534 = arith.index_cast %get3A_533 : i32 to index
    %get3A_535 = arith.constant 16 : index
    %get3A_536 = tpu.vector_load %arg5[%get3A_534, %get3A_535] {strides = array<i32>} : memref<4x128xi32, #tpu.memory_space<vmem>>, vector<1x16xi32>,
    %get3A_537 = vector.shape_cast %get3A_536 : vector<1x16xi32> to vector<16xi32>
    %shift_right_arithmetic3A_538 = arith.constant 15 : i32
    %shift_right_arithmetic3A_539 = vector.broadcast %shift_right_arithmetic3A_538 : i32 to vector<16xi32>
    %shift_right_arithmetic3A_540 = arith.shrsi %get3A_537, %shift_right_arithmetic3A_539 : vector<16xi32>
    %shift_left3A_541 = arith.constant 13 : i32
    %shift_left3A_542 = vector.broadcast %shift_left3A_541 : i32 to vector<16xi32>
    %shift_left3A_543 = arith.shli %shift_right_arithmetic3A_540, %shift_left3A_542 : vector<16xi32>
    %and3A_544 = arith.constant 8191 : i32
    %and3A_545 = vector.broadcast %and3A_544 : i32 to vector<16xi32>
    %and3A_546 = arith.andi %get3A_537, %and3A_545 : vector<16xi32>
    %or3A_547 = arith.ori %shift_left3A_543, %and3A_546 : vector<16xi32>
    %swap3A_548 = arith.constant 3 : i32
    %swap3A_549 = arith.index_cast %swap3A_548 : i32 to index
    %swap3A_550 = arith.constant 16 : index
    %swap3A_551 = tpu.vector_load %arg5[%swap3A_549, %swap3A_550] {strides = array<i32>} : memref<4x128xi32, #tpu.memory_space<vmem>>, vector<1x16xi32>,
    %swap3A_552 = vector.shape_cast %swap3A_551 : vector<1x16xi32> to vector<16xi32>
    %swap3A_553 = vector.shape_cast %or3A_547 : vector<16xi32> to vector<1x16xi32>
    tpu.vector_store %arg5[%swap3A_549, %swap3A_550], %swap3A_553 {strides = array<i32>} : memref<4x128xi32, #tpu.memory_space<vmem>>, vector<1x16xi32>,
    %get3A_554 = arith.constant 3 : i32
    %get3A_555 = arith.index_cast %get3A_554 : i32 to index
    %get3A_556 = arith.constant 32 : index
    %get3A_557 = tpu.vector_load %arg5[%get3A_555, %get3A_556] {strides = array<i32>} : memref<4x128xi32, #tpu.memory_space<vmem>>, vector<1x16xi32>,
    %get3A_558 = vector.shape_cast %get3A_557 : vector<1x16xi32> to vector<16xi32>
    %shift_right_arithmetic3A_559 = arith.constant 15 : i32
    %shift_right_arithmetic3A_560 = vector.broadcast %shift_right_arithmetic3A_559 : i32 to vector<16xi32>
    %shift_right_arithmetic3A_561 = arith.shrsi %get3A_558, %shift_right_arithmetic3A_560 : vector<16xi32>
    %shift_left3A_562 = arith.constant 13 : i32
    %shift_left3A_563 = vector.broadcast %shift_left3A_562 : i32 to vector<16xi32>
    %shift_left3A_564 = arith.shli %shift_right_arithmetic3A_561, %shift_left3A_563 : vector<16xi32>
    %and3A_565 = arith.constant 8191 : i32
    %and3A_566 = vector.broadcast %and3A_565 : i32 to vector<16xi32>
    %and3A_567 = arith.andi %get3A_558, %and3A_566 : vector<16xi32>
    %or3A_568 = arith.ori %shift_left3A_564, %and3A_567 : vector<16xi32>
    %swap3A_569 = arith.constant 3 : i32
    %swap3A_570 = arith.index_cast %swap3A_569 : i32 to index
    %swap3A_571 = arith.constant 32 : index
    %swap3A_572 = tpu.vector_load %arg5[%swap3A_570, %swap3A_571] {strides = array<i32>} : memref<4x128xi32, #tpu.memory_space<vmem>>, vector<1x16xi32>,
    %swap3A_573 = vector.shape_cast %swap3A_572 : vector<1x16xi32> to vector<16xi32>
    %swap3A_574 = vector.shape_cast %or3A_568 : vector<16xi32> to vector<1x16xi32>
    tpu.vector_store %arg5[%swap3A_570, %swap3A_571], %swap3A_574 {strides = array<i32>} : memref<4x128xi32, #tpu.memory_space<vmem>>, vector<1x16xi32>,
    %get3A_575 = arith.constant 3 : i32
    %get3A_576 = arith.index_cast %get3A_575 : i32 to index
    %get3A_577 = arith.constant 48 : index
    %get3A_578 = tpu.vector_load %arg5[%get3A_576, %get3A_577] {strides = array<i32>} : memref<4x128xi32, #tpu.memory_space<vmem>>, vector<1x16xi32>,
    %get3A_579 = vector.shape_cast %get3A_578 : vector<1x16xi32> to vector<16xi32>
    %shift_right_arithmetic3A_580 = arith.constant 15 : i32
    %shift_right_arithmetic3A_581 = vector.broadcast %shift_right_arithmetic3A_580 : i32 to vector<16xi32>
    %shift_right_arithmetic3A_582 = arith.shrsi %get3A_579, %shift_right_arithmetic3A_581 : vector<16xi32>
    %shift_left3A_583 = arith.constant 13 : i32
    %shift_left3A_584 = vector.broadcast %shift_left3A_583 : i32 to vector<16xi32>
    %shift_left3A_585 = arith.shli %shift_right_arithmetic3A_582, %shift_left3A_584 : vector<16xi32>
    %and3A_586 = arith.constant 8191 : i32
    %and3A_587 = vector.broadcast %and3A_586 : i32 to vector<16xi32>
    %and3A_588 = arith.andi %get3A_579, %and3A_587 : vector<16xi32>
    %or3A_589 = arith.ori %shift_left3A_585, %and3A_588 : vector<16xi32>
    %swap3A_590 = arith.constant 3 : i32
    %swap3A_591 = arith.index_cast %swap3A_590 : i32 to index
    %swap3A_592 = arith.constant 48 : index
    %swap3A_593 = tpu.vector_load %arg5[%swap3A_591, %swap3A_592] {strides = array<i32>} : memref<4x128xi32, #tpu.memory_space<vmem>>, vector<1x16xi32>,
    %swap3A_594 = vector.shape_cast %swap3A_593 : vector<1x16xi32> to vector<16xi32>
    %swap3A_595 = vector.shape_cast %or3A_589 : vector<16xi32> to vector<1x16xi32>
    tpu.vector_store %arg5[%swap3A_591, %swap3A_592], %swap3A_595 {strides = array<i32>} : memref<4x128xi32, #tpu.memory_space<vmem>>, vector<1x16xi32>,
    %get3A_596 = arith.constant 3 : i32
    %get3A_597 = arith.index_cast %get3A_596 : i32 to index
    %get3A_598 = arith.constant 64 : index
    %get3A_599 = tpu.vector_load %arg5[%get3A_597, %get3A_598] {strides = array<i32>} : memref<4x128xi32, #tpu.memory_space<vmem>>, vector<1x16xi32>,
    %get3A_600 = vector.shape_cast %get3A_599 : vector<1x16xi32> to vector<16xi32>
    %shift_right_arithmetic3A_601 = arith.constant 15 : i32
    %shift_right_arithmetic3A_602 = vector.broadcast %shift_right_arithmetic3A_601 : i32 to vector<16xi32>
    %shift_right_arithmetic3A_603 = arith.shrsi %get3A_600, %shift_right_arithmetic3A_602 : vector<16xi32>
    %shift_left3A_604 = arith.constant 13 : i32
    %shift_left3A_605 = vector.broadcast %shift_left3A_604 : i32 to vector<16xi32>
    %shift_left3A_606 = arith.shli %shift_right_arithmetic3A_603, %shift_left3A_605 : vector<16xi32>
    %and3A_607 = arith.constant 8191 : i32
    %and3A_608 = vector.broadcast %and3A_607 : i32 to vector<16xi32>
    %and3A_609 = arith.andi %get3A_600, %and3A_608 : vector<16xi32>
    %or3A_610 = arith.ori %shift_left3A_606, %and3A_609 : vector<16xi32>
    %swap3A_611 = arith.constant 3 : i32
    %swap3A_612 = arith.index_cast %swap3A_611 : i32 to index
    %swap3A_613 = arith.constant 64 : index
    %swap3A_614 = tpu.vector_load %arg5[%swap3A_612, %swap3A_613] {strides = array<i32>} : memref<4x128xi32, #tpu.memory_space<vmem>>, vector<1x16xi32>,
    %swap3A_615 = vector.shape_cast %swap3A_614 : vector<1x16xi32> to vector<16xi32>
    %swap3A_616 = vector.shape_cast %or3A_610 : vector<16xi32> to vector<1x16xi32>
    tpu.vector_store %arg5[%swap3A_612, %swap3A_613], %swap3A_616 {strides = array<i32>} : memref<4x128xi32, #tpu.memory_space<vmem>>, vector<1x16xi32>,
    %get3A_617 = arith.constant 3 : i32
    %get3A_618 = arith.index_cast %get3A_617 : i32 to index
    %get3A_619 = arith.constant 80 : index
    %get3A_620 = tpu.vector_load %arg5[%get3A_618, %get3A_619] {strides = array<i32>} : memref<4x128xi32, #tpu.memory_space<vmem>>, vector<1x16xi32>,
    %get3A_621 = vector.shape_cast %get3A_620 : vector<1x16xi32> to vector<16xi32>
    %shift_right_arithmetic3A_622 = arith.constant 15 : i32
    %shift_right_arithmetic3A_623 = vector.broadcast %shift_right_arithmetic3A_622 : i32 to vector<16xi32>
    %shift_right_arithmetic3A_624 = arith.shrsi %get3A_621, %shift_right_arithmetic3A_623 : vector<16xi32>
    %shift_left3A_625 = arith.constant 13 : i32
    %shift_left3A_626 = vector.broadcast %shift_left3A_625 : i32 to vector<16xi32>
    %shift_left3A_627 = arith.shli %shift_right_arithmetic3A_624, %shift_left3A_626 : vector<16xi32>
    %and3A_628 = arith.constant 8191 : i32
    %and3A_629 = vector.broadcast %and3A_628 : i32 to vector<16xi32>
    %and3A_630 = arith.andi %get3A_621, %and3A_629 : vector<16xi32>
    %or3A_631 = arith.ori %shift_left3A_627, %and3A_630 : vector<16xi32>
    %swap3A_632 = arith.constant 3 : i32
    %swap3A_633 = arith.index_cast %swap3A_632 : i32 to index
    %swap3A_634 = arith.constant 80 : index
    %swap3A_635 = tpu.vector_load %arg5[%swap3A_633, %swap3A_634] {strides = array<i32>} : memref<4x128xi32, #tpu.memory_space<vmem>>, vector<1x16xi32>,
    %swap3A_636 = vector.shape_cast %swap3A_635 : vector<1x16xi32> to vector<16xi32>
    %swap3A_637 = vector.shape_cast %or3A_631 : vector<16xi32> to vector<1x16xi32>
    tpu.vector_store %arg5[%swap3A_633, %swap3A_634], %swap3A_637 {strides = array<i32>} : memref<4x128xi32, #tpu.memory_space<vmem>>, vector<1x16xi32>,
    %get3A_638 = arith.constant 3 : i32
    %get3A_639 = arith.index_cast %get3A_638 : i32 to index
    %get3A_640 = arith.constant 96 : index
    %get3A_641 = tpu.vector_load %arg5[%get3A_639, %get3A_640] {strides = array<i32>} : memref<4x128xi32, #tpu.memory_space<vmem>>, vector<1x16xi32>,
    %get3A_642 = vector.shape_cast %get3A_641 : vector<1x16xi32> to vector<16xi32>
    %shift_right_arithmetic3A_643 = arith.constant 15 : i32
    %shift_right_arithmetic3A_644 = vector.broadcast %shift_right_arithmetic3A_643 : i32 to vector<16xi32>
    %shift_right_arithmetic3A_645 = arith.shrsi %get3A_642, %shift_right_arithmetic3A_644 : vector<16xi32>
    %shift_left3A_646 = arith.constant 13 : i32
    %shift_left3A_647 = vector.broadcast %shift_left3A_646 : i32 to vector<16xi32>
    %shift_left3A_648 = arith.shli %shift_right_arithmetic3A_645, %shift_left3A_647 : vector<16xi32>
    %and3A_649 = arith.constant 8191 : i32
    %and3A_650 = vector.broadcast %and3A_649 : i32 to vector<16xi32>
    %and3A_651 = arith.andi %get3A_642, %and3A_650 : vector<16xi32>
    %or3A_652 = arith.ori %shift_left3A_648, %and3A_651 : vector<16xi32>
    %swap3A_653 = arith.constant 3 : i32
    %swap3A_654 = arith.index_cast %swap3A_653 : i32 to index
    %swap3A_655 = arith.constant 96 : index
    %swap3A_656 = tpu.vector_load %arg5[%swap3A_654, %swap3A_655] {strides = array<i32>} : memref<4x128xi32, #tpu.memory_space<vmem>>, vector<1x16xi32>,
    %swap3A_657 = vector.shape_cast %swap3A_656 : vector<1x16xi32> to vector<16xi32>
    %swap3A_658 = vector.shape_cast %or3A_652 : vector<16xi32> to vector<1x16xi32>
    tpu.vector_store %arg5[%swap3A_654, %swap3A_655], %swap3A_658 {strides = array<i32>} : memref<4x128xi32, #tpu.memory_space<vmem>>, vector<1x16xi32>,
    %get3A_659 = arith.constant 3 : i32
    %get3A_660 = arith.index_cast %get3A_659 : i32 to index
    %get3A_661 = arith.constant 112 : index
    %get3A_662 = tpu.vector_load %arg5[%get3A_660, %get3A_661] {strides = array<i32>} : memref<4x128xi32, #tpu.memory_space<vmem>>, vector<1x16xi32>,
    %get3A_663 = vector.shape_cast %get3A_662 : vector<1x16xi32> to vector<16xi32>
    %shift_right_arithmetic3A_664 = arith.constant 15 : i32
    %shift_right_arithmetic3A_665 = vector.broadcast %shift_right_arithmetic3A_664 : i32 to vector<16xi32>
    %shift_right_arithmetic3A_666 = arith.shrsi %get3A_663, %shift_right_arithmetic3A_665 : vector<16xi32>
    %shift_left3A_667 = arith.constant 13 : i32
    %shift_left3A_668 = vector.broadcast %shift_left3A_667 : i32 to vector<16xi32>
    %shift_left3A_669 = arith.shli %shift_right_arithmetic3A_666, %shift_left3A_668 : vector<16xi32>
    %and3A_670 = arith.constant 8191 : i32
    %and3A_671 = vector.broadcast %and3A_670 : i32 to vector<16xi32>
    %and3A_672 = arith.andi %get3A_663, %and3A_671 : vector<16xi32>
    %or3A_673 = arith.ori %shift_left3A_669, %and3A_672 : vector<16xi32>
    %swap3A_674 = arith.constant 3 : i32
    %swap3A_675 = arith.index_cast %swap3A_674 : i32 to index
    %swap3A_676 = arith.constant 112 : index
    %swap3A_677 = tpu.vector_load %arg5[%swap3A_675, %swap3A_676] {strides = array<i32>} : memref<4x128xi32, #tpu.memory_space<vmem>>, vector<1x16xi32>,
    %swap3A_678 = vector.shape_cast %swap3A_677 : vector<1x16xi32> to vector<16xi32>
    %swap3A_679 = vector.shape_cast %or3A_673 : vector<16xi32> to vector<1x16xi32>
    tpu.vector_store %arg5[%swap3A_675, %swap3A_676], %swap3A_679 {strides = array<i32>} : memref<4x128xi32, #tpu.memory_space<vmem>>, vector<1x16xi32>,
    %dma_start3A = arith.constant 0 : i32
    %dma_start3A_680 = arith.constant 0 : i32
    %dma_start3A_681 = arith.constant 0 : i32
    %dma_start3A_682 = tpu.memref_slice %arg6[%dma_start3A_680, %dma_start3A_681] : memref<512x128xf32, #tpu.memory_space<vmem>> -> memref<128x128xf32, #tpu.memory_space<vmem>>
    %dma_start3A_683 = arith.constant 0 : i32
    %dma_start3A_684 = tpu.memref_slice %arg5[%dma_start3A, %dma_start3A_683] : memref<4x128xi32, #tpu.memory_space<vmem>> -> memref<1x128xi32, #tpu.memory_space<vmem>>
    %dma_start3A_685 = tpu.memref_squeeze %dma_start3A_684 : memref<1x128xi32, #tpu.memory_space<vmem>> -> memref<128xi32, #tpu.memory_space<vmem>>
    %dma_start3A_686 = arith.constant 0 : i32
    %dma_start3A_687 = arith.constant 0 : i32
    %dma_start3A_688 = tpu.memref_slice %arg2[%dma_start3A_686, %dma_start3A_687] : memref<253952x128xf32, #tpu.memory_space<hbm>> -> memref<253952x128xf32, #tpu.memory_space<hbm>>
    tpu.enqueue_indirect_dma source(%dma_start3A_688 : memref<253952x128xf32, #tpu.memory_space<hbm>>) target(%dma_start3A_682 : memref<128x128xf32, #tpu.memory_space<vmem>>) offsets(%dma_start3A_685 : memref<128xi32, #tpu.memory_space<vmem>>) semaphore(%arg7 : memref<!tpu.dma_semaphore, #tpu.memory_space<semaphore_mem>>)
    %dma_start3A_689 = arith.constant 1 : i32
    %dma_start3A_690 = arith.constant 128 : i32
    %dma_start3A_691 = arith.constant 0 : i32
    %dma_start3A_692 = tpu.memref_slice %arg6[%dma_start3A_690, %dma_start3A_691] : memref<512x128xf32, #tpu.memory_space<vmem>> -> memref<128x128xf32, #tpu.memory_space<vmem>>
    %dma_start3A_693 = arith.constant 0 : i32
    %dma_start3A_694 = tpu.memref_slice %arg5[%dma_start3A_689, %dma_start3A_693] : memref<4x128xi32, #tpu.memory_space<vmem>> -> memref<1x128xi32, #tpu.memory_space<vmem>>
    %dma_start3A_695 = tpu.memref_squeeze %dma_start3A_694 : memref<1x128xi32, #tpu.memory_space<vmem>> -> memref<128xi32, #tpu.memory_space<vmem>>
    %dma_start3A_696 = arith.constant 0 : i32
    %dma_start3A_697 = arith.constant 0 : i32
    %dma_start3A_698 = tpu.memref_slice %arg2[%dma_start3A_696, %dma_start3A_697] : memref<253952x128xf32, #tpu.memory_space<hbm>> -> memref<253952x128xf32, #tpu.memory_space<hbm>>
    tpu.enqueue_indirect_dma source(%dma_start3A_698 : memref<253952x128xf32, #tpu.memory_space<hbm>>) target(%dma_start3A_692 : memref<128x128xf32, #tpu.memory_space<vmem>>) offsets(%dma_start3A_695 : memref<128xi32, #tpu.memory_space<vmem>>) semaphore(%arg7 : memref<!tpu.dma_semaphore, #tpu.memory_space<semaphore_mem>>)
    %dma_start3A_699 = arith.constant 2 : i32
    %dma_start3A_700 = arith.constant 256 : i32
    %dma_start3A_701 = arith.constant 0 : i32
    %dma_start3A_702 = tpu.memref_slice %arg6[%dma_start3A_700, %dma_start3A_701] : memref<512x128xf32, #tpu.memory_space<vmem>> -> memref<128x128xf32, #tpu.memory_space<vmem>>
    %dma_start3A_703 = arith.constant 0 : i32
    %dma_start3A_704 = tpu.memref_slice %arg5[%dma_start3A_699, %dma_start3A_703] : memref<4x128xi32, #tpu.memory_space<vmem>> -> memref<1x128xi32, #tpu.memory_space<vmem>>
    %dma_start3A_705 = tpu.memref_squeeze %dma_start3A_704 : memref<1x128xi32, #tpu.memory_space<vmem>> -> memref<128xi32, #tpu.memory_space<vmem>>
    %dma_start3A_706 = arith.constant 0 : i32
    %dma_start3A_707 = arith.constant 0 : i32
    %dma_start3A_708 = tpu.memref_slice %arg2[%dma_start3A_706, %dma_start3A_707] : memref<253952x128xf32, #tpu.memory_space<hbm>> -> memref<253952x128xf32, #tpu.memory_space<hbm>>
    tpu.enqueue_indirect_dma source(%dma_start3A_708 : memref<253952x128xf32, #tpu.memory_space<hbm>>) target(%dma_start3A_702 : memref<128x128xf32, #tpu.memory_space<vmem>>) offsets(%dma_start3A_705 : memref<128xi32, #tpu.memory_space<vmem>>) semaphore(%arg7 : memref<!tpu.dma_semaphore, #tpu.memory_space<semaphore_mem>>)
    %dma_start3A_709 = arith.constant 3 : i32
    %dma_start3A_710 = arith.constant 384 : i32
    %dma_start3A_711 = arith.constant 0 : i32
    %dma_start3A_712 = tpu.memref_slice %arg6[%dma_start3A_710, %dma_start3A_711] : memref<512x128xf32, #tpu.memory_space<vmem>> -> memref<128x128xf32, #tpu.memory_space<vmem>>
    %dma_start3A_713 = arith.constant 0 : i32
    %dma_start3A_714 = tpu.memref_slice %arg5[%dma_start3A_709, %dma_start3A_713] : memref<4x128xi32, #tpu.memory_space<vmem>> -> memref<1x128xi32, #tpu.memory_space<vmem>>
    %dma_start3A_715 = tpu.memref_squeeze %dma_start3A_714 : memref<1x128xi32, #tpu.memory_space<vmem>> -> memref<128xi32, #tpu.memory_space<vmem>>
    %dma_start3A_716 = arith.constant 0 : i32
    %dma_start3A_717 = arith.constant 0 : i32
    %dma_start3A_718 = tpu.memref_slice %arg2[%dma_start3A_716, %dma_start3A_717] : memref<253952x128xf32, #tpu.memory_space<hbm>> -> memref<253952x128xf32, #tpu.memory_space<hbm>>
    tpu.enqueue_indirect_dma source(%dma_start3A_718 : memref<253952x128xf32, #tpu.memory_space<hbm>>) target(%dma_start3A_712 : memref<128x128xf32, #tpu.memory_space<vmem>>) offsets(%dma_start3A_715 : memref<128xi32, #tpu.memory_space<vmem>>) semaphore(%arg7 : memref<!tpu.dma_semaphore, #tpu.memory_space<semaphore_mem>>)
    %dma_wait3A = arith.constant 0 : i32
    %dma_wait3A_719 = arith.constant 0 : i32
    %dma_wait3A_720 = arith.constant 0 : i32
    %dma_wait3A_721 = tpu.memref_slice %arg6[%dma_wait3A_719, %dma_wait3A_720] : memref<512x128xf32, #tpu.memory_space<vmem>> -> memref<128x128xf32, #tpu.memory_space<vmem>>
    %dma_wait3A_722 = arith.constant 0 : i32
    %dma_wait3A_723 = tpu.memref_slice %arg5[%dma_wait3A, %dma_wait3A_722] : memref<4x128xi32, #tpu.memory_space<vmem>> -> memref<1x128xi32, #tpu.memory_space<vmem>>
    %dma_wait3A_724 = tpu.memref_squeeze %dma_wait3A_723 : memref<1x128xi32, #tpu.memory_space<vmem>> -> memref<128xi32, #tpu.memory_space<vmem>>
    %dma_wait3A_725 = arith.constant 0 : i32
    %dma_wait3A_726 = arith.constant 0 : i32
    %dma_wait3A_727 = tpu.memref_slice %arg2[%dma_wait3A_725, %dma_wait3A_726] : memref<253952x128xf32, #tpu.memory_space<hbm>> -> memref<253952x128xf32, #tpu.memory_space<hbm>>
    tpu.wait_indirect_dma semaphore(%arg7 : memref<!tpu.dma_semaphore, #tpu.memory_space<semaphore_mem>>) src(%dma_wait3A_727 : memref<253952x128xf32, #tpu.memory_space<hbm>>) dst(%dma_wait3A_721 : memref<128x128xf32, #tpu.memory_space<vmem>>)
    %dma_wait3A_728 = arith.constant 1 : i32
    %dma_wait3A_729 = arith.constant 128 : i32
    %dma_wait3A_730 = arith.constant 0 : i32
    %dma_wait3A_731 = tpu.memref_slice %arg6[%dma_wait3A_729, %dma_wait3A_730] : memref<512x128xf32, #tpu.memory_space<vmem>> -> memref<128x128xf32, #tpu.memory_space<vmem>>
    %dma_wait3A_732 = arith.constant 0 : i32
    %dma_wait3A_733 = tpu.memref_slice %arg5[%dma_wait3A_728, %dma_wait3A_732] : memref<4x128xi32, #tpu.memory_space<vmem>> -> memref<1x128xi32, #tpu.memory_space<vmem>>
    %dma_wait3A_734 = tpu.memref_squeeze %dma_wait3A_733 : memref<1x128xi32, #tpu.memory_space<vmem>> -> memref<128xi32, #tpu.memory_space<vmem>>
    %dma_wait3A_735 = arith.constant 0 : i32
    %dma_wait3A_736 = arith.constant 0 : i32
    %dma_wait3A_737 = tpu.memref_slice %arg2[%dma_wait3A_735, %dma_wait3A_736] : memref<253952x128xf32, #tpu.memory_space<hbm>> -> memref<253952x128xf32, #tpu.memory_space<hbm>>
    tpu.wait_indirect_dma semaphore(%arg7 : memref<!tpu.dma_semaphore, #tpu.memory_space<semaphore_mem>>) src(%dma_wait3A_737 : memref<253952x128xf32, #tpu.memory_space<hbm>>) dst(%dma_wait3A_731 : memref<128x128xf32, #tpu.memory_space<vmem>>)
    %dma_wait3A_738 = arith.constant 2 : i32
    %dma_wait3A_739 = arith.constant 256 : i32
    %dma_wait3A_740 = arith.constant 0 : i32
    %dma_wait3A_741 = tpu.memref_slice %arg6[%dma_wait3A_739, %dma_wait3A_740] : memref<512x128xf32, #tpu.memory_space<vmem>> -> memref<128x128xf32, #tpu.memory_space<vmem>>
    %dma_wait3A_742 = arith.constant 0 : i32
    %dma_wait3A_743 = tpu.memref_slice %arg5[%dma_wait3A_738, %dma_wait3A_742] : memref<4x128xi32, #tpu.memory_space<vmem>> -> memref<1x128xi32, #tpu.memory_space<vmem>>
    %dma_wait3A_744 = tpu.memref_squeeze %dma_wait3A_743 : memref<1x128xi32, #tpu.memory_space<vmem>> -> memref<128xi32, #tpu.memory_space<vmem>>
    %dma_wait3A_745 = arith.constant 0 : i32
    %dma_wait3A_746 = arith.constant 0 : i32
    %dma_wait3A_747 = tpu.memref_slice %arg2[%dma_wait3A_745, %dma_wait3A_746] : memref<253952x128xf32, #tpu.memory_space<hbm>> -> memref<253952x128xf32, #tpu.memory_space<hbm>>
    tpu.wait_indirect_dma semaphore(%arg7 : memref<!tpu.dma_semaphore, #tpu.memory_space<semaphore_mem>>) src(%dma_wait3A_747 : memref<253952x128xf32, #tpu.memory_space<hbm>>) dst(%dma_wait3A_741 : memref<128x128xf32, #tpu.memory_space<vmem>>)
    %dma_wait3A_748 = arith.constant 3 : i32
    %dma_wait3A_749 = arith.constant 384 : i32
    %dma_wait3A_750 = arith.constant 0 : i32
    %dma_wait3A_751 = tpu.memref_slice %arg6[%dma_wait3A_749, %dma_wait3A_750] : memref<512x128xf32, #tpu.memory_space<vmem>> -> memref<128x128xf32, #tpu.memory_space<vmem>>
    %dma_wait3A_752 = arith.constant 0 : i32
    %dma_wait3A_753 = tpu.memref_slice %arg5[%dma_wait3A_748, %dma_wait3A_752] : memref<4x128xi32, #tpu.memory_space<vmem>> -> memref<1x128xi32, #tpu.memory_space<vmem>>
    %dma_wait3A_754 = tpu.memref_squeeze %dma_wait3A_753 : memref<1x128xi32, #tpu.memory_space<vmem>> -> memref<128xi32, #tpu.memory_space<vmem>>
    %dma_wait3A_755 = arith.constant 0 : i32
    %dma_wait3A_756 = arith.constant 0 : i32
    %dma_wait3A_757 = tpu.memref_slice %arg2[%dma_wait3A_755, %dma_wait3A_756] : memref<253952x128xf32, #tpu.memory_space<hbm>> -> memref<253952x128xf32, #tpu.memory_space<hbm>>
    tpu.wait_indirect_dma semaphore(%arg7 : memref<!tpu.dma_semaphore, #tpu.memory_space<semaphore_mem>>) src(%dma_wait3A_757 : memref<253952x128xf32, #tpu.memory_space<hbm>>) dst(%dma_wait3A_751 : memref<128x128xf32, #tpu.memory_space<vmem>>)
    "tpu.region"() ({
      %run_scoped3A_758 = tpu.sem_alloc : memref<!tpu.dma_semaphore, #tpu.memory_space<semaphore_mem>>
      %dma_start3A_759 = arith.constant 0 : i32
      %dma_start3A_760 = tpu.memref_slice %arg4[%mul3A_2, %dma_start3A_759] : memref<16384x128xf32, #tpu.memory_space<hbm>> -> memref<512x128xf32, #tpu.memory_space<hbm>>
      %dma_start3A_761 = arith.constant 0 : i32
      %dma_start3A_762 = tpu.memref_slice %arg4[%mul3A_2, %dma_start3A_761] : memref<16384x128xf32, #tpu.memory_space<hbm>> -> memref<512x128xf32, #tpu.memory_space<hbm>>
      tpu.enqueue_dma source(%arg6 : memref<512x128xf32, #tpu.memory_space<vmem>>) target(%dma_start3A_762 : memref<512x128xf32, #tpu.memory_space<hbm>>) target_semaphore(%run_scoped3A_758 : memref<!tpu.dma_semaphore, #tpu.memory_space<semaphore_mem>>)
      %dma_wait3A_763 = arith.constant 0 : i32
      %dma_wait3A_764 = tpu.memref_slice %arg4[%mul3A_2, %dma_wait3A_763] : memref<16384x128xf32, #tpu.memory_space<hbm>> -> memref<512x128xf32, #tpu.memory_space<hbm>>
      %dma_wait3A_765 = arith.constant 0 : i32
      %dma_wait3A_766 = tpu.memref_slice %arg4[%mul3A_2, %dma_wait3A_765] : memref<16384x128xf32, #tpu.memory_space<hbm>> -> memref<512x128xf32, #tpu.memory_space<hbm>>
      tpu.wait_dma2 semaphore(%run_scoped3A_758 : memref<!tpu.dma_semaphore, #tpu.memory_space<semaphore_mem>>) src(%arg6 : memref<512x128xf32, #tpu.memory_space<vmem>>) dst(%dma_wait3A_766 : memref<512x128xf32, #tpu.memory_space<hbm>>)
      tpu.yield
    }) : () -> ()
    return
  }
}

module attributes {stable_mosaic.version = 14 : i64} {
  func.func @_pack_u_body(%arg0: i32, %arg1: memref<64x32768xf32, #tpu.memory_space<vmem>>, %arg2: memref<8192x128xf32, #tpu.memory_space<vmem>>) attributes {dimension_semantics = [#tpu.dimension_semantics<arbitrary>], iteration_bounds = array<i64: 31>, scalar_prefetch = 0 : i64, scratch_operands = 0 : i64, tpu.core_type = #tpu.core_type<tc>, window_params = [{transform_indices = @transform_0, window_bounds = array<i64: 64, 32768>}, {transform_indices = @transform_1, window_bounds = array<i64: 8192, 128>}]} {
    %get3A = arith.constant 0 : index
    %get3A_0 = arith.constant 0 : index
    %get3A_1 = vector.load %arg1[%get3A, %get3A_0] : memref<64x32768xf32, #tpu.memory_space<vmem>>, vector<64x32768xf32>
    %convert_element_type3A = arith.truncf %get3A_1 : vector<64x32768xf32> to vector<64x32768xbf16>
    %convert_element_type3A_2 = arith.extf %convert_element_type3A : vector<64x32768xbf16> to vector<64x32768xf32>
    %bitcast_convert_type3A = tpu.bitcast %convert_element_type3A_2 : vector<64x32768xf32> -> vector<64x32768xi32>
    %slice3A = vector.extract_strided_slice %bitcast_convert_type3A {offsets = [0, 0], sizes = [32, 32768], strides = [1, 1]} : vector<64x32768xi32> to vector<32x32768xi32>
    %slice3A_3 = vector.extract_strided_slice %bitcast_convert_type3A {offsets = [32, 0], sizes = [32, 32768], strides = [1, 1]} : vector<64x32768xi32> to vector<32x32768xi32>
    %shift_right_logical3A = arith.constant 16 : i32
    %shift_right_logical3A_4 = vector.broadcast %shift_right_logical3A : i32 to vector<32x32768xi32>
    %shift_right_logical3A_5 = arith.shrui %slice3A_3, %shift_right_logical3A_4 : vector<32x32768xi32>
    %or3A = arith.ori %slice3A, %shift_right_logical3A_5 : vector<32x32768xi32>
    %slice3A_6 = vector.extract_strided_slice %or3A {offsets = [0, 0], sizes = [32, 8192], strides = [1, 1]} : vector<32x32768xi32> to vector<32x8192xi32>
    %slice3A_7 = vector.extract_strided_slice %or3A {offsets = [0, 8192], sizes = [32, 8192], strides = [1, 1]} : vector<32x32768xi32> to vector<32x8192xi32>
    %slice3A_8 = vector.extract_strided_slice %or3A {offsets = [0, 16384], sizes = [32, 8192], strides = [1, 1]} : vector<32x32768xi32> to vector<32x8192xi32>
    %slice3A_9 = vector.extract_strided_slice %or3A {offsets = [0, 24576], sizes = [32, 8192], strides = [1, 1]} : vector<32x32768xi32> to vector<32x8192xi32>
    %concatenate3A = tpu.concatenate %slice3A_6, %slice3A_7, %slice3A_8, %slice3A_9 in 0 : vector<32x8192xi32>, vector<32x8192xi32>, vector<32x8192xi32>, vector<32x8192xi32> -> vector<128x8192xi32>
    %bitcast_convert_type3A_10 = tpu.bitcast %concatenate3A : vector<128x8192xi32> -> vector<128x8192xf32>
    %transpose3A = tpu.transpose %bitcast_convert_type3A_10, [1, 0] : vector<128x8192xf32> -> vector<8192x128xf32>
    %swap3A = arith.constant 0 : index
    %swap3A_11 = arith.constant 0 : index
    %swap3A_12 = vector.load %arg2[%swap3A, %swap3A_11] : memref<8192x128xf32, #tpu.memory_space<vmem>>, vector<8192x128xf32>
    tpu.vector_store %arg2[%swap3A, %swap3A_11], %transpose3A {strides = array<i32>} : memref<8192x128xf32, #tpu.memory_space<vmem>>, vector<8192x128xf32>,
    return
  }
  func.func @transform_0(%arg0: i32) -> (i32, i32) {
    %c0_i32 = arith.constant 0 : i32
    %c0_i32_0 = arith.constant 0 : i32
    return %c0_i32, %arg0 : i32, i32
  }
  func.func @transform_1(%arg0: i32) -> (i32, i32) {
    %c0_i32 = arith.constant 0 : i32
    %c0_i32_0 = arith.constant 0 : i32
    return %arg0, %c0_i32 : i32, i32
  }
}

module attributes {stable_mosaic.version = 14 : i64} {
  func.func @_pack_i_body(%arg0: i32, %arg1: memref<24x65536xf32, #tpu.memory_space<vmem>>, %arg2: memref<8192x128xf32, #tpu.memory_space<vmem>>) attributes {dimension_semantics = [#tpu.dimension_semantics<arbitrary>], iteration_bounds = array<i64: 16>, scalar_prefetch = 0 : i64, scratch_operands = 0 : i64, tpu.core_type = #tpu.core_type<tc>, window_params = [{transform_indices = @transform_0, window_bounds = array<i64: 24, 65536>}, {transform_indices = @transform_1, window_bounds = array<i64: 8192, 128>}]} {
    %get3A = arith.constant 0 : index
    %get3A_0 = arith.constant 0 : index
    %get3A_1 = vector.load %arg1[%get3A, %get3A_0] : memref<24x65536xf32, #tpu.memory_space<vmem>>, vector<24x65536xf32>
    %convert_element_type3A = arith.truncf %get3A_1 : vector<24x65536xf32> to vector<24x65536xbf16>
    %convert_element_type3A_2 = arith.extf %convert_element_type3A : vector<24x65536xbf16> to vector<24x65536xf32>
    %bitcast_convert_type3A = tpu.bitcast %convert_element_type3A_2 : vector<24x65536xf32> -> vector<24x65536xi32>
    %slice3A = vector.extract_strided_slice %bitcast_convert_type3A {offsets = [16, 0], sizes = [8, 65536], strides = [1, 1]} : vector<24x65536xi32> to vector<8x65536xi32>
    %shift_right_logical3A = arith.constant 16 : i32
    %shift_right_logical3A_3 = vector.broadcast %shift_right_logical3A : i32 to vector<8x65536xi32>
    %shift_right_logical3A_4 = arith.shrui %slice3A, %shift_right_logical3A_3 : vector<8x65536xi32>
    %broadcast_in_dim3A = arith.constant 0 : i32
    %broadcast_in_dim3A_5 = vector.broadcast %broadcast_in_dim3A : i32 to vector<8x65536xi32>
    %concatenate3A = tpu.concatenate %shift_right_logical3A_4, %broadcast_in_dim3A_5 in 0 : vector<8x65536xi32>, vector<8x65536xi32> -> vector<16x65536xi32>
    %slice3A_6 = vector.extract_strided_slice %bitcast_convert_type3A {offsets = [0, 0], sizes = [16, 65536], strides = [1, 1]} : vector<24x65536xi32> to vector<16x65536xi32>
    %or3A = arith.ori %slice3A_6, %concatenate3A : vector<16x65536xi32>
    %slice3A_7 = vector.extract_strided_slice %or3A {offsets = [0, 0], sizes = [16, 8192], strides = [1, 1]} : vector<16x65536xi32> to vector<16x8192xi32>
    %slice3A_8 = vector.extract_strided_slice %or3A {offsets = [0, 8192], sizes = [16, 8192], strides = [1, 1]} : vector<16x65536xi32> to vector<16x8192xi32>
    %slice3A_9 = vector.extract_strided_slice %or3A {offsets = [0, 16384], sizes = [16, 8192], strides = [1, 1]} : vector<16x65536xi32> to vector<16x8192xi32>
    %slice3A_10 = vector.extract_strided_slice %or3A {offsets = [0, 24576], sizes = [16, 8192], strides = [1, 1]} : vector<16x65536xi32> to vector<16x8192xi32>
    %slice3A_11 = vector.extract_strided_slice %or3A {offsets = [0, 32768], sizes = [16, 8192], strides = [1, 1]} : vector<16x65536xi32> to vector<16x8192xi32>
    %slice3A_12 = vector.extract_strided_slice %or3A {offsets = [0, 40960], sizes = [16, 8192], strides = [1, 1]} : vector<16x65536xi32> to vector<16x8192xi32>
    %slice3A_13 = vector.extract_strided_slice %or3A {offsets = [0, 49152], sizes = [16, 8192], strides = [1, 1]} : vector<16x65536xi32> to vector<16x8192xi32>
    %slice3A_14 = vector.extract_strided_slice %or3A {offsets = [0, 57344], sizes = [16, 8192], strides = [1, 1]} : vector<16x65536xi32> to vector<16x8192xi32>
    %concatenate3A_15 = tpu.concatenate %slice3A_7, %slice3A_8, %slice3A_9, %slice3A_10, %slice3A_11, %slice3A_12, %slice3A_13, %slice3A_14 in 0 : vector<16x8192xi32>, vector<16x8192xi32>, vector<16x8192xi32>, vector<16x8192xi32>, vector<16x8192xi32>, vector<16x8192xi32>, vector<16x8192xi32>, vector<16x8192xi32> -> vector<128x8192xi32>
    %bitcast_convert_type3A_16 = tpu.bitcast %concatenate3A_15 : vector<128x8192xi32> -> vector<128x8192xf32>
    %transpose3A = tpu.transpose %bitcast_convert_type3A_16, [1, 0] : vector<128x8192xf32> -> vector<8192x128xf32>
    %swap3A = arith.constant 0 : index
    %swap3A_17 = arith.constant 0 : index
    %swap3A_18 = vector.load %arg2[%swap3A, %swap3A_17] : memref<8192x128xf32, #tpu.memory_space<vmem>>, vector<8192x128xf32>
    tpu.vector_store %arg2[%swap3A, %swap3A_17], %transpose3A {strides = array<i32>} : memref<8192x128xf32, #tpu.memory_space<vmem>>, vector<8192x128xf32>,
    return
  }
  func.func @transform_0(%arg0: i32) -> (i32, i32) {
    %c0_i32 = arith.constant 0 : i32
    %c0_i32_0 = arith.constant 0 : i32
    return %c0_i32, %arg0 : i32, i32
  }
  func.func @transform_1(%arg0: i32) -> (i32, i32) {
    %c0_i32 = arith.constant 0 : i32
    %c0_i32_0 = arith.constant 0 : i32
    return %arg0, %c0_i32 : i32, i32
  }
}

module attributes {stable_mosaic.version = 14 : i64} {
  func.func @_mlp_body(%arg0: i32, %arg1: memref<2048x128xf32, #tpu.memory_space<vmem>>, %arg2: memref<2048x128xf32, #tpu.memory_space<vmem>>, %arg3: memref<2048xi32, #tpu.memory_space<vmem>>, %arg4: memref<2048xi32, #tpu.memory_space<vmem>>, %arg5: memref<64x32xf32, #tpu.memory_space<vmem>>, %arg6: memref<24x32xf32, #tpu.memory_space<vmem>>, %arg7: memref<1x32xf32, #tpu.memory_space<vmem>>, %arg8: memref<32x16xf32, #tpu.memory_space<vmem>>, %arg9: memref<1x16xf32, #tpu.memory_space<vmem>>, %arg10: memref<64x32xf32, #tpu.memory_space<vmem>>, %arg11: memref<24x32xf32, #tpu.memory_space<vmem>>, %arg12: memref<1x32xf32, #tpu.memory_space<vmem>>, %arg13: memref<32x16xf32, #tpu.memory_space<vmem>>, %arg14: memref<1x16xf32, #tpu.memory_space<vmem>>, %arg15: memref<32x2xf32, #tpu.memory_space<vmem>>, %arg16: memref<1x2xf32, #tpu.memory_space<vmem>>, %arg17: memref<2048x2xf32, #tpu.memory_space<vmem>>) attributes {dimension_semantics = [#tpu.dimension_semantics<arbitrary>], iteration_bounds = array<i64: 8>, scalar_prefetch = 0 : i64, scratch_operands = 0 : i64, tpu.core_type = #tpu.core_type<tc>, window_params = [{transform_indices = @transform_0, window_bounds = array<i64: 2048, 128>}, {transform_indices = @transform_1, window_bounds = array<i64: 2048, 128>}, {transform_indices = @transform_2, window_bounds = array<i64: 2048>}, {transform_indices = @transform_3, window_bounds = array<i64: 2048>}, {pipeline_mode = #tpu.pipeline_mode<synchronous>, transform_indices = @transform_4, window_bounds = array<i64: 64, 32>}, {pipeline_mode = #tpu.pipeline_mode<synchronous>, transform_indices = @transform_5, window_bounds = array<i64: 24, 32>}, {pipeline_mode = #tpu.pipeline_mode<synchronous>, transform_indices = @transform_6, window_bounds = array<i64: 1, 32>}, {pipeline_mode = #tpu.pipeline_mode<synchronous>, transform_indices = @transform_7, window_bounds = array<i64: 32, 16>}, {pipeline_mode = #tpu.pipeline_mode<synchronous>, transform_indices = @transform_8, window_bounds = array<i64: 1, 16>}, {pipeline_mode = #tpu.pipeline_mode<synchronous>, transform_indices = @transform_9, window_bounds = array<i64: 64, 32>}, {pipeline_mode = #tpu.pipeline_mode<synchronous>, transform_indices = @transform_10, window_bounds = array<i64: 24, 32>}, {pipeline_mode = #tpu.pipeline_mode<synchronous>, transform_indices = @transform_11, window_bounds = array<i64: 1, 32>}, {pipeline_mode = #tpu.pipeline_mode<synchronous>, transform_indices = @transform_12, window_bounds = array<i64: 32, 16>}, {pipeline_mode = #tpu.pipeline_mode<synchronous>, transform_indices = @transform_13, window_bounds = array<i64: 1, 16>}, {pipeline_mode = #tpu.pipeline_mode<synchronous>, transform_indices = @transform_14, window_bounds = array<i64: 32, 2>}, {pipeline_mode = #tpu.pipeline_mode<synchronous>, transform_indices = @transform_15, window_bounds = array<i64: 1, 2>}, {transform_indices = @transform_16, window_bounds = array<i64: 2048, 2>}]} {
    %get3A = arith.constant 0 : index
    %get3A_0 = vector.load %arg3[%get3A] : memref<2048xi32, #tpu.memory_space<vmem>>, vector<2048xi32>
    %get3A_1 = arith.constant 0 : index
    %get3A_2 = vector.load %arg4[%get3A_1] : memref<2048xi32, #tpu.memory_space<vmem>>, vector<2048xi32>
    %get3A_3 = arith.constant 0 : index
    %get3A_4 = arith.constant 0 : index
    %get3A_5 = vector.load %arg1[%get3A_3, %get3A_4] : memref<2048x128xf32, #tpu.memory_space<vmem>>, vector<2048x128xf32>
    %bitcast_convert_type3A = tpu.bitcast %get3A_5 : vector<2048x128xf32> -> vector<2048x128xi32>
    %get3A_6 = arith.constant 0 : index
    %get3A_7 = arith.constant 0 : index
    %get3A_8 = vector.load %arg2[%get3A_6, %get3A_7] : memref<2048x128xf32, #tpu.memory_space<vmem>>, vector<2048x128xf32>
    %bitcast_convert_type3A_9 = tpu.bitcast %get3A_8 : vector<2048x128xf32> -> vector<2048x128xi32>
    %shift_right_arithmetic3A = arith.constant 13 : i32
    %shift_right_arithmetic3A_10 = vector.broadcast %shift_right_arithmetic3A : i32 to vector<2048xi32>
    %shift_right_arithmetic3A_11 = arith.shrsi %get3A_0, %shift_right_arithmetic3A_10 : vector<2048xi32>
    %and3A = arith.constant 3 : i32
    %and3A_12 = vector.broadcast %and3A : i32 to vector<2048xi32>
    %and3A_13 = arith.andi %shift_right_arithmetic3A_11, %and3A_12 : vector<2048xi32>
    %broadcast_in_dim3A = vector.shape_cast %and3A_13 : vector<2048xi32> to vector<2048x1xi32>
    %eq3A = arith.constant 0 : i32
    %eq3A_14 = vector.broadcast %eq3A : i32 to vector<2048x1xi32>
    %eq3A_15 = arith.cmpi eq, %broadcast_in_dim3A, %eq3A_14 : vector<2048x1xi32>
    %slice3A = vector.extract_strided_slice %bitcast_convert_type3A {offsets = [0, 0], sizes = [2048, 32], strides = [1, 1]} : vector<2048x128xi32> to vector<2048x32xi32>
    %eq3A_16 = arith.constant 1 : i32
    %eq3A_17 = vector.broadcast %eq3A_16 : i32 to vector<2048x1xi32>
    %eq3A_18 = arith.cmpi eq, %broadcast_in_dim3A, %eq3A_17 : vector<2048x1xi32>
    %slice3A_19 = vector.extract_strided_slice %bitcast_convert_type3A {offsets = [0, 32], sizes = [2048, 32], strides = [1, 1]} : vector<2048x128xi32> to vector<2048x32xi32>
    %eq3A_20 = arith.constant 2 : i32
    %eq3A_21 = vector.broadcast %eq3A_20 : i32 to vector<2048x1xi32>
    %eq3A_22 = arith.cmpi eq, %broadcast_in_dim3A, %eq3A_21 : vector<2048x1xi32>
    %slice3A_23 = vector.extract_strided_slice %bitcast_convert_type3A {offsets = [0, 64], sizes = [2048, 32], strides = [1, 1]} : vector<2048x128xi32> to vector<2048x32xi32>
    %slice3A_24 = vector.extract_strided_slice %bitcast_convert_type3A {offsets = [0, 96], sizes = [2048, 32], strides = [1, 1]} : vector<2048x128xi32> to vector<2048x32xi32>
    %broadcast_in_dim3A_25 = vector.shape_cast %eq3A_22 : vector<2048x1xi1> to vector<2048x1xi1>
    %broadcast_in_dim3A_26 = vector.broadcast %broadcast_in_dim3A_25 : vector<2048x1xi1> to vector<2048x32xi1>
    %select_n3A = arith.select %broadcast_in_dim3A_26, %slice3A_23, %slice3A_24 : vector<2048x32xi1>, vector<2048x32xi32>
    %broadcast_in_dim3A_27 = vector.shape_cast %eq3A_18 : vector<2048x1xi1> to vector<2048x1xi1>
    %broadcast_in_dim3A_28 = vector.broadcast %broadcast_in_dim3A_27 : vector<2048x1xi1> to vector<2048x32xi1>
    %select_n3A_29 = arith.select %broadcast_in_dim3A_28, %slice3A_19, %select_n3A : vector<2048x32xi1>, vector<2048x32xi32>
    %broadcast_in_dim3A_30 = vector.shape_cast %eq3A_15 : vector<2048x1xi1> to vector<2048x1xi1>
    %broadcast_in_dim3A_31 = vector.broadcast %broadcast_in_dim3A_30 : vector<2048x1xi1> to vector<2048x32xi1>
    %select_n3A_32 = arith.select %broadcast_in_dim3A_31, %slice3A, %select_n3A_29 : vector<2048x32xi1>, vector<2048x32xi32>
    %and3A_33 = arith.constant -65536 : i32
    %and3A_34 = vector.broadcast %and3A_33 : i32 to vector<2048x32xi32>
    %and3A_35 = arith.andi %select_n3A_32, %and3A_34 : vector<2048x32xi32>
    %bitcast_convert_type3A_36 = tpu.bitcast %and3A_35 : vector<2048x32xi32> -> vector<2048x32xf32>
    %shift_left3A = arith.constant 16 : i32
    %shift_left3A_37 = vector.broadcast %shift_left3A : i32 to vector<2048x32xi32>
    %shift_left3A_38 = arith.shli %select_n3A_32, %shift_left3A_37 : vector<2048x32xi32>
    %bitcast_convert_type3A_39 = tpu.bitcast %shift_left3A_38 : vector<2048x32xi32> -> vector<2048x32xf32>
    %concatenate3A = tpu.concatenate %bitcast_convert_type3A_36, %bitcast_convert_type3A_39 in 1 : vector<2048x32xf32>, vector<2048x32xf32> -> vector<2048x64xf32>
    %shift_right_arithmetic3A_40 = arith.constant 13 : i32
    %shift_right_arithmetic3A_41 = vector.broadcast %shift_right_arithmetic3A_40 : i32 to vector<2048xi32>
    %shift_right_arithmetic3A_42 = arith.shrsi %get3A_2, %shift_right_arithmetic3A_41 : vector<2048xi32>
    %and3A_43 = arith.constant 7 : i32
    %and3A_44 = vector.broadcast %and3A_43 : i32 to vector<2048xi32>
    %and3A_45 = arith.andi %shift_right_arithmetic3A_42, %and3A_44 : vector<2048xi32>
    %broadcast_in_dim3A_46 = vector.shape_cast %and3A_45 : vector<2048xi32> to vector<2048x1xi32>
    %slice3A_47 = vector.extract_strided_slice %bitcast_convert_type3A_9 {offsets = [0, 112], sizes = [2048, 16], strides = [1, 1]} : vector<2048x128xi32> to vector<2048x16xi32>
    %eq3A_48 = arith.constant 6 : i32
    %eq3A_49 = vector.broadcast %eq3A_48 : i32 to vector<2048x1xi32>
    %eq3A_50 = arith.cmpi eq, %broadcast_in_dim3A_46, %eq3A_49 : vector<2048x1xi32>
    %slice3A_51 = vector.extract_strided_slice %bitcast_convert_type3A_9 {offsets = [0, 96], sizes = [2048, 16], strides = [1, 1]} : vector<2048x128xi32> to vector<2048x16xi32>
    %broadcast_in_dim3A_52 = vector.shape_cast %eq3A_50 : vector<2048x1xi1> to vector<2048x1xi1>
    %broadcast_in_dim3A_53 = vector.broadcast %broadcast_in_dim3A_52 : vector<2048x1xi1> to vector<2048x16xi1>
    %select_n3A_54 = arith.select %broadcast_in_dim3A_53, %slice3A_51, %slice3A_47 : vector<2048x16xi1>, vector<2048x16xi32>
    %eq3A_55 = arith.constant 5 : i32
    %eq3A_56 = vector.broadcast %eq3A_55 : i32 to vector<2048x1xi32>
    %eq3A_57 = arith.cmpi eq, %broadcast_in_dim3A_46, %eq3A_56 : vector<2048x1xi32>
    %slice3A_58 = vector.extract_strided_slice %bitcast_convert_type3A_9 {offsets = [0, 80], sizes = [2048, 16], strides = [1, 1]} : vector<2048x128xi32> to vector<2048x16xi32>
    %broadcast_in_dim3A_59 = vector.shape_cast %eq3A_57 : vector<2048x1xi1> to vector<2048x1xi1>
    %broadcast_in_dim3A_60 = vector.broadcast %broadcast_in_dim3A_59 : vector<2048x1xi1> to vector<2048x16xi1>
    %select_n3A_61 = arith.select %broadcast_in_dim3A_60, %slice3A_58, %select_n3A_54 : vector<2048x16xi1>, vector<2048x16xi32>
    %eq3A_62 = arith.constant 4 : i32
    %eq3A_63 = vector.broadcast %eq3A_62 : i32 to vector<2048x1xi32>
    %eq3A_64 = arith.cmpi eq, %broadcast_in_dim3A_46, %eq3A_63 : vector<2048x1xi32>
    %slice3A_65 = vector.extract_strided_slice %bitcast_convert_type3A_9 {offsets = [0, 64], sizes = [2048, 16], strides = [1, 1]} : vector<2048x128xi32> to vector<2048x16xi32>
    %broadcast_in_dim3A_66 = vector.shape_cast %eq3A_64 : vector<2048x1xi1> to vector<2048x1xi1>
    %broadcast_in_dim3A_67 = vector.broadcast %broadcast_in_dim3A_66 : vector<2048x1xi1> to vector<2048x16xi1>
    %select_n3A_68 = arith.select %broadcast_in_dim3A_67, %slice3A_65, %select_n3A_61 : vector<2048x16xi1>, vector<2048x16xi32>
    %eq3A_69 = arith.constant 3 : i32
    %eq3A_70 = vector.broadcast %eq3A_69 : i32 to vector<2048x1xi32>
    %eq3A_71 = arith.cmpi eq, %broadcast_in_dim3A_46, %eq3A_70 : vector<2048x1xi32>
    %slice3A_72 = vector.extract_strided_slice %bitcast_convert_type3A_9 {offsets = [0, 48], sizes = [2048, 16], strides = [1, 1]} : vector<2048x128xi32> to vector<2048x16xi32>
    %broadcast_in_dim3A_73 = vector.shape_cast %eq3A_71 : vector<2048x1xi1> to vector<2048x1xi1>
    %broadcast_in_dim3A_74 = vector.broadcast %broadcast_in_dim3A_73 : vector<2048x1xi1> to vector<2048x16xi1>
    %select_n3A_75 = arith.select %broadcast_in_dim3A_74, %slice3A_72, %select_n3A_68 : vector<2048x16xi1>, vector<2048x16xi32>
    %eq3A_76 = arith.constant 2 : i32
    %eq3A_77 = vector.broadcast %eq3A_76 : i32 to vector<2048x1xi32>
    %eq3A_78 = arith.cmpi eq, %broadcast_in_dim3A_46, %eq3A_77 : vector<2048x1xi32>
    %slice3A_79 = vector.extract_strided_slice %bitcast_convert_type3A_9 {offsets = [0, 32], sizes = [2048, 16], strides = [1, 1]} : vector<2048x128xi32> to vector<2048x16xi32>
    %broadcast_in_dim3A_80 = vector.shape_cast %eq3A_78 : vector<2048x1xi1> to vector<2048x1xi1>
    %broadcast_in_dim3A_81 = vector.broadcast %broadcast_in_dim3A_80 : vector<2048x1xi1> to vector<2048x16xi1>
    %select_n3A_82 = arith.select %broadcast_in_dim3A_81, %slice3A_79, %select_n3A_75 : vector<2048x16xi1>, vector<2048x16xi32>
    %eq3A_83 = arith.constant 1 : i32
    %eq3A_84 = vector.broadcast %eq3A_83 : i32 to vector<2048x1xi32>
    %eq3A_85 = arith.cmpi eq, %broadcast_in_dim3A_46, %eq3A_84 : vector<2048x1xi32>
    %slice3A_86 = vector.extract_strided_slice %bitcast_convert_type3A_9 {offsets = [0, 16], sizes = [2048, 16], strides = [1, 1]} : vector<2048x128xi32> to vector<2048x16xi32>
    %broadcast_in_dim3A_87 = vector.shape_cast %eq3A_85 : vector<2048x1xi1> to vector<2048x1xi1>
    %broadcast_in_dim3A_88 = vector.broadcast %broadcast_in_dim3A_87 : vector<2048x1xi1> to vector<2048x16xi1>
    %select_n3A_89 = arith.select %broadcast_in_dim3A_88, %slice3A_86, %select_n3A_82 : vector<2048x16xi1>, vector<2048x16xi32>
    %eq3A_90 = arith.constant 0 : i32
    %eq3A_91 = vector.broadcast %eq3A_90 : i32 to vector<2048x1xi32>
    %eq3A_92 = arith.cmpi eq, %broadcast_in_dim3A_46, %eq3A_91 : vector<2048x1xi32>
    %slice3A_93 = vector.extract_strided_slice %bitcast_convert_type3A_9 {offsets = [0, 0], sizes = [2048, 16], strides = [1, 1]} : vector<2048x128xi32> to vector<2048x16xi32>
    %broadcast_in_dim3A_94 = vector.shape_cast %eq3A_92 : vector<2048x1xi1> to vector<2048x1xi1>
    %broadcast_in_dim3A_95 = vector.broadcast %broadcast_in_dim3A_94 : vector<2048x1xi1> to vector<2048x16xi1>
    %select_n3A_96 = arith.select %broadcast_in_dim3A_95, %slice3A_93, %select_n3A_89 : vector<2048x16xi1>, vector<2048x16xi32>
    %and3A_97 = arith.constant -65536 : i32
    %and3A_98 = vector.broadcast %and3A_97 : i32 to vector<2048x16xi32>
    %and3A_99 = arith.andi %select_n3A_96, %and3A_98 : vector<2048x16xi32>
    %bitcast_convert_type3A_100 = tpu.bitcast %and3A_99 : vector<2048x16xi32> -> vector<2048x16xf32>
    %shift_left3A_101 = arith.constant 16 : i32
    %shift_left3A_102 = vector.broadcast %shift_left3A_101 : i32 to vector<2048x16xi32>
    %shift_left3A_103 = arith.shli %select_n3A_96, %shift_left3A_102 : vector<2048x16xi32>
    %bitcast_convert_type3A_104 = tpu.bitcast %shift_left3A_103 : vector<2048x16xi32> -> vector<2048x16xf32>
    %concatenate3A_105 = tpu.concatenate %bitcast_convert_type3A_100, %bitcast_convert_type3A_104 in 1 : vector<2048x16xf32>, vector<2048x16xf32> -> vector<2048x32xf32>
    %slice3A_106 = vector.extract_strided_slice %concatenate3A_105 {offsets = [0, 0], sizes = [2048, 24], strides = [1, 1]} : vector<2048x32xf32> to vector<2048x24xf32>
    %get3A_107 = arith.constant 0 : index
    %get3A_108 = arith.constant 0 : index
    %get3A_109 = vector.load %arg5[%get3A_107, %get3A_108] : memref<64x32xf32, #tpu.memory_space<vmem>>, vector<64x32xf32>
    %dot_general3A = arith.constant dense<0.000000e+00> : vector<2048x32xf32>
    %dot_general3A_110 = tpu.matmul %concatenate3A, %get3A_109, %dot_general3A {dimension_numbers = #tpu.dot_dimension_numbers<[1], [0], [0], [1], [0, 0, 1, 1], [], []>, transpose_lhs_hint = false} : vector<2048x64xf32>, vector<64x32xf32>, vector<2048x32xf32> -> vector<2048x32xf32>
    %get3A_111 = arith.constant 0 : index
    %get3A_112 = arith.constant 0 : index
    %get3A_113 = vector.load %arg6[%get3A_111, %get3A_112] : memref<24x32xf32, #tpu.memory_space<vmem>>, vector<24x32xf32>
    %dot_general3A_114 = arith.constant dense<0.000000e+00> : vector<2048x32xf32>
    %dot_general3A_115 = tpu.matmul %slice3A_106, %get3A_113, %dot_general3A_114 {dimension_numbers = #tpu.dot_dimension_numbers<[1], [0], [0], [1], [0, 0, 1, 1], [], []>, transpose_lhs_hint = false} : vector<2048x24xf32>, vector<24x32xf32>, vector<2048x32xf32> -> vector<2048x32xf32>
    %add3A = arith.addf %dot_general3A_110, %dot_general3A_115 : vector<2048x32xf32>
    %get3A_116 = arith.constant 0 : index
    %get3A_117 = arith.constant 0 : index
    %get3A_118 = vector.load %arg7[%get3A_116, %get3A_117] : memref<1x32xf32, #tpu.memory_space<vmem>>, vector<1x32xf32>
    %add3A_119 = vector.broadcast %get3A_118 : vector<1x32xf32> to vector<2048x32xf32>
    %add3A_120 = arith.addf %add3A, %add3A_119 : vector<2048x32xf32>
    %max3A = arith.constant 0.000000e+00 : f32
    %max3A_121 = vector.broadcast %max3A : f32 to vector<2048x32xf32>
    %max3A_122 = arith.maximumf %add3A_120, %max3A_121 : vector<2048x32xf32>
    %get3A_123 = arith.constant 0 : index
    %get3A_124 = arith.constant 0 : index
    %get3A_125 = vector.load %arg8[%get3A_123, %get3A_124] : memref<32x16xf32, #tpu.memory_space<vmem>>, vector<32x16xf32>
    %dot_general3A_126 = arith.constant dense<0.000000e+00> : vector<2048x16xf32>
    %dot_general3A_127 = tpu.matmul %max3A_122, %get3A_125, %dot_general3A_126 {dimension_numbers = #tpu.dot_dimension_numbers<[1], [0], [0], [1], [0, 0, 1, 1], [], []>, transpose_lhs_hint = false} : vector<2048x32xf32>, vector<32x16xf32>, vector<2048x16xf32> -> vector<2048x16xf32>
    %get3A_128 = arith.constant 0 : index
    %get3A_129 = arith.constant 0 : index
    %get3A_130 = vector.load %arg9[%get3A_128, %get3A_129] : memref<1x16xf32, #tpu.memory_space<vmem>>, vector<1x16xf32>
    %add3A_131 = vector.broadcast %get3A_130 : vector<1x16xf32> to vector<2048x16xf32>
    %add3A_132 = arith.addf %dot_general3A_127, %add3A_131 : vector<2048x16xf32>
    %max3A_133 = arith.constant 0.000000e+00 : f32
    %max3A_134 = vector.broadcast %max3A_133 : f32 to vector<2048x16xf32>
    %max3A_135 = arith.maximumf %add3A_132, %max3A_134 : vector<2048x16xf32>
    %get3A_136 = arith.constant 0 : index
    %get3A_137 = arith.constant 0 : index
    %get3A_138 = vector.load %arg10[%get3A_136, %get3A_137] : memref<64x32xf32, #tpu.memory_space<vmem>>, vector<64x32xf32>
    %dot_general3A_139 = arith.constant dense<0.000000e+00> : vector<2048x32xf32>
    %dot_general3A_140 = tpu.matmul %concatenate3A, %get3A_138, %dot_general3A_139 {dimension_numbers = #tpu.dot_dimension_numbers<[1], [0], [0], [1], [0, 0, 1, 1], [], []>, transpose_lhs_hint = false} : vector<2048x64xf32>, vector<64x32xf32>, vector<2048x32xf32> -> vector<2048x32xf32>
    %get3A_141 = arith.constant 0 : index
    %get3A_142 = arith.constant 0 : index
    %get3A_143 = vector.load %arg11[%get3A_141, %get3A_142] : memref<24x32xf32, #tpu.memory_space<vmem>>, vector<24x32xf32>
    %dot_general3A_144 = arith.constant dense<0.000000e+00> : vector<2048x32xf32>
    %dot_general3A_145 = tpu.matmul %slice3A_106, %get3A_143, %dot_general3A_144 {dimension_numbers = #tpu.dot_dimension_numbers<[1], [0], [0], [1], [0, 0, 1, 1], [], []>, transpose_lhs_hint = false} : vector<2048x24xf32>, vector<24x32xf32>, vector<2048x32xf32> -> vector<2048x32xf32>
    %add3A_146 = arith.addf %dot_general3A_140, %dot_general3A_145 : vector<2048x32xf32>
    %get3A_147 = arith.constant 0 : index
    %get3A_148 = arith.constant 0 : index
    %get3A_149 = vector.load %arg12[%get3A_147, %get3A_148] : memref<1x32xf32, #tpu.memory_space<vmem>>, vector<1x32xf32>
    %add3A_150 = vector.broadcast %get3A_149 : vector<1x32xf32> to vector<2048x32xf32>
    %add3A_151 = arith.addf %add3A_146, %add3A_150 : vector<2048x32xf32>
    %max3A_152 = arith.constant 0.000000e+00 : f32
    %max3A_153 = vector.broadcast %max3A_152 : f32 to vector<2048x32xf32>
    %max3A_154 = arith.maximumf %add3A_151, %max3A_153 : vector<2048x32xf32>
    %get3A_155 = arith.constant 0 : index
    %get3A_156 = arith.constant 0 : index
    %get3A_157 = vector.load %arg13[%get3A_155, %get3A_156] : memref<32x16xf32, #tpu.memory_space<vmem>>, vector<32x16xf32>
    %dot_general3A_158 = arith.constant dense<0.000000e+00> : vector<2048x16xf32>
    %dot_general3A_159 = tpu.matmul %max3A_154, %get3A_157, %dot_general3A_158 {dimension_numbers = #tpu.dot_dimension_numbers<[1], [0], [0], [1], [0, 0, 1, 1], [], []>, transpose_lhs_hint = false} : vector<2048x32xf32>, vector<32x16xf32>, vector<2048x16xf32> -> vector<2048x16xf32>
    %get3A_160 = arith.constant 0 : index
    %get3A_161 = arith.constant 0 : index
    %get3A_162 = vector.load %arg14[%get3A_160, %get3A_161] : memref<1x16xf32, #tpu.memory_space<vmem>>, vector<1x16xf32>
    %add3A_163 = vector.broadcast %get3A_162 : vector<1x16xf32> to vector<2048x16xf32>
    %add3A_164 = arith.addf %dot_general3A_159, %add3A_163 : vector<2048x16xf32>
    %max3A_165 = arith.constant 0.000000e+00 : f32
    %max3A_166 = vector.broadcast %max3A_165 : f32 to vector<2048x16xf32>
    %max3A_167 = arith.maximumf %add3A_164, %max3A_166 : vector<2048x16xf32>
    %concatenate3A_168 = tpu.concatenate %max3A_135, %max3A_167 in 1 : vector<2048x16xf32>, vector<2048x16xf32> -> vector<2048x32xf32>
    %get3A_169 = arith.constant 0 : index
    %get3A_170 = arith.constant 0 : index
    %get3A_171 = vector.load %arg15[%get3A_169, %get3A_170] : memref<32x2xf32, #tpu.memory_space<vmem>>, vector<32x2xf32>
    %dot_general3A_172 = arith.constant dense<0.000000e+00> : vector<2048x2xf32>
    %dot_general3A_173 = tpu.matmul %concatenate3A_168, %get3A_171, %dot_general3A_172 {dimension_numbers = #tpu.dot_dimension_numbers<[1], [0], [0], [1], [0, 0, 1, 1], [], []>, transpose_lhs_hint = false} : vector<2048x32xf32>, vector<32x2xf32>, vector<2048x2xf32> -> vector<2048x2xf32>
    %get3A_174 = arith.constant 0 : index
    %get3A_175 = arith.constant 0 : index
    %get3A_176 = vector.load %arg16[%get3A_174, %get3A_175] : memref<1x2xf32, #tpu.memory_space<vmem>>, vector<1x2xf32>
    %add3A_177 = vector.broadcast %get3A_176 : vector<1x2xf32> to vector<2048x2xf32>
    %add3A_178 = arith.addf %dot_general3A_173, %add3A_177 : vector<2048x2xf32>
    %neg3A = arith.constant 0.000000e+00 : f32
    %neg3A_179 = vector.broadcast %neg3A : f32 to vector<2048x2xf32>
    %neg3A_180 = arith.subf %neg3A_179, %add3A_178 : vector<2048x2xf32>
    %exp3A = math.exp %neg3A_180 : vector<2048x2xf32>
    %add3A_181 = arith.constant 1.000000e+00 : f32
    %add3A_182 = vector.broadcast %add3A_181 : f32 to vector<2048x2xf32>
    %add3A_183 = arith.addf %add3A_182, %exp3A : vector<2048x2xf32>
    %div3A = arith.constant 1.000000e+00 : f32
    %div3A_184 = vector.broadcast %div3A : f32 to vector<2048x2xf32>
    %div3A_185 = arith.divf %div3A_184, %add3A_183 : vector<2048x2xf32>
    %swap3A = arith.constant 0 : index
    %swap3A_186 = arith.constant 0 : index
    %swap3A_187 = vector.load %arg17[%swap3A, %swap3A_186] : memref<2048x2xf32, #tpu.memory_space<vmem>>, vector<2048x2xf32>
    tpu.vector_store %arg17[%swap3A, %swap3A_186], %div3A_185 {strides = array<i32>} : memref<2048x2xf32, #tpu.memory_space<vmem>>, vector<2048x2xf32>,
    return
  }
  func.func @transform_0(%arg0: i32) -> (i32, i32) {
    %c0_i32 = arith.constant 0 : i32
    %c0_i32_0 = arith.constant 0 : i32
    return %arg0, %c0_i32 : i32, i32
  }
  func.func @transform_1(%arg0: i32) -> (i32, i32) {
    %c0_i32 = arith.constant 0 : i32
    %c0_i32_0 = arith.constant 0 : i32
    return %arg0, %c0_i32 : i32, i32
  }
  func.func @transform_2(%arg0: i32) -> i32 {
    %c0_i32 = arith.constant 0 : i32
    return %arg0 : i32
  }
  func.func @transform_3(%arg0: i32) -> i32 {
    %c0_i32 = arith.constant 0 : i32
    return %arg0 : i32
  }
  func.func @transform_4(%arg0: i32) -> (i32, i32) {
    %c0_i32 = arith.constant 0 : i32
    %c0_i32_0 = arith.constant 0 : i32
    %c0_i32_1 = arith.constant 0 : i32
    return %c0_i32, %c0_i32_0 : i32, i32
  }
  func.func @transform_5(%arg0: i32) -> (i32, i32) {
    %c0_i32 = arith.constant 0 : i32
    %c0_i32_0 = arith.constant 0 : i32
    %c0_i32_1 = arith.constant 0 : i32
    return %c0_i32, %c0_i32_0 : i32, i32
  }
  func.func @transform_6(%arg0: i32) -> (i32, i32) {
    %c0_i32 = arith.constant 0 : i32
    %c0_i32_0 = arith.constant 0 : i32
    %c0_i32_1 = arith.constant 0 : i32
    return %c0_i32, %c0_i32_0 : i32, i32
  }
  func.func @transform_7(%arg0: i32) -> (i32, i32) {
    %c0_i32 = arith.constant 0 : i32
    %c0_i32_0 = arith.constant 0 : i32
    %c0_i32_1 = arith.constant 0 : i32
    return %c0_i32, %c0_i32_0 : i32, i32
  }
  func.func @transform_8(%arg0: i32) -> (i32, i32) {
    %c0_i32 = arith.constant 0 : i32
    %c0_i32_0 = arith.constant 0 : i32
    %c0_i32_1 = arith.constant 0 : i32
    return %c0_i32, %c0_i32_0 : i32, i32
  }
  func.func @transform_9(%arg0: i32) -> (i32, i32) {
    %c0_i32 = arith.constant 0 : i32
    %c0_i32_0 = arith.constant 0 : i32
    %c0_i32_1 = arith.constant 0 : i32
    return %c0_i32, %c0_i32_0 : i32, i32
  }
  func.func @transform_10(%arg0: i32) -> (i32, i32) {
    %c0_i32 = arith.constant 0 : i32
    %c0_i32_0 = arith.constant 0 : i32
    %c0_i32_1 = arith.constant 0 : i32
    return %c0_i32, %c0_i32_0 : i32, i32
  }
  func.func @transform_11(%arg0: i32) -> (i32, i32) {
    %c0_i32 = arith.constant 0 : i32
    %c0_i32_0 = arith.constant 0 : i32
    %c0_i32_1 = arith.constant 0 : i32
    return %c0_i32, %c0_i32_0 : i32, i32
  }
  func.func @transform_12(%arg0: i32) -> (i32, i32) {
    %c0_i32 = arith.constant 0 : i32
    %c0_i32_0 = arith.constant 0 : i32
    %c0_i32_1 = arith.constant 0 : i32
    return %c0_i32, %c0_i32_0 : i32, i32
  }
  func.func @transform_13(%arg0: i32) -> (i32, i32) {
    %c0_i32 = arith.constant 0 : i32
    %c0_i32_0 = arith.constant 0 : i32
    %c0_i32_1 = arith.constant 0 : i32
    return %c0_i32, %c0_i32_0 : i32, i32
  }
  func.func @transform_14(%arg0: i32) -> (i32, i32) {
    %c0_i32 = arith.constant 0 : i32
    %c0_i32_0 = arith.constant 0 : i32
    %c0_i32_1 = arith.constant 0 : i32
    return %c0_i32, %c0_i32_0 : i32, i32
  }
  func.func @transform_15(%arg0: i32) -> (i32, i32) {
    %c0_i32 = arith.constant 0 : i32
    %c0_i32_0 = arith.constant 0 : i32
    %c0_i32_1 = arith.constant 0 : i32
    return %c0_i32, %c0_i32_0 : i32, i32
  }
  func.func @transform_16(%arg0: i32) -> (i32, i32) {
    %c0_i32 = arith.constant 0 : i32
    %c0_i32_0 = arith.constant 0 : i32
    return %arg0, %c0_i32 : i32, i32
  }
}

</mosaic_0001>

<sc_bundles>
// kernel: kernel.10.cloned.1.call-start
scs
__scs_entry_jumppad:
0x0: {  	(pc) =	sbr.rel $0x88, $3  }
0x1: {  	(tag) =	ssettag $0x0;
	lr =	simm.s32 $0x1  }
0x2: {  	[smem:$0x3F91] =	sst lr;
	_ =	strace $0xD0000000  }
0x3: {  	_ = 	snop  }
0x4: {  	_ = 	snop  }
0x5: {  	_ = 	snop  }
0x6: {  	_ = 	snop  }
0x7: {  	_ = 	snop  }
__scs_overlays_trampoline_lowered:
0x8: {  	[smem:$0x3FA0] =	sst s0  }
0x9: {  	[smem:$0x3FA1] =	sst s1  }
0xa: {  	[smem:$0x3FA2] =	sst s2  }
0xb: {  	[smem:$0x3FA3] =	sst s3  }
0xc: {  	[smem:$0x3FA4] =	sst s4  }
0xd: {  	[smem:$0x3FA5] =	sst s5  }
0xe: {  	[smem:$0x3FA6] =	sst s6  }
0xf: {  	[smem:$0x3FA7] =	sst s7  }
0x10: {  	[smem:$0x3FA8] =	sst s8  }
0x11: {  	[smem:$0x3FA9] =	sst s9;
	s0 =	simm.s32 @!p0 $0x0  }
0x12: {  	s1 =	sld [smem:$0x3F8F];
	s0 =	simm.s32 @p0 $0x1  }
0x13: {  	[smem:$0x3FAA] =	sst s0;
	s0 =	simm.s32 @!p1 $0x0  }
0x14: {  	s2 =	sld [smem:$0x3F8E];
	s0 =	simm.s32 @p1 $0x1  }
0x15: {  	[smem:$0x3FAB] =	sst s0;
	s0 =	simm.s32 @!p2 $0x0  }
0x16: {  	s3 =	sld [smem:$0x3FDB];
	s0 =	simm.s32 @p2 $0x1  }
0x17: {  	s4 =	simm.s32 $0x1BF5;
	[smem:$0x3FAD] =	sst s0  }
0x18: {  	s0 =	sld [smem:$0x3F90];
	_ =	swait.ge [sflag:s4], $0x0  }
0x19: {  	s7 =	sld [smem:$0x3F91]  }
0x1a: {  	s8 =	sadd.s32 $0xFFFFE003, lr  }
0x1b: {  	s9 =	sadd.s32 $0xFFFFFEF7, lr;
	s5 =	simm.s32 $0xFFFFFFFF;
	p2 =	slt.u32 s8, $0xFFFFF086  }
0x1c: {  	p1 =	slt.u32 s9, $0xF7A;
	s5 =	simm.s32 @!p2 $0x0  }
0x1d: {  	s5 =	simm.s32 @p1 $0x1;
	p0 =	seq.s32 s7, s2  }
0x1e: {  	s7 =	smul.u32 @!p0 $0xF7A, s2;
	p2 =	seq.s32 @!p0 s5, $0x0  }
0x1f: {  	s9 =	smul.u32 $0xF7A, s1;
	s8 =	simm.s32 @!p0 $0x1BF5;
	p2 =	por !p2, p0  }
0x20: {  	[sflag:s8] =	ssyncset.s32 @!p0 $0xFFFFF086;
	s6 =	sadd.s32 @!p0 s3, s7;
	s7 =	simm.s32 @!p0 $0x108  }
0x21: {  	s3 =	sadd.s32 s3, s9;
	s6 =	sadd.s32 @!p0 $0x88, s6;
	s7 =	simm.s32 @p2 $0x1082  }
0x22: {  	[simem:s7], [sflag:s8] =	dma.local @!p0 [hbm:s6], $0xF7A  }
0x23: {  	s9 =	sor.u32 $0xD0000000, s2;
	s6 =	simm.s32 $0x108;
	_ =	swait.ge @!p0 [sflag:s8], $0x0  }
0x24: {  	s3 =	sadd.s32 $0x88, s3;
	s6 =	simm.s32 @!p1 $0x1082;
	[sflag:s4] =	ssyncset.s32 $0xFFFFF086  }
0x25: {  	[simem:s6], [sflag:s4] =	dma.local [hbm:s3], $0xF7A  }
0x26: {  	[smem:$0x3F91] =	sst s1;
	(tag) =	ssettag s2;
	_ =	strace s9  }
0x27: {  	s1 =	sld [smem:$0x3FA1]  }
0x28: {  	s2 =	sld [smem:$0x3FA2]  }
0x29: {  	s4 =	sld [smem:$0x3FA4]  }
0x2a: {  	p0 =	seq.s32 s5, $0x0;
	s5 =	sld [smem:$0x3FA5]  }
0x2b: {  	s6 =	sld [smem:$0x3FA6]  }
0x2c: {  	s7 =	sld [smem:$0x3FA7]  }
0x2d: {  	s3 =	simm.s32 $0x108;
	s8 =	sld [smem:$0x3FA8]  }
0x2e: {  	s3 =	simm.s32 @!p0 $0x1082;
	s9 =	sld [smem:$0x3FA9]  }
0x2f: {  	lr =	sadd.s32 s0, s3;
	s0 =	sld [smem:$0x3FA0]  }
0x30: {  	s3 =	sld [smem:$0x3FA3]  }
0x31: {  	[smem:$0x3FAC] =	sst s10  }
0x32: {  	s10 =	sld [smem:$0x3FAA];
	_ =	sdelay $0x3  }
0x33: {  	p0 =	seq.s32 s10, $0x1;
	s10 =	sld [smem:$0x3FAC];
	_ =	sdelay $0x3  }
0x34: {  	[smem:$0x3FAC] =	sst s10  }
0x35: {  	s10 =	sld [smem:$0x3FAB];
	_ =	sdelay $0x3  }
0x36: {  	p1 =	seq.s32 s10, $0x1;
	s10 =	sld [smem:$0x3FAC];
	_ =	sdelay $0x3  }
0x37: {  	[smem:$0x3FAC] =	sst s10  }
0x38: {  	s10 =	sld [smem:$0x3FAD]  }
0x39: {  	_ = 	snop;
	(pc) =	sbr.ind lr, $3  }
0x3a: {  	_ = 	snop  }
0x3b: {  	_ = 	snop  }
0x3c: {  	p2 =	seq.s32 s10, $0x1;
	s10 =	sld [smem:$0x3FAC]  }
0x3d: {  	_ =	shalt  }
0x3e: {  	_ =	shalt  }
0x3f: {  	_ =	shalt  }
0x40: {  	_ =	shalt  }
0x41: {  	_ =	shalt  }
0x42: {  	_ =	shalt  }
0x43: {  	_ =	shalt  }
0x44: {  	_ =	shalt  }
0x45: {  	_ =	shalt  }
0x46: {  	_ =	shalt  }
0x47: {  	_ =	shalt  }
0x48: {  	_ =	shalt  }
0x49: {  	_ =	shalt  }
0x4a: {  	_ =	shalt  }
0x4b: {  	_ =	shalt  }
0x4c: {  	_ =	shalt  }
0x4d: {  	_ =	shalt  }
0x4e: {  	_ =	shalt  }
0x4f: {  	_ =	shalt  }
0x50: {  	_ =	shalt  }
0x51: {  	_ =	shalt  }
0x52: {  	_ =	shalt  }
0x53: {  	_ =	shalt  }
0x54: {  	_ =	shalt  }
0x55: {  	_ =	shalt  }
0x56: {  	_ =	shalt  }
0x57: {  	_ =	shalt  }
0x58: {  	_ =	shalt  }
0x59: {  	_ =	shalt  }
0x5a: {  	_ =	shalt  }
0x5b: {  	_ =	shalt  }
0x5c: {  	_ =	shalt  }
0x5d: {  	_ =	shalt  }
0x5e: {  	_ =	shalt  }
0x5f: {  	_ =	shalt  }
0x60: {  	_ =	shalt  }
0x61: {  	_ =	shalt  }
0x62: {  	_ =	shalt  }
0x63: {  	_ =	shalt  }
0x64: {  	_ =	shalt  }
0x65: {  	_ =	shalt  }
0x66: {  	_ =	shalt  }
0x67: {  	_ =	shalt  }
0x68: {  	_ =	shalt  }
0x69: {  	_ =	shalt  }
0x6a: {  	_ =	shalt  }
0x6b: {  	_ =	shalt  }
0x6c: {  	_ =	shalt  }
0x6d: {  	_ =	shalt  }
0x6e: {  	_ =	shalt  }
0x6f: {  	_ =	shalt  }
0x70: {  	_ =	shalt  }
0x71: {  	_ =	shalt  }
0x72: {  	_ =	shalt  }
0x73: {  	_ =	shalt  }
0x74: {  	_ =	shalt  }
0x75: {  	_ =	shalt  }
0x76: {  	_ =	shalt  }
0x77: {  	_ =	shalt  }
0x78: {  	_ =	shalt  }
0x79: {  	_ =	shalt  }
0x7a: {  	_ =	shalt  }
0x7b: {  	_ =	shalt  }
0x7c: {  	_ =	shalt  }
0x7d: {  	_ =	shalt  }
0x7e: {  	_ =	shalt  }
0x7f: {  	_ =	shalt  }
0x80: {  	_ =	shalt  }
0x81: {  	_ =	shalt  }
0x82: {  	_ =	shalt  }
0x83: {  	_ =	shalt  }
0x84: {  	_ =	shalt  }
0x85: {  	_ =	shalt  }
0x86: {  	_ =	shalt  }
0x87: {  	_ =	shalt  }
.Lfunc_end0:
.L_simem_size_0:
called_computation.1_lowered:
.L_overlay_start_0:
0x88: {  	s2 =	sld [smem:$0x3FD9]  }
0x89: {  	s3 =	sld [smem:$0x3FFE];
	_ =	sdelay $0x1  }
0x8a: {  	s1 =	srdreg.scid  }
0x8b: {  	s0 =	sand.u32 $0x1, s1  }
0x8c: {  	s17 =	sshll.u32 s0, $0xA;
	s2 =	sadd.s32 s3, s2  }
0x8d: {  	s2 =	sadd.s32 s2, s17  }
0x8e: {  	[smem:$0x3FB8] =	sst s2  }
0x8f: {  	_ = 	snop  }
0x90: {  	s18 =	sld [smem:$0x3FC8];
	(tm) =	ssettm $0x1  }
0x91: {  	s19 =	sld [smem:$0x3FFB];
	_ =	sdelay $0x3  }
0x92: {  	_ =	strace s19  }
0x93: {  	s2 =	sld [smem:$0x3FFC];
	_ =	sdelay $0x3  }
0x94: {  	_ =	strace s2  }
0x95: {  	s2 =	sld [smem:$0x3FFD];
	_ =	sdelay $0x3  }
0x96: {  	_ =	strace s2  }
0x97: {  	_ =	strace $0x8FFFFFFF  }
0x98: {  	s20 =	sld [smem:$0x3FDB];
	_ =	sdelay $0x1  }
0x99: {  	s4 =	simm.s32 $_scs_section_size  }
0x9a: {  	s5 =	simm.s32 $_size__tile_overlayer_lowered;
	s6 =	simm.s32 $_tile_overlayer_lowered  }
0x9b: {  	s7 =	simm.s32 $0x1BFF;
	s21 =	sshll.u32 s6, $0x1;
	s4 =	sadd.s32 s4, s20  }
0x9c: {  	s22 =	simm.s32 $0x0;
	s5 =	sshll.u32 s5, $0x1;
	s6 =	sadd.s32 s21, s4  }
0x9d: {  	[timem:s22], [sflag:s7] =	dma.local [hbm:s6], s5  }
0x9e: {  	_ =	swait.ge [sflag:s7], s5  }
0x9f: {  	s5 =	ssub.s32 $0x0, s5;
	[sflag:s7] =	ssyncset.done $0x0  }
0xa0: {  	[sflag:s7] =	ssyncadd.s32 s5;
	_ =	sdelay $0x1  }
0xa1: {  	s23 =	simm.s32 $0x1B8B  }
0xa2: {  	_ =	swait.ge [sflag:s23], $0x1  }
0xa3: {  	[sflag:s23] =	ssyncset.done $0x0  }
0xa4: {  	[sflag:s23] =	ssyncadd.s32 $0xFFFFFFFF  }
0xa5: {  	s5 =	sld [smem:$0x0]  }
0xa6: {  	s6 =	sand.u32 $0xFFFFFFFE, s1  }
0xa7: {  	p0 =	sne.s32 s1, s6  }
0xa8: {  	s6 =	sshll.u32 @p0 s6, $0xE  }
0xa9: {  	s6 =	sadd.s32 @p0 $0x11B8D, s6;
	s7 =	sshll.u32 @p0 s5, $0x11  }
0xaa: {  	s6 =	sor.u32 @p0 s7, s6  }
0xab: {  	[sflag:s6] =	ssyncadd.remote.s32 @p0 $0x1;
	_ =	sdelay $0x1  }
0xac: {  	s6 =	simm.s32 @p0 $0x1B8D  }
0xad: {  	_ =	swait.eq @p0 [sflag:s6], $0x1  }
0xae: {  	[sflag:s6] =	ssyncadd.s32 @p0 $0xFFFFFFFF  }
0xaf: {  	s7 =	sshll.u32 @!p0 s1, $0xE  }
0xb0: {  	s7 =	sor.u32 @!p0 $0x4000, s7;
	s6 =	simm.s32 @!p0 $0x1B8D  }
0xb1: {  	s5 =	sshll.u32 @!p0 s5, $0x11;
	s7 =	sadd.s32 @!p0 $0x11B8D, s7;
	_ =	swait.eq @!p0 [sflag:s6], $0x1  }
0xb2: {  	s5 =	sor.u32 @!p0 s5, s7;
	[sflag:s6] =	ssyncadd.s32 @!p0 $0xFFFFFFFF  }
0xb3: {  	s25 =	simm.s32 $0x1B8E;
	s24 =	sld [smem:$0x3FFE];
	[sflag:s5] =	ssyncadd.remote.s32 @!p0 $0x1  }
0xb4: {  	s26 =	simm.s32 $execute0_lowered;
	[smem:$0x3FD2] =	sst s25  }
0xb5: {  	s6 =	sshll.u32 s26, $0x1;
	_ =	strace $0x80000049;
	[dreg:$0x1] =	wrdreg $0xFFFFFFFF  }
0xb6: {  	s28 =	simm.s32 $_size_execute0_lowered;
	s4 =	sadd.s32 s4, s6;
	[dreg:$0x0] =	wrdreg $0x0  }
0xb7: {  	s6 =	sshll.u32 s28, $0x1;
	[dreg:$0x2] =	wrdreg s4  }
0xb8: {  	[dreg:$0x3] =	wrdreg s6  }
0xb9: {  	[dreg:$0x4] =	wrdreg $0xC0  }
0xba: {  	_ =	task [dreg:s22], $0x5FFFF  }
0xbb: {  	[dreg:$0x1] =	wrdreg $0xFFFFFFFF  }
0xbc: {  	[dreg:$0x0] =	wrdreg $0x60  }
0xbd: {  	[dreg:$0x2] =	wrdreg s24  }
0xbe: {  	[dreg:$0x3] =	wrdreg s18  }
0xbf: {  	[dreg:$0x4] =	wrdreg $0xA  }
0xc0: {  	_ =	task.clear_ibuf [dreg:s22], $0x5FFFF;
	_ =	strace $0x90000049  }
0xc1: {  	s29 =	simm.s32 $0xA;
	_ =	strace $0x8000004B  }
0xc2: {  	_ =	swait.ge [sflag:s29], $0x1  }
0xc3: {  	[sflag:s29] =	ssyncadd.s32 $0xFFFFFFFF  }
0xc4: {  	_ =	strace $0x9000004B  }
0xc5: {  	_ =	sfence  }
0xc6: {  	s30 =	sld [smem:$0x0];
	_ =	sdelay $0x2  }
0xc7: {  	s31 =	sshll.u32 s1, $0xD;
	s1 =	sshrl.u32 s1, $0x2  }
0xc8: {  	s4 =	sand.u32 $0x4000, s31;
	s1 =	sadd.s32 s1, s30  }
0xc9: {  	s0 =	sor.u32 s4, s0;
	s1 =	sshll.u32 s1, $0x11  }
0xca: {  	s0 =	sor.u32 s1, s0  }
0xcb: {  	s0 =	sadd.s32 $0x8F2B, s0  }
0xcc: {  	[sflag:s0] =	ssyncadd.remote.s32 $0x1  }
0xcd: {  	_ =	sfence.sel $0xFFFF  }
0xce: {  	[dreg:$0x0] =	wrdreg $0xFFFFFFFF;
	(pc) =	sbr.abs _section_cstart, $3  }
0xcf: {  	[dreg:$0x1] =	wrdreg $0xFFFFFFFF  }
0xd0: {  	_ =	task.clear_ibuf [dreg:s22], $0x2FFFF;
	_ =	strace $0x9FFFFFFF  }
0xd1: {  	(tm) =	ssettm $0x7FFFFFFF  }
tec
execute0_lowered:
.L_overlay_start_1:
0x0: {  	(tag) =	ssettag $0x1  }
0x1: {  	s5 =	rddreg [dreg:$0x0]  }
0x2: {  	s3 =	rddreg [dreg:$0x1]  }
0x3: {  	s0 =	rddreg [dreg:$0x2];
	s4 =	srdreg.scid;
	s2 =	simm.s32 $0x0  }
0x4: {  	s1 =	stileid.u32;
	s10 =	simm.s32 $0x180;
	s11 =	simm.s32 $0x4200  }
0x5: {  	s12 =	simm.s32 $0x8200;
	s13 =	simm.s32 $0xC200;
	s6 =	sand.u32 $0x1, s4  }
0x6: {  	[smem:$0x7FF] =	sst s2;
	s7 =	sshll.u32 s1, $0xA;
	s8 =	sshll.u32 s6, $0x9  }
0x7: {  	s4 =	sadd.s32 $0x421A00, s5;
	_ =	strace $0x8000004A;
	s7 =	sor.u32 s8, s7  }
0x8: {  	s6 =	ssub.s32 $0x2, s6;
	s8 =	sshll.u32 s7, $0x4;
	s7 =	sshrl.u32 s7, $0x3  }
0x9: {  	s9 =	sshrl.u32 s6, $0x1;
	s14 =	sadd.s32 s3, s7;
	s3 =	simm.s32 $0x2  }
0xa: {  	[tilespmem:s2], [sflag:$0x2] =	stream.linear.gather [hbm4b:s14+s2], $0x80, $0x38;
	[tilespmem:$0x10200] =	vst v63  }
0xb: {  	s6 =	ssub.s32 s6, s9;
	s9 =	simm.s32 $0x100;
	_ =	swait.ge [sflag:s3], $0x80  }
0xc: {  	s7 =	simm.s32 $0x80;
	s18 =	smax.u32 s6, $0x1;
	[sflag:s3] =	ssyncset.done $0x0  }
0xd: {  	s16 =	sadd.s32 $0x10, s14;
	p0 =	sne.s32 s18, $0x1;
	[sflag:s3] =	ssyncadd.s32 $0xFFFFFF80  }
0xe: {  	[tilespmem:s7], [sflag:$0x2] =	stream.linear.gather [hbm4b:s16+s2], $0x80, $0x38;
	[tilespmem:$0x10200] =	vst v63  }
.Ltmp0:
0xf: {  	s5 =	sadd.s32 s8, s5;
	_ =	swait.ge [sflag:s3], $0x80;
	(pc) =	sbr.rel @!p0 .LBB2_2-.Ltmp0, $4  }
0x10: {  	s6 =	simm.s32 $0x200;
	s8 =	simm.s32 $0x1;
	[sflag:s3] =	ssyncset.done $0x0  }
0x11: {  	s17 =	sadd.s32 $0x20, s14;
	s15 =	sadd.s32 $0x30, s14;
	[sflag:s3] =	ssyncadd.s32 $0xFFFFFF80  }
0x12: {  	[tilespmem:s9], [sflag:$0x2] =	stream.linear.gather [hbm4b:s17+s2], $0x80, $0x38;
	[tilespmem:$0x10200] =	vst v63  }
0x13: {  	s5 =	sadd.s32 $0x621A00, s5;
	s18 =	sadd.s32 $0xFFFFFFFF, s18;
	_ =	swait.ge [sflag:s3], $0x80  }
.LBB2_1:
0x14: {  	p0 =	sne.s32 s18, $0x1;
	s18 =	sadd.s32 $0xFFFFFFFF, s18;
	[sflag:s3] =	ssyncset.done $0x0  }
0x15: {  	[sflag:s3] =	ssyncadd.s32 $0xFFFFFF80  }
0x16: {  	[tilespmem:s10], [sflag:$0x2] =	stream.linear.gather [hbm4b:s15+s2], $0x80, $0x38;
	[tilespmem:$0x10200] =	vst v63  }
0x17: {  	_ =	swait.ge [sflag:s3], $0x80  }
0x18: {  	[sflag:s3] =	ssyncset.done $0x0  }
0x19: {  	[sflag:s3] =	ssyncadd.s32 $0xFFFFFF80  }
0x1a: {  	v0 =	vld [tilespmem:$0x190]  }
0x1b: {  	v1 =	vld [tilespmem:$0x1A0]  }
0x1c: {  	v2 =	vld [tilespmem:$0x140]  }
0x1d: {  	v3 =	vld [tilespmem:$0x1E0]  }
0x1e: {  	v4 =	vld [tilespmem:$0x1D0]  }
0x1f: {  	v5 =	vshra.s32 v0, $0x3  }
0x20: {  	v0 =	vand.u32 $0x1FFF, v0;
	v5 =	vand.u32 $0xFFFFE000, v5;
	v6 =	vshra.s32 v1, $0x3;
	v7 =	vld [tilespmem:$0x1F0]  }
0x21: {  	v8 =	vld [tilespmem:$0x80];
	v9 =	vand.u32 $0x1FFF, v2;
	v0 =	vor.u32 v0, v5;
	v5 =	vand.u32 $0xFFFFE000, v6  }
0x22: {  	v1 =	vand.u32 $0x1FFF, v1;
	v2 =	vshra.s32 v2, $0x3;
	v6 =	vld [tilespmem:$0x1B0];
	v10 =	vand.u32 $0x1FFF, v3  }
0x23: {  	v2 =	vand.u32 $0xFFFFE000, v2;
	v1 =	vor.u32 v1, v5;
	v11 =	vld [tilespmem:$0x30];
	v5 =	vshra.s32 v4, $0x3  }
0x24: {  	v3 =	vshra.s32 v3, $0x3;
	v2 =	vor.u32 v9, v2;
	v12 =	vld [tilespmem:$0x70];
	[tilespmem:$0x1A0] =	vst v1;
	v1 =	vand.u32 $0xFFFFE000, v5  }
0x25: {  	[tilespmem:$0x140] =	vst v2;
	v2 =	vand.u32 $0x1FFF, v4;
	v4 =	vshra.s32 v7, $0x3;
	v5 =	vand.u32 $0x1FFF, v7  }
0x26: {  	v7 =	vld [tilespmem:$0x20];
	v9 =	vshra.s32 v8, $0x3;
	v1 =	vor.u32 v2, v1;
	v2 =	vand.u32 $0xFFFFE000, v3  }
0x27: {  	v8 =	vand.u32 $0x1FFF, v8;
	v3 =	vand.u32 $0xFFFFE000, v9;
	[tilespmem:$0x190] =	vst v0;
	v0 =	vand.u32 $0x1FFF, v6  }
0x28: {  	v6 =	vshra.s32 v6, $0x3;
	v9 =	vld [tilespmem:$0x60];
	v3 =	vor.u32 v8, v3;
	[tilespmem:$0x1D0] =	vst v1;
	v1 =	vand.u32 $0xFFFFE000, v4  }
0x29: {  	v2 =	vor.u32 v10, v2;
	v8 =	vshra.s32 v11, $0x3;
	v4 =	vld [tilespmem:$0x10];
	[tilespmem:$0x80] =	vst v3;
	v3 =	vand.u32 $0xFFFFE000, v6  }
0x2a: {  	v6 =	vand.u32 $0xFFFFE000, v8;
	v8 =	vshra.s32 v12, $0x3;
	v10 =	vand.u32 $0x1FFF, v12;
	v12 =	vld [tilespmem:$0xB0];
	[tilespmem:$0x1E0] =	vst v2  }
0x2b: {  	v11 =	vand.u32 $0x1FFF, v11;
	v1 =	vor.u32 v5, v1;
	v8 =	vand.u32 $0xFFFFE000, v8;
	v2 =	vld [tilespmem:$0x0]  }
0x2c: {  	v5 =	vor.u32 v11, v6;
	v0 =	vor.u32 v0, v3;
	v8 =	vor.u32 v10, v8;
	v6 =	vld [tilespmem:$0x40]  }
0x2d: {  	v3 =	vshra.s32 v7, $0x3;
	v7 =	vand.u32 $0x1FFF, v7;
	v10 =	vld [tilespmem:$0x50];
	v11 =	vand.u32 $0x1FFF, v9;
	[tilespmem:$0x1F0] =	vst v1  }
0x2e: {  	v3 =	vand.u32 $0xFFFFE000, v3;
	v1 =	vshra.s32 v4, $0x3;
	[tilespmem:$0x30] =	vst v5;
	v5 =	vshra.s32 v9, $0x3  }
0x2f: {  	v4 =	vand.u32 $0x1FFF, v4;
	v5 =	vand.u32 $0xFFFFE000, v5;
	v9 =	vand.u32 $0x1FFF, v12;
	v13 =	vld [tilespmem:$0xC0];
	[tilespmem:$0x1B0] =	vst v0  }
0x30: {  	v0 =	vand.u32 $0xFFFFE000, v1;
	v1 =	vor.u32 v11, v5;
	[tilespmem:$0x70] =	vst v8;
	v5 =	vld [tilespmem:$0xA0];
	v8 =	vshra.s32 v12, $0x3  }
0x31: {  	v3 =	vor.u32 v7, v3;
	v11 =	vshra.s32 v2, $0x3;
	v7 =	vld [tilespmem:$0x90];
	v8 =	vand.u32 $0xFFFFE000, v8  }
0x32: {  	v11 =	vand.u32 $0xFFFFE000, v11;
	[tilespmem:$0x20] =	vst v3;
	v3 =	vshra.s32 v6, $0x3;
	v8 =	vor.u32 v9, v8;
	v9 =	vld [tilespmem:$0x110]  }
0x33: {  	v2 =	vand.u32 $0x1FFF, v2;
	v12 =	vshra.s32 v10, $0x3;
	v10 =	vand.u32 $0x1FFF, v10;
	[tilespmem:$0x60] =	vst v1;
	v1 =	vld [tilespmem:$0x100]  }
0x34: {  	v6 =	vand.u32 $0x1FFF, v6;
	v12 =	vand.u32 $0xFFFFE000, v12;
	v14 =	vand.u32 $0x1FFF, v13;
	v15 =	vld [tilespmem:$0xF0]  }
0x35: {  	v3 =	vand.u32 $0xFFFFE000, v3;
	v10 =	vor.u32 v10, v12;
	v12 =	vshra.s32 v5, $0x3;
	v16 =	vld [tilespmem:$0xD0]  }
0x36: {  	v0 =	vor.u32 v4, v0;
	v3 =	vor.u32 v6, v3;
	v4 =	vshra.s32 v7, $0x3;
	[tilespmem:$0xB0] =	vst v8  }
0x37: {  	[tilespmem:$0x10] =	vst v0;
	v0 =	vand.u32 $0xFFFFE000, v4;
	v4 =	vand.u32 $0xFFFFE000, v12;
	v6 =	vand.u32 $0x1FFF, v9;
	v8 =	vld [tilespmem:$0x180]  }
0x38: {  	v5 =	vand.u32 $0x1FFF, v5;
	v7 =	vand.u32 $0x1FFF, v7;
	v9 =	vshra.s32 v9, $0x3;
	[tilespmem:$0x50] =	vst v10;
	v10 =	vld [tilespmem:$0x170]  }
0x39: {  	v4 =	vor.u32 v5, v4;
	v5 =	vshra.s32 v13, $0x3;
	v12 =	vshra.s32 v15, $0x3;
	v13 =	vld [tilespmem:$0x120]  }
0x3a: {  	v2 =	vor.u32 v2, v11;
	v17 =	vand.u32 $0x1FFF, v1;
	[tilespmem:$0x40] =	vst v3;
	v3 =	vshra.s32 v16, $0x3;
	v11 =	vld [tilespmem:$0xE0]  }
0x3b: {  	v0 =	vor.u32 v7, v0;
	[tilespmem:$0x0] =	vst v2;
	v2 =	vand.u32 $0xFFFFE000, v3;
	v3 =	vand.u32 $0xFFFFE000, v12  }
0x3c: {  	v7 =	vand.u32 $0x1FFF, v15;
	[tilespmem:$0xA0] =	vst v4;
	v4 =	vand.u32 $0x1FFF, v16;
	v12 =	vand.u32 $0x1FFF, v8  }
0x3d: {  	v1 =	vshra.s32 v1, $0x3;
	v3 =	vor.u32 v7, v3;
	v7 =	vand.u32 $0xFFFFE000, v9  }
0x3e: {  	[tilespmem:$0x90] =	vst v0;
	v0 =	vand.u32 $0xFFFFE000, v1;
	v1 =	vor.u32 v6, v7;
	v6 =	vshra.s32 v8, $0x3  }
0x3f: {  	v5 =	vand.u32 $0xFFFFE000, v5;
	v8 =	vand.u32 $0x1FFF, v10;
	v7 =	vshra.s32 v11, $0x3;
	[tilespmem:$0x110] =	vst v1;
	v1 =	vld [tilespmem:$0x150]  }
0x40: {  	v5 =	vor.u32 v14, v5;
	v9 =	vshra.s32 v10, $0x3;
	v7 =	vand.u32 $0xFFFFE000, v7;
	[tilespmem:$0xF0] =	vst v3;
	v3 =	vld [tilespmem:$0x130]  }
0x41: {  	v10 =	vand.u32 $0x1FFF, v13;
	v9 =	vand.u32 $0xFFFFE000, v9;
	[tilespmem:$0xC0] =	vst v5;
	v5 =	vand.u32 $0x1FFF, v11  }
0x42: {  	v8 =	vor.u32 v8, v9;
	v5 =	vor.u32 v5, v7;
	v7 =	vshra.s32 v13, $0x3;
	v11 =	vld [tilespmem:$0x160]  }
0x43: {  	v0 =	vor.u32 v17, v0;
	v6 =	vand.u32 $0xFFFFE000, v6;
	v7 =	vand.u32 $0xFFFFE000, v7;
	[tilespmem:$0x170] =	vst v8;
	v8 =	vld [tilespmem:$0x1C0]  }
0x44: {  	v2 =	vor.u32 v4, v2;
	v4 =	vor.u32 v12, v6;
	[tilespmem:$0x100] =	vst v0;
	v0 =	vshra.s32 v1, $0x3  }
0x45: {  	v1 =	vand.u32 $0x1FFF, v1;
	v6 =	vshra.s32 v3, $0x3;
	v0 =	vand.u32 $0xFFFFE000, v0;
	[tilespmem:$0x180] =	vst v4  }
0x46: {  	v3 =	vand.u32 $0x1FFF, v3;
	[tilespmem:$0xD0] =	vst v2;
	v2 =	vand.u32 $0xFFFFE000, v6;
	v0 =	vor.u32 v1, v0  }
0x47: {  	v1 =	vor.u32 v10, v7;
	v2 =	vor.u32 v3, v2;
	[tilespmem:$0x150] =	vst v0;
	v0 =	vshra.s32 v11, $0x3  }
0x48: {  	[tilespmem:$0x120] =	vst v1;
	v0 =	vand.u32 $0xFFFFE000, v0;
	v1 =	vand.u32 $0x1FFF, v11;
	v3 =	vshra.s32 v8, $0x3  }
0x49: {  	[tilespmem:$0xE0] =	vst v5;
	v0 =	vor.u32 v1, v0;
	v1 =	vand.u32 $0xFFFFE000, v3;
	v3 =	vand.u32 $0x1FFF, v8  }
0x4a: {  	[tilespmem:$0x160] =	vst v0;
	v0 =	vor.u32 v3, v1  }
0x4b: {  	[tilespmem:$0x1C0] =	vst v0  }
0x4c: {  	[tilespmem:$0x130] =	vst v2  }
0x4d: {  	[tilespmem:s6], [sflag:$0x1] =	stream.indirect.gather [hbm4b:s4+s7], $0x80, s2, s7, $0xb8;
	[tilespmem:$0x10200] =	vst v63  }
0x4e: {  	_ = 	snop  }
0x4f: {  	[tilespmem:s11], [sflag:$0x1] =	stream.indirect.gather [hbm4b:s4+s7], $0x80, s7, s7, $0xb8;
	[tilespmem:$0x10200] =	vst v63  }
0x50: {  	_ = 	snop  }
0x51: {  	[tilespmem:s12], [sflag:$0x1] =	stream.indirect.gather [hbm4b:s4+s7], $0x80, s9, s7, $0xb8;
	[tilespmem:$0x10200] =	vst v63  }
0x52: {  	_ = 	snop  }
0x53: {  	[tilespmem:s13], [sflag:$0x1] =	stream.indirect.gather [hbm4b:s4+s7], $0x80, s10, s7, $0xb8;
	[tilespmem:$0x10200] =	vst v63  }
0x54: {  	_ =	swait.ge [sflag:s8], $0x4000  }
0x55: {  	[sflag:s8] =	ssyncset.done $0x0  }
0x56: {  	[sflag:s8] =	ssyncadd.s32 $0xFFFFC000  }
0x57: {  	_ =	swait.ge [sflag:s8], $0x4000  }
0x58: {  	[sflag:s8] =	ssyncset.done $0x0  }
0x59: {  	[sflag:s8] =	ssyncadd.s32 $0xFFFFC000  }
0x5a: {  	_ =	swait.ge [sflag:s8], $0x4000  }
0x5b: {  	[sflag:s8] =	ssyncset.done $0x0  }
0x5c: {  	[sflag:s8] =	ssyncadd.s32 $0xFFFFC000  }
0x5d: {  	_ =	swait.ge [sflag:s8], $0x4000  }
0x5e: {  	[sflag:s8] =	ssyncset.done $0x0  }
0x5f: {  	[sflag:s8] =	ssyncadd.s32 $0xFFFFC000  }
0x60: {  	[hbm4b:s5+s2] =	stream.linear.scatter [tilespmem:s6], [sflag:$0x2], $0x10000, $0x38;
	[tilespmem:$0x10200] =	vst v63  }
0x61: {  	_ =	swait.ge [sflag:s3], $0x10000  }
0x62: {  	[sflag:s3] =	ssyncset.done $0x0  }
0x63: {  	[sflag:s3] =	ssyncadd.s32 $0xFFFF0000  }
0x64: {  	[tilespmem:s2], [sflag:$0x2] =	stream.linear.gather [hbm4b:s14+s2], $0x80, $0x38;
	[tilespmem:$0x10200] =	vst v63  }
0x65: {  	_ =	swait.ge [sflag:s3], $0x80  }
0x66: {  	[sflag:s3] =	ssyncset.done $0x0  }
0x67: {  	[sflag:s3] =	ssyncadd.s32 $0xFFFFFF80  }
0x68: {  	[tilespmem:s7], [sflag:$0x2] =	stream.linear.gather [hbm4b:s16+s2], $0x80, $0x38;
	[tilespmem:$0x10200] =	vst v63  }
.Ltmp1:
0x69: {  	_ =	swait.ge [sflag:s3], $0x80;
	(pc) =	sbr.rel @p0 .LBB2_1-.Ltmp1, $4  }
0x6a: {  	[sflag:s3] =	ssyncset.done $0x0  }
0x6b: {  	[sflag:s3] =	ssyncadd.s32 $0xFFFFFF80  }
0x6c: {  	[tilespmem:s9], [sflag:$0x2] =	stream.linear.gather [hbm4b:s17+s2], $0x80, $0x38;
	[tilespmem:$0x10200] =	vst v63  }
0x6d: {  	_ =	swait.ge [sflag:s3], $0x80  }
.LBB2_2:
0x6e: {  	[sflag:s3] =	ssyncset.done $0x0  }
0x6f: {  	[sflag:s3] =	ssyncadd.s32 $0xFFFFFF80  }
0x70: {  	[tilespmem:s10], [sflag:$0x2] =	stream.linear.gather [hbm4b:s15+s2], $0x80, $0x38;
	[tilespmem:$0x10200] =	vst v63  }
0x71: {  	_ =	swait.ge [sflag:s3], $0x80  }
0x72: {  	[sflag:s3] =	ssyncset.done $0x0  }
0x73: {  	[sflag:s3] =	ssyncadd.s32 $0xFFFFFF80  }
0x74: {  	v0 =	vld [tilespmem:$0x190]  }
0x75: {  	v1 =	vld [tilespmem:$0x1A0]  }
0x76: {  	v2 =	vld [tilespmem:$0x140]  }
0x77: {  	v3 =	vld [tilespmem:$0x1E0]  }
0x78: {  	v4 =	vld [tilespmem:$0x1D0]  }
0x79: {  	v7 =	vld [tilespmem:$0x1F0]  }
0x7a: {  	v8 =	vld [tilespmem:$0x80]  }
0x7b: {  	v31 =	vld [tilespmem:$0x1B0]  }
0x7c: {  	v11 =	vld [tilespmem:$0x30]  }
0x7d: {  	v33 =	vld [tilespmem:$0x70]  }
0x7e: {  	v34 =	vld [tilespmem:$0x20]  }
0x7f: {  	v15 =	vld [tilespmem:$0x60]  }
0x80: {  	v35 =	vld [tilespmem:$0x10]  }
0x81: {  	v17 =	vld [tilespmem:$0xB0]  }
0x82: {  	v38 =	vld [tilespmem:$0x0];
	v5 =	vshra.s32 v0, $0x3  }
0x83: {  	v39 =	vld [tilespmem:$0x40];
	v0 =	vand.u32 $0x1FFF, v0;
	v6 =	vshra.s32 v1, $0x3;
	v9 =	vand.u32 $0x1FFF, v2  }
0x84: {  	v42 =	vld [tilespmem:$0x50];
	v2 =	vshra.s32 v2, $0x3;
	v1 =	vand.u32 $0x1FFF, v1;
	v10 =	vand.u32 $0x1FFF, v3  }
0x85: {  	v47 =	vld [tilespmem:$0xC0];
	v32 =	vshra.s32 v4, $0x3;
	v3 =	vshra.s32 v3, $0x3;
	v4 =	vand.u32 $0x1FFF, v4  }
0x86: {  	v49 =	vld [tilespmem:$0xA0];
	v12 =	vshra.s32 v7, $0x3;
	v7 =	vand.u32 $0x1FFF, v7;
	v13 =	vshra.s32 v8, $0x3  }
0x87: {  	v52 =	vld [tilespmem:$0x90];
	v8 =	vand.u32 $0x1FFF, v8;
	v14 =	vand.u32 $0x1FFF, v31;
	v16 =	vshra.s32 v11, $0x3  }
0x88: {  	v54 =	vld [tilespmem:$0x110];
	v37 =	vshra.s32 v33, $0x3;
	v11 =	vand.u32 $0x1FFF, v11;
	v40 =	vshra.s32 v34, $0x3  }
0x89: {  	v41 =	vand.u32 $0x1FFF, v15;
	v43 =	vshra.s32 v35, $0x3;
	v15 =	vshra.s32 v15, $0x3  }
0x8a: {  	v44 =	vand.u32 $0x1FFF, v35;
	v46 =	vand.u32 $0x1FFF, v17;
	v50 =	vshra.s32 v17, $0x3  }
0x8b: {  	v18 =	vld [tilespmem:$0xF0];
	v51 =	vshra.s32 v38, $0x3;
	v53 =	vshra.s32 v39, $0x3;
	v55 =	vshra.s32 v42, $0x3  }
0x8c: {  	v60 =	vld [tilespmem:$0xD0];
	v58 =	vand.u32 $0x1FFF, v47;
	v59 =	vshra.s32 v49, $0x3;
	v61 =	vshra.s32 v52, $0x3  }
0x8d: {  	v56 =	vld [tilespmem:$0x100];
	v62 =	vand.u32 $0x1FFF, v54;
	v19 =	vand.u32 $0x1FFF, v49;
	v30 =	vand.u32 $0xFFFFE000, v6  }
0x8e: {  	v20 =	vshra.s32 v54, $0x3;
	v2 =	vand.u32 $0xFFFFE000, v2;
	v1 =	vor.u32 v1, v30  }
0x8f: {  	v22 =	vshra.s32 v47, $0x3;
	v5 =	vand.u32 $0xFFFFE000, v5;
	v2 =	vor.u32 v9, v2;
	[tilespmem:$0x1A0] =	vst v1  }
0x90: {  	v23 =	vshra.s32 v18, $0x3;
	v13 =	vand.u32 $0xFFFFE000, v13;
	v0 =	vor.u32 v0, v5;
	[tilespmem:$0x140] =	vst v2  }
0x91: {  	v25 =	vshra.s32 v60, $0x3;
	v3 =	vand.u32 $0xFFFFE000, v3;
	v8 =	vor.u32 v8, v13;
	[tilespmem:$0x190] =	vst v0  }
0x92: {  	v27 =	vand.u32 $0x1FFF, v56;
	v12 =	vand.u32 $0xFFFFE000, v12;
	v3 =	vor.u32 v10, v3;
	[tilespmem:$0x80] =	vst v8  }
0x93: {  	v6 =	vshra.s32 v31, $0x3;
	v36 =	vand.u32 $0xFFFFE000, v16;
	v7 =	vor.u32 v7, v12;
	[tilespmem:$0x1E0] =	vst v3  }
0x94: {  	v16 =	vand.u32 $0xFFFFE000, v37;
	v45 =	vand.u32 $0xFFFFE000, v15;
	v10 =	vor.u32 v11, v36;
	[tilespmem:$0x1F0] =	vst v7  }
0x95: {  	v48 =	vand.u32 $0xFFFFE000, v43;
	v35 =	vand.u32 $0xFFFFE000, v20;
	v12 =	vor.u32 v41, v45;
	[tilespmem:$0x30] =	vst v10  }
0x96: {  	v63 =	vld [tilespmem:$0x180];
	v57 =	vand.u32 $0xFFFFE000, v55;
	v5 =	vand.u32 $0xFFFFE000, v32;
	v37 =	vor.u32 v62, v35;
	[tilespmem:$0x60] =	vst v12  }
0x97: {  	v26 =	vld [tilespmem:$0xE0];
	v29 =	vand.u32 $0xFFFFE000, v23;
	v6 =	vand.u32 $0xFFFFE000, v6;
	v4 =	vor.u32 v4, v5;
	[tilespmem:$0x110] =	vst v37  }
0x98: {  	v31 =	vand.u32 $0x1FFF, v18;
	v9 =	vand.u32 $0x1FFF, v33;
	v6 =	vor.u32 v14, v6;
	[tilespmem:$0x1D0] =	vst v4  }
0x99: {  	v11 =	vand.u32 $0xFFFFE000, v40;
	v9 =	vor.u32 v9, v16;
	v5 =	vand.u32 $0x1FFF, v34;
	[tilespmem:$0x1B0] =	vst v6  }
0x9a: {  	v30 =	vand.u32 $0x1FFF, v60;
	v14 =	vand.u32 $0xFFFFE000, v50;
	v5 =	vor.u32 v5, v11;
	[tilespmem:$0x70] =	vst v9  }
0x9b: {  	v21 =	vld [tilespmem:$0x170];
	v32 =	vand.u32 $0x1FFF, v63;
	v40 =	vand.u32 $0xFFFFE000, v22;
	v14 =	vor.u32 v46, v14;
	[tilespmem:$0x20] =	vst v5  }
0x9c: {  	v41 =	vshra.s32 v26, $0x3;
	v0 =	vand.u32 $0x1FFF, v42;
	v4 =	vor.u32 v44, v48;
	[tilespmem:$0xB0] =	vst v14  }
0x9d: {  	v2 =	vand.u32 $0x1FFF, v39;
	v7 =	vand.u32 $0xFFFFE000, v53;
	v0 =	vor.u32 v0, v57;
	[tilespmem:$0x10] =	vst v4  }
0x9e: {  	v3 =	vand.u32 $0xFFFFE000, v51;
	v1 =	vand.u32 $0x1FFF, v38;
	v2 =	vor.u32 v2, v7;
	[tilespmem:$0x50] =	vst v0  }
0x9f: {  	v34 =	vshra.s32 v56, $0x3;
	v38 =	vshra.s32 v63, $0x3;
	v24 =	vor.u32 v1, v3;
	[tilespmem:$0x40] =	vst v2  }
0xa0: {  	v43 =	vld [tilespmem:$0x130];
	v42 =	vshra.s32 v21, $0x3;
	v6 =	vand.u32 $0xFFFFE000, v59;
	v9 =	vor.u32 v58, v40;
	[tilespmem:$0x0] =	vst v24  }
0xa1: {  	v33 =	vld [tilespmem:$0x120];
	v11 =	vand.u32 $0x1FFF, v52;
	v36 =	vand.u32 $0xFFFFE000, v34;
	v6 =	vor.u32 v19, v6;
	[tilespmem:$0xC0] =	vst v9  }
0xa2: {  	v45 =	vld [tilespmem:$0x160];
	v1 =	vand.u32 $0xFFFFE000, v25;
	v44 =	vand.u32 $0xFFFFE000, v41;
	v2 =	vor.u32 v27, v36;
	[tilespmem:$0xA0] =	vst v6  }
0xa3: {  	v3 =	vand.u32 $0x1FFF, v26;
	v47 =	vand.u32 $0xFFFFE000, v38;
	v0 =	vor.u32 v30, v1;
	[tilespmem:$0x100] =	vst v2  }
0xa4: {  	v39 =	vld [tilespmem:$0x150];
	v5 =	vand.u32 $0xFFFFE000, v61;
	v4 =	vand.u32 $0x1FFF, v21;
	v3 =	vor.u32 v3, v44;
	[tilespmem:$0xD0] =	vst v0  }
0xa5: {  	v28 =	vor.u32 v11, v5;
	v5 =	vor.u32 v31, v29;
	v6 =	vand.u32 $0xFFFFE000, v42;
	[tilespmem:$0xE0] =	vst v3  }
0xa6: {  	v48 =	vld [tilespmem:$0x1C0];
	v55 =	vshra.s32 v43, $0x3;
	v62 =	vand.u32 $0x1FFF, v43;
	[tilespmem:$0x90] =	vst v28;
	v4 =	vor.u32 v4, v6  }
0xa7: {  	[tilespmem:$0xF0] =	vst v5;
	v46 =	vand.u32 $0x1FFF, v33;
	v49 =	vshra.s32 v33, $0x3;
	v57 =	vshra.s32 v45, $0x3  }
0xa8: {  	v58 =	vand.u32 $0x1FFF, v45;
	v1 =	vand.u32 $0xFFFFE000, v55;
	[tilespmem:$0x170] =	vst v4;
	v4 =	vor.u32 v32, v47  }
0xa9: {  	v50 =	vshra.s32 v39, $0x3;
	v53 =	vand.u32 $0xFFFFE000, v49;
	v1 =	vor.u32 v62, v1;
	[tilespmem:$0x180] =	vst v4  }
0xaa: {  	v52 =	vand.u32 $0x1FFF, v39;
	v0 =	vand.u32 $0xFFFFE000, v57;
	v56 =	vor.u32 v46, v53;
	[tilespmem:$0x130] =	vst v1  }
0xab: {  	v51 =	vand.u32 $0xFFFFE000, v50;
	v59 =	vshra.s32 v48, $0x3;
	v0 =	vor.u32 v58, v0;
	[tilespmem:$0x120] =	vst v56  }
0xac: {  	v61 =	vand.u32 $0x1FFF, v48;
	v54 =	vor.u32 v52, v51;
	v60 =	vand.u32 $0xFFFFE000, v59;
	[tilespmem:$0x160] =	vst v0  }
0xad: {  	[tilespmem:$0x150] =	vst v54;
	v63 =	vor.u32 v61, v60  }
0xae: {  	[tilespmem:$0x1C0] =	vst v63  }
0xaf: {  	[tilespmem:s6], [sflag:$0x1] =	stream.indirect.gather [hbm4b:s4+s7], $0x80, s2, s7, $0xb8;
	[tilespmem:$0x10200] =	vst v63  }
0xb0: {  	_ = 	snop  }
0xb1: {  	[tilespmem:s11], [sflag:$0x1] =	stream.indirect.gather [hbm4b:s4+s7], $0x80, s7, s7, $0xb8;
	[tilespmem:$0x10200] =	vst v63  }
0xb2: {  	_ = 	snop  }
0xb3: {  	[tilespmem:s12], [sflag:$0x1] =	stream.indirect.gather [hbm4b:s4+s7], $0x80, s9, s7, $0xb8;
	[tilespmem:$0x10200] =	vst v63  }
0xb4: {  	_ = 	snop  }
0xb5: {  	[tilespmem:s13], [sflag:$0x1] =	stream.indirect.gather [hbm4b:s4+s7], $0x80, s10, s7, $0xb8;
	[tilespmem:$0x10200] =	vst v63  }
0xb6: {  	_ =	swait.ge [sflag:s8], $0x4000  }
0xb7: {  	[sflag:s8] =	ssyncset.done $0x0  }
0xb8: {  	[sflag:s8] =	ssyncadd.s32 $0xFFFFC000  }
0xb9: {  	_ =	swait.ge [sflag:s8], $0x4000  }
0xba: {  	[sflag:s8] =	ssyncset.done $0x0  }
0xbb: {  	[sflag:s8] =	ssyncadd.s32 $0xFFFFC000  }
0xbc: {  	_ =	swait.ge [sflag:s8], $0x4000  }
0xbd: {  	[sflag:s8] =	ssyncset.done $0x0  }
0xbe: {  	[sflag:s8] =	ssyncadd.s32 $0xFFFFC000  }
0xbf: {  	_ =	swait.ge [sflag:s8], $0x4000  }
0xc0: {  	[sflag:s8] =	ssyncset.done $0x0  }
0xc1: {  	[sflag:s8] =	ssyncadd.s32 $0xFFFFC000  }
0xc2: {  	[hbm4b:s5+s2] =	stream.linear.scatter [tilespmem:s6], [sflag:$0x2], $0x10000, $0x38;
	[tilespmem:$0x10200] =	vst v63  }
0xc3: {  	_ =	swait.ge [sflag:s3], $0x10000  }
0xc4: {  	[sflag:s3] =	ssyncset.done $0x0  }
0xc5: {  	[sflag:s3] =	ssyncadd.s32 $0xFFFF0000  }
0xc6: {  	_ =	sfence.sel $0x180000  }
0xc7: {  	[bflag:$0x0] =	sbarrier.arrive $0xFFFF  }
0xc8: {  	p0 =	sne.s32 s1, $0x0;
	_ =	strace $0x9000004A  }
0xc9: {  	s0 =	sadd.s32 @!p0 $0x100000, s0;
	[bflag:$0x2] =	sbarrier.arrive $0xFFFF  }
0xca: {  	[sflag:s0] =	ssyncadd.tile.s32 @!p0 $0x1;
	_ =	shalt  }
.Lfunc_end2:
_tile_overlayer_lowered:
.L_overlay_start_2:
0xcb: {  	(tag) =	ssettag $0x2  }
0xcc: {  	s0 =	rddreg [dreg:$0x0];
	s2 =	stileid.u32  }
0xcd: {  	s1 =	rddreg [dreg:$0x1];
	p0 =	sne.s32 s2, $0x0  }
0xce: {  	s3 =	rddreg [dreg:$0x2];
	[bflag:$0x3] =	sbarrier.arrive $0xFFFF;
	s2 =	simm.s32 @!p0 $0x1C02  }
0xcf: {  	[timem:s3], [sflag:s2] =	dma.local @!p0 [hbm:s0], s1  }
0xd0: {  	s0 =	simm.s32 @!p0 $0x2  }
0xd1: {  	_ =	swait.ge @!p0 [sflag:s0], s1  }
0xd2: {  	s1 =	ssub.s32 @!p0 $0x0, s1;
	[sflag:s0] =	ssyncset.done @!p0 $0x0  }
0xd3: {  	[sflag:s0] =	ssyncadd.s32 @!p0 s1  }
0xd4: {  	[bflag:$0x3] =	sbarrier.arrive $0xFFFF  }
0xd5: {  	_ =	shalt  }

// kernel: kernel.7.cloned.1.call-start
scs
__scs_entry_jumppad:
0x0: {  	(pc) =	sbr.rel $0x88, $3  }
0x1: {  	(tag) =	ssettag $0x0;
	lr =	simm.s32 $0x1  }
0x2: {  	[smem:$0x3F91] =	sst lr;
	_ =	strace $0xD0000000  }
0x3: {  	_ = 	snop  }
0x4: {  	_ = 	snop  }
0x5: {  	_ = 	snop  }
0x6: {  	_ = 	snop  }
0x7: {  	_ = 	snop  }
__scs_overlays_trampoline_lowered:
0x8: {  	[smem:$0x3FA0] =	sst s0  }
0x9: {  	[smem:$0x3FA1] =	sst s1  }
0xa: {  	[smem:$0x3FA2] =	sst s2  }
0xb: {  	[smem:$0x3FA3] =	sst s3  }
0xc: {  	[smem:$0x3FA4] =	sst s4  }
0xd: {  	[smem:$0x3FA5] =	sst s5  }
0xe: {  	[smem:$0x3FA6] =	sst s6  }
0xf: {  	[smem:$0x3FA7] =	sst s7  }
0x10: {  	[smem:$0x3FA8] =	sst s8  }
0x11: {  	[smem:$0x3FA9] =	sst s9;
	s0 =	simm.s32 @!p0 $0x0  }
0x12: {  	s1 =	sld [smem:$0x3F8F];
	s0 =	simm.s32 @p0 $0x1  }
0x13: {  	[smem:$0x3FAA] =	sst s0;
	s0 =	simm.s32 @!p1 $0x0  }
0x14: {  	s2 =	sld [smem:$0x3F8E];
	s0 =	simm.s32 @p1 $0x1  }
0x15: {  	[smem:$0x3FAB] =	sst s0;
	s0 =	simm.s32 @!p2 $0x0  }
0x16: {  	s3 =	sld [smem:$0x3FDB];
	s0 =	simm.s32 @p2 $0x1  }
0x17: {  	s4 =	simm.s32 $0x1BF5;
	[smem:$0x3FAD] =	sst s0  }
0x18: {  	s0 =	sld [smem:$0x3F90];
	_ =	swait.ge [sflag:s4], $0x0  }
0x19: {  	s7 =	sld [smem:$0x3F91]  }
0x1a: {  	s8 =	sadd.s32 $0xFFFFE003, lr  }
0x1b: {  	s9 =	sadd.s32 $0xFFFFFEF7, lr;
	s5 =	simm.s32 $0xFFFFFFFF;
	p2 =	slt.u32 s8, $0xFFFFF086  }
0x1c: {  	p1 =	slt.u32 s9, $0xF7A;
	s5 =	simm.s32 @!p2 $0x0  }
0x1d: {  	s5 =	simm.s32 @p1 $0x1;
	p0 =	seq.s32 s7, s2  }
0x1e: {  	s7 =	smul.u32 @!p0 $0xF7A, s2;
	p2 =	seq.s32 @!p0 s5, $0x0  }
0x1f: {  	s9 =	smul.u32 $0xF7A, s1;
	s8 =	simm.s32 @!p0 $0x1BF5;
	p2 =	por !p2, p0  }
0x20: {  	[sflag:s8] =	ssyncset.s32 @!p0 $0xFFFFF086;
	s6 =	sadd.s32 @!p0 s3, s7;
	s7 =	simm.s32 @!p0 $0x108  }
0x21: {  	s3 =	sadd.s32 s3, s9;
	s6 =	sadd.s32 @!p0 $0x88, s6;
	s7 =	simm.s32 @p2 $0x1082  }
0x22: {  	[simem:s7], [sflag:s8] =	dma.local @!p0 [hbm:s6], $0xF7A  }
0x23: {  	s9 =	sor.u32 $0xD0000000, s2;
	s6 =	simm.s32 $0x108;
	_ =	swait.ge @!p0 [sflag:s8], $0x0  }
0x24: {  	s3 =	sadd.s32 $0x88, s3;
	s6 =	simm.s32 @!p1 $0x1082;
	[sflag:s4] =	ssyncset.s32 $0xFFFFF086  }
0x25: {  	[simem:s6], [sflag:s4] =	dma.local [hbm:s3], $0xF7A  }
0x26: {  	[smem:$0x3F91] =	sst s1;
	(tag) =	ssettag s2;
	_ =	strace s9  }
0x27: {  	s1 =	sld [smem:$0x3FA1]  }
0x28: {  	s2 =	sld [smem:$0x3FA2]  }
0x29: {  	s4 =	sld [smem:$0x3FA4]  }
0x2a: {  	p0 =	seq.s32 s5, $0x0;
	s5 =	sld [smem:$0x3FA5]  }
0x2b: {  	s6 =	sld [smem:$0x3FA6]  }
0x2c: {  	s7 =	sld [smem:$0x3FA7]  }
0x2d: {  	s3 =	simm.s32 $0x108;
	s8 =	sld [smem:$0x3FA8]  }
0x2e: {  	s3 =	simm.s32 @!p0 $0x1082;
	s9 =	sld [smem:$0x3FA9]  }
0x2f: {  	lr =	sadd.s32 s0, s3;
	s0 =	sld [smem:$0x3FA0]  }
0x30: {  	s3 =	sld [smem:$0x3FA3]  }
0x31: {  	[smem:$0x3FAC] =	sst s10  }
0x32: {  	s10 =	sld [smem:$0x3FAA];
	_ =	sdelay $0x3  }
0x33: {  	p0 =	seq.s32 s10, $0x1;
	s10 =	sld [smem:$0x3FAC];
	_ =	sdelay $0x3  }
0x34: {  	[smem:$0x3FAC] =	sst s10  }
0x35: {  	s10 =	sld [smem:$0x3FAB];
	_ =	sdelay $0x3  }
0x36: {  	p1 =	seq.s32 s10, $0x1;
	s10 =	sld [smem:$0x3FAC];
	_ =	sdelay $0x3  }
0x37: {  	[smem:$0x3FAC] =	sst s10  }
0x38: {  	s10 =	sld [smem:$0x3FAD]  }
0x39: {  	_ = 	snop;
	(pc) =	sbr.ind lr, $3  }
0x3a: {  	_ = 	snop  }
0x3b: {  	_ = 	snop  }
0x3c: {  	p2 =	seq.s32 s10, $0x1;
	s10 =	sld [smem:$0x3FAC]  }
0x3d: {  	_ =	shalt  }
0x3e: {  	_ =	shalt  }
0x3f: {  	_ =	shalt  }
0x40: {  	_ =	shalt  }
0x41: {  	_ =	shalt  }
0x42: {  	_ =	shalt  }
0x43: {  	_ =	shalt  }
0x44: {  	_ =	shalt  }
0x45: {  	_ =	shalt  }
0x46: {  	_ =	shalt  }
0x47: {  	_ =	shalt  }
0x48: {  	_ =	shalt  }
0x49: {  	_ =	shalt  }
0x4a: {  	_ =	shalt  }
0x4b: {  	_ =	shalt  }
0x4c: {  	_ =	shalt  }
0x4d: {  	_ =	shalt  }
0x4e: {  	_ =	shalt  }
0x4f: {  	_ =	shalt  }
0x50: {  	_ =	shalt  }
0x51: {  	_ =	shalt  }
0x52: {  	_ =	shalt  }
0x53: {  	_ =	shalt  }
0x54: {  	_ =	shalt  }
0x55: {  	_ =	shalt  }
0x56: {  	_ =	shalt  }
0x57: {  	_ =	shalt  }
0x58: {  	_ =	shalt  }
0x59: {  	_ =	shalt  }
0x5a: {  	_ =	shalt  }
0x5b: {  	_ =	shalt  }
0x5c: {  	_ =	shalt  }
0x5d: {  	_ =	shalt  }
0x5e: {  	_ =	shalt  }
0x5f: {  	_ =	shalt  }
0x60: {  	_ =	shalt  }
0x61: {  	_ =	shalt  }
0x62: {  	_ =	shalt  }
0x63: {  	_ =	shalt  }
0x64: {  	_ =	shalt  }
0x65: {  	_ =	shalt  }
0x66: {  	_ =	shalt  }
0x67: {  	_ =	shalt  }
0x68: {  	_ =	shalt  }
0x69: {  	_ =	shalt  }
0x6a: {  	_ =	shalt  }
0x6b: {  	_ =	shalt  }
0x6c: {  	_ =	shalt  }
0x6d: {  	_ =	shalt  }
0x6e: {  	_ =	shalt  }
0x6f: {  	_ =	shalt  }
0x70: {  	_ =	shalt  }
0x71: {  	_ =	shalt  }
0x72: {  	_ =	shalt  }
0x73: {  	_ =	shalt  }
0x74: {  	_ =	shalt  }
0x75: {  	_ =	shalt  }
0x76: {  	_ =	shalt  }
0x77: {  	_ =	shalt  }
0x78: {  	_ =	shalt  }
0x79: {  	_ =	shalt  }
0x7a: {  	_ =	shalt  }
0x7b: {  	_ =	shalt  }
0x7c: {  	_ =	shalt  }
0x7d: {  	_ =	shalt  }
0x7e: {  	_ =	shalt  }
0x7f: {  	_ =	shalt  }
0x80: {  	_ =	shalt  }
0x81: {  	_ =	shalt  }
0x82: {  	_ =	shalt  }
0x83: {  	_ =	shalt  }
0x84: {  	_ =	shalt  }
0x85: {  	_ =	shalt  }
0x86: {  	_ =	shalt  }
0x87: {  	_ =	shalt  }
.Lfunc_end0:
.L_simem_size_0:
called_computation_lowered:
.L_overlay_start_0:
0x88: {  	s2 =	sld [smem:$0x3FD9]  }
0x89: {  	s3 =	sld [smem:$0x3FFE];
	_ =	sdelay $0x1  }
0x8a: {  	s1 =	srdreg.scid  }
0x8b: {  	s0 =	sand.u32 $0x1, s1  }
0x8c: {  	s17 =	sshll.u32 s0, $0xA;
	s2 =	sadd.s32 s3, s2  }
0x8d: {  	s2 =	sadd.s32 s2, s17  }
0x8e: {  	[smem:$0x3FB8] =	sst s2  }
0x8f: {  	_ = 	snop  }
0x90: {  	s2 =	sld [smem:$0x3FC9];
	(tm) =	ssettm $0x1  }
0x91: {  	s18 =	sld [smem:$0x3FFB];
	_ =	sdelay $0x3  }
0x92: {  	_ =	strace s18  }
0x93: {  	s3 =	sld [smem:$0x3FFC];
	_ =	sdelay $0x3  }
0x94: {  	_ =	strace s3  }
0x95: {  	s3 =	sld [smem:$0x3FFD];
	_ =	sdelay $0x3  }
0x96: {  	_ =	strace s3  }
0x97: {  	_ =	strace $0x8FFFFFFF  }
0x98: {  	s19 =	sld [smem:$0x3FDB];
	_ =	sdelay $0x1  }
0x99: {  	s4 =	simm.s32 $_scs_section_size  }
0x9a: {  	s5 =	simm.s32 $_size__tile_overlayer_lowered;
	s6 =	simm.s32 $_tile_overlayer_lowered  }
0x9b: {  	s22 =	simm.s32 $0x1BFF;
	s21 =	sshll.u32 s6, $0x1;
	s3 =	sadd.s32 s4, s19  }
0x9c: {  	s7 =	simm.s32 $0x0;
	s20 =	sshll.u32 s5, $0x1;
	s5 =	sadd.s32 s21, s3  }
0x9d: {  	[timem:s7], [sflag:s22] =	dma.local [hbm:s5], s20  }
0x9e: {  	_ =	swait.ge [sflag:s22], s20  }
0x9f: {  	s4 =	ssub.s32 $0x0, s20;
	[sflag:s22] =	ssyncset.done $0x0  }
0xa0: {  	[sflag:s22] =	ssyncadd.s32 s4;
	_ =	sdelay $0x1  }
0xa1: {  	s23 =	simm.s32 $0x1B8B  }
0xa2: {  	_ =	swait.ge [sflag:s23], $0x1  }
0xa3: {  	[sflag:s23] =	ssyncset.done $0x0  }
0xa4: {  	s25 =	simm.s32 $0x1B8E;
	s24 =	sld [smem:$0x3FFE];
	[sflag:s23] =	ssyncadd.s32 $0xFFFFFFFF  }
0xa5: {  	s26 =	simm.s32 $execute0_lowered;
	[smem:$0x3FD2] =	sst s25  }
0xa6: {  	s5 =	sshll.u32 s26, $0x1;
	_ =	strace $0x80000046;
	[dreg:$0x1] =	wrdreg $0xFFFFFFFF  }
0xa7: {  	s28 =	simm.s32 $_size_execute0_lowered;
	s3 =	sadd.s32 s3, s5;
	[dreg:$0x0] =	wrdreg $0x0  }
0xa8: {  	s5 =	sshll.u32 s28, $0x1;
	[dreg:$0x2] =	wrdreg s3  }
0xa9: {  	[dreg:$0x3] =	wrdreg s5  }
0xaa: {  	[dreg:$0x4] =	wrdreg $0xC0  }
0xab: {  	_ =	task [dreg:s7], $0x5FFFF  }
0xac: {  	[dreg:$0x1] =	wrdreg $0xFFFFFFFF  }
0xad: {  	[dreg:$0x0] =	wrdreg $0x60  }
0xae: {  	[dreg:$0x2] =	wrdreg s24  }
0xaf: {  	[dreg:$0x3] =	wrdreg s2  }
0xb0: {  	[dreg:$0x4] =	wrdreg $0x9  }
0xb1: {  	_ =	task.clear_ibuf [dreg:s7], $0x5FFFF;
	_ =	strace $0x90000046  }
0xb2: {  	s29 =	simm.s32 $0x9;
	_ =	strace $0x80000048  }
0xb3: {  	_ =	swait.ge [sflag:s29], $0x1  }
0xb4: {  	[sflag:s29] =	ssyncadd.s32 $0xFFFFFFFF  }
0xb5: {  	_ =	strace $0x90000048  }
0xb6: {  	_ =	sfence  }
0xb7: {  	s30 =	sld [smem:$0x0];
	_ =	sdelay $0x2  }
0xb8: {  	s31 =	sshll.u32 s1, $0xD;
	s1 =	sshrl.u32 s1, $0x2  }
0xb9: {  	s3 =	sand.u32 $0x4000, s31;
	s1 =	sadd.s32 s1, s30  }
0xba: {  	s0 =	sor.u32 s3, s0;
	s1 =	sshll.u32 s1, $0x11  }
0xbb: {  	s0 =	sor.u32 s1, s0  }
0xbc: {  	s0 =	sadd.s32 $0x8F2B, s0  }
0xbd: {  	[sflag:s0] =	ssyncadd.remote.s32 $0x1  }
0xbe: {  	_ =	sfence.sel $0xFFFF  }
0xbf: {  	[dreg:$0x0] =	wrdreg $0xFFFFFFFF;
	(pc) =	sbr.abs _section_cstart, $3  }
0xc0: {  	[dreg:$0x1] =	wrdreg $0xFFFFFFFF  }
0xc1: {  	_ =	task.clear_ibuf [dreg:s7], $0x2FFFF;
	_ =	strace $0x9FFFFFFF  }
0xc2: {  	(tm) =	ssettm $0x7FFFFFFF  }
0xc3: {  	_ =	shalt  }
tec
execute0_lowered:
.L_overlay_start_1:
0x0: {  	(tag) =	ssettag $0x1  }
0x1: {  	s5 =	rddreg [dreg:$0x0]  }
0x2: {  	s3 =	rddreg [dreg:$0x1]  }
0x3: {  	s0 =	rddreg [dreg:$0x2];
	s4 =	srdreg.scid;
	s2 =	simm.s32 $0x0  }
0x4: {  	s1 =	stileid.u32;
	s10 =	simm.s32 $0x180;
	s11 =	simm.s32 $0x4200  }
0x5: {  	s12 =	simm.s32 $0x8200;
	s13 =	simm.s32 $0xC200;
	s6 =	sand.u32 $0x1, s4  }
0x6: {  	[smem:$0x7FF] =	sst s2;
	s7 =	sshll.u32 s1, $0xA;
	s8 =	sshll.u32 s6, $0x9  }
0x7: {  	s4 =	sadd.s32 $0x1A00, s5;
	_ =	strace $0x80000047;
	s7 =	sor.u32 s8, s7  }
0x8: {  	s6 =	ssub.s32 $0x2, s6;
	s8 =	sshll.u32 s7, $0x4;
	s7 =	sshrl.u32 s7, $0x3  }
0x9: {  	s9 =	sshrl.u32 s6, $0x1;
	s14 =	sadd.s32 s3, s7;
	s3 =	simm.s32 $0x2  }
0xa: {  	[tilespmem:s2], [sflag:$0x2] =	stream.linear.gather [hbm4b:s14+s2], $0x80, $0x38;
	[tilespmem:$0x10200] =	vst v63  }
0xb: {  	s6 =	ssub.s32 s6, s9;
	s9 =	simm.s32 $0x100;
	_ =	swait.ge [sflag:s3], $0x80  }
0xc: {  	s7 =	simm.s32 $0x80;
	s18 =	smax.u32 s6, $0x1;
	[sflag:s3] =	ssyncset.done $0x0  }
0xd: {  	s16 =	sadd.s32 $0x10, s14;
	p0 =	sne.s32 s18, $0x1;
	[sflag:s3] =	ssyncadd.s32 $0xFFFFFF80  }
0xe: {  	[tilespmem:s7], [sflag:$0x2] =	stream.linear.gather [hbm4b:s16+s2], $0x80, $0x38;
	[tilespmem:$0x10200] =	vst v63  }
.Ltmp0:
0xf: {  	s5 =	sadd.s32 s8, s5;
	_ =	swait.ge [sflag:s3], $0x80;
	(pc) =	sbr.rel @!p0 .LBB2_2-.Ltmp0, $4  }
0x10: {  	s6 =	simm.s32 $0x200;
	s8 =	simm.s32 $0x1;
	[sflag:s3] =	ssyncset.done $0x0  }
0x11: {  	s17 =	sadd.s32 $0x20, s14;
	s15 =	sadd.s32 $0x30, s14;
	[sflag:s3] =	ssyncadd.s32 $0xFFFFFF80  }
0x12: {  	[tilespmem:s9], [sflag:$0x2] =	stream.linear.gather [hbm4b:s17+s2], $0x80, $0x38;
	[tilespmem:$0x10200] =	vst v63  }
0x13: {  	s5 =	sadd.s32 $0x3E1A00, s5;
	s18 =	sadd.s32 $0xFFFFFFFF, s18;
	_ =	swait.ge [sflag:s3], $0x80  }
.LBB2_1:
0x14: {  	p0 =	sne.s32 s18, $0x1;
	s18 =	sadd.s32 $0xFFFFFFFF, s18;
	[sflag:s3] =	ssyncset.done $0x0  }
0x15: {  	[sflag:s3] =	ssyncadd.s32 $0xFFFFFF80  }
0x16: {  	[tilespmem:s10], [sflag:$0x2] =	stream.linear.gather [hbm4b:s15+s2], $0x80, $0x38;
	[tilespmem:$0x10200] =	vst v63  }
0x17: {  	_ =	swait.ge [sflag:s3], $0x80  }
0x18: {  	[sflag:s3] =	ssyncset.done $0x0  }
0x19: {  	[sflag:s3] =	ssyncadd.s32 $0xFFFFFF80  }
0x1a: {  	v0 =	vld [tilespmem:$0x190]  }
0x1b: {  	v1 =	vld [tilespmem:$0x1A0]  }
0x1c: {  	v2 =	vld [tilespmem:$0x140]  }
0x1d: {  	v3 =	vld [tilespmem:$0x1E0]  }
0x1e: {  	v4 =	vld [tilespmem:$0x1D0]  }
0x1f: {  	v5 =	vshra.s32 v0, $0x2  }
0x20: {  	v0 =	vand.u32 $0x1FFF, v0;
	v5 =	vand.u32 $0xFFFFE000, v5;
	v6 =	vshra.s32 v1, $0x2;
	v7 =	vld [tilespmem:$0x1F0]  }
0x21: {  	v8 =	vld [tilespmem:$0x80];
	v9 =	vand.u32 $0x1FFF, v2;
	v0 =	vor.u32 v0, v5;
	v5 =	vand.u32 $0xFFFFE000, v6  }
0x22: {  	v1 =	vand.u32 $0x1FFF, v1;
	v2 =	vshra.s32 v2, $0x2;
	v6 =	vld [tilespmem:$0x1B0];
	v10 =	vand.u32 $0x1FFF, v3  }
0x23: {  	v2 =	vand.u32 $0xFFFFE000, v2;
	v1 =	vor.u32 v1, v5;
	v11 =	vld [tilespmem:$0x30];
	v5 =	vshra.s32 v4, $0x2  }
0x24: {  	v3 =	vshra.s32 v3, $0x2;
	v2 =	vor.u32 v9, v2;
	v12 =	vld [tilespmem:$0x70];
	[tilespmem:$0x1A0] =	vst v1;
	v1 =	vand.u32 $0xFFFFE000, v5  }
0x25: {  	[tilespmem:$0x140] =	vst v2;
	v2 =	vand.u32 $0x1FFF, v4;
	v4 =	vshra.s32 v7, $0x2;
	v5 =	vand.u32 $0x1FFF, v7  }
0x26: {  	v7 =	vld [tilespmem:$0x20];
	v9 =	vshra.s32 v8, $0x2;
	v1 =	vor.u32 v2, v1;
	v2 =	vand.u32 $0xFFFFE000, v3  }
0x27: {  	v8 =	vand.u32 $0x1FFF, v8;
	v3 =	vand.u32 $0xFFFFE000, v9;
	[tilespmem:$0x190] =	vst v0;
	v0 =	vand.u32 $0x1FFF, v6  }
0x28: {  	v6 =	vshra.s32 v6, $0x2;
	v9 =	vld [tilespmem:$0x60];
	v3 =	vor.u32 v8, v3;
	[tilespmem:$0x1D0] =	vst v1;
	v1 =	vand.u32 $0xFFFFE000, v4  }
0x29: {  	v2 =	vor.u32 v10, v2;
	v8 =	vshra.s32 v11, $0x2;
	v4 =	vld [tilespmem:$0x10];
	[tilespmem:$0x80] =	vst v3;
	v3 =	vand.u32 $0xFFFFE000, v6  }
0x2a: {  	v6 =	vand.u32 $0xFFFFE000, v8;
	v8 =	vshra.s32 v12, $0x2;
	v10 =	vand.u32 $0x1FFF, v12;
	v12 =	vld [tilespmem:$0xB0];
	[tilespmem:$0x1E0] =	vst v2  }
0x2b: {  	v11 =	vand.u32 $0x1FFF, v11;
	v1 =	vor.u32 v5, v1;
	v8 =	vand.u32 $0xFFFFE000, v8;
	v2 =	vld [tilespmem:$0x0]  }
0x2c: {  	v5 =	vor.u32 v11, v6;
	v0 =	vor.u32 v0, v3;
	v8 =	vor.u32 v10, v8;
	v6 =	vld [tilespmem:$0x40]  }
0x2d: {  	v3 =	vshra.s32 v7, $0x2;
	v7 =	vand.u32 $0x1FFF, v7;
	v10 =	vld [tilespmem:$0x50];
	v11 =	vand.u32 $0x1FFF, v9;
	[tilespmem:$0x1F0] =	vst v1  }
0x2e: {  	v3 =	vand.u32 $0xFFFFE000, v3;
	v1 =	vshra.s32 v4, $0x2;
	[tilespmem:$0x30] =	vst v5;
	v5 =	vshra.s32 v9, $0x2  }
0x2f: {  	v4 =	vand.u32 $0x1FFF, v4;
	v5 =	vand.u32 $0xFFFFE000, v5;
	v9 =	vand.u32 $0x1FFF, v12;
	v13 =	vld [tilespmem:$0xC0];
	[tilespmem:$0x1B0] =	vst v0  }
0x30: {  	v0 =	vand.u32 $0xFFFFE000, v1;
	v1 =	vor.u32 v11, v5;
	[tilespmem:$0x70] =	vst v8;
	v5 =	vld [tilespmem:$0xA0];
	v8 =	vshra.s32 v12, $0x2  }
0x31: {  	v3 =	vor.u32 v7, v3;
	v11 =	vshra.s32 v2, $0x2;
	v7 =	vld [tilespmem:$0x90];
	v8 =	vand.u32 $0xFFFFE000, v8  }
0x32: {  	v11 =	vand.u32 $0xFFFFE000, v11;
	[tilespmem:$0x20] =	vst v3;
	v3 =	vshra.s32 v6, $0x2;
	v8 =	vor.u32 v9, v8;
	v9 =	vld [tilespmem:$0x110]  }
0x33: {  	v2 =	vand.u32 $0x1FFF, v2;
	v12 =	vshra.s32 v10, $0x2;
	v10 =	vand.u32 $0x1FFF, v10;
	[tilespmem:$0x60] =	vst v1;
	v1 =	vld [tilespmem:$0x100]  }
0x34: {  	v6 =	vand.u32 $0x1FFF, v6;
	v12 =	vand.u32 $0xFFFFE000, v12;
	v14 =	vand.u32 $0x1FFF, v13;
	v15 =	vld [tilespmem:$0xF0]  }
0x35: {  	v3 =	vand.u32 $0xFFFFE000, v3;
	v10 =	vor.u32 v10, v12;
	v12 =	vshra.s32 v5, $0x2;
	v16 =	vld [tilespmem:$0xD0]  }
0x36: {  	v0 =	vor.u32 v4, v0;
	v3 =	vor.u32 v6, v3;
	v4 =	vshra.s32 v7, $0x2;
	[tilespmem:$0xB0] =	vst v8  }
0x37: {  	[tilespmem:$0x10] =	vst v0;
	v0 =	vand.u32 $0xFFFFE000, v4;
	v4 =	vand.u32 $0xFFFFE000, v12;
	v6 =	vand.u32 $0x1FFF, v9;
	v8 =	vld [tilespmem:$0x180]  }
0x38: {  	v5 =	vand.u32 $0x1FFF, v5;
	v7 =	vand.u32 $0x1FFF, v7;
	v9 =	vshra.s32 v9, $0x2;
	[tilespmem:$0x50] =	vst v10;
	v10 =	vld [tilespmem:$0x170]  }
0x39: {  	v4 =	vor.u32 v5, v4;
	v5 =	vshra.s32 v13, $0x2;
	v12 =	vshra.s32 v15, $0x2;
	v13 =	vld [tilespmem:$0x120]  }
0x3a: {  	v2 =	vor.u32 v2, v11;
	v17 =	vand.u32 $0x1FFF, v1;
	[tilespmem:$0x40] =	vst v3;
	v3 =	vshra.s32 v16, $0x2;
	v11 =	vld [tilespmem:$0xE0]  }
0x3b: {  	v0 =	vor.u32 v7, v0;
	[tilespmem:$0x0] =	vst v2;
	v2 =	vand.u32 $0xFFFFE000, v3;
	v3 =	vand.u32 $0xFFFFE000, v12  }
0x3c: {  	v7 =	vand.u32 $0x1FFF, v15;
	[tilespmem:$0xA0] =	vst v4;
	v4 =	vand.u32 $0x1FFF, v16;
	v12 =	vand.u32 $0x1FFF, v8  }
0x3d: {  	v1 =	vshra.s32 v1, $0x2;
	v3 =	vor.u32 v7, v3;
	v7 =	vand.u32 $0xFFFFE000, v9  }
0x3e: {  	[tilespmem:$0x90] =	vst v0;
	v0 =	vand.u32 $0xFFFFE000, v1;
	v1 =	vor.u32 v6, v7;
	v6 =	vshra.s32 v8, $0x2  }
0x3f: {  	v5 =	vand.u32 $0xFFFFE000, v5;
	v8 =	vand.u32 $0x1FFF, v10;
	v7 =	vshra.s32 v11, $0x2;
	[tilespmem:$0x110] =	vst v1;
	v1 =	vld [tilespmem:$0x150]  }
0x40: {  	v5 =	vor.u32 v14, v5;
	v9 =	vshra.s32 v10, $0x2;
	v7 =	vand.u32 $0xFFFFE000, v7;
	[tilespmem:$0xF0] =	vst v3;
	v3 =	vld [tilespmem:$0x130]  }
0x41: {  	v10 =	vand.u32 $0x1FFF, v13;
	v9 =	vand.u32 $0xFFFFE000, v9;
	[tilespmem:$0xC0] =	vst v5;
	v5 =	vand.u32 $0x1FFF, v11  }
0x42: {  	v8 =	vor.u32 v8, v9;
	v5 =	vor.u32 v5, v7;
	v7 =	vshra.s32 v13, $0x2;
	v11 =	vld [tilespmem:$0x160]  }
0x43: {  	v0 =	vor.u32 v17, v0;
	v6 =	vand.u32 $0xFFFFE000, v6;
	v7 =	vand.u32 $0xFFFFE000, v7;
	[tilespmem:$0x170] =	vst v8;
	v8 =	vld [tilespmem:$0x1C0]  }
0x44: {  	v2 =	vor.u32 v4, v2;
	v4 =	vor.u32 v12, v6;
	[tilespmem:$0x100] =	vst v0;
	v0 =	vshra.s32 v1, $0x2  }
0x45: {  	v1 =	vand.u32 $0x1FFF, v1;
	v6 =	vshra.s32 v3, $0x2;
	v0 =	vand.u32 $0xFFFFE000, v0;
	[tilespmem:$0x180] =	vst v4  }
0x46: {  	v3 =	vand.u32 $0x1FFF, v3;
	[tilespmem:$0xD0] =	vst v2;
	v2 =	vand.u32 $0xFFFFE000, v6;
	v0 =	vor.u32 v1, v0  }
0x47: {  	v1 =	vor.u32 v10, v7;
	v2 =	vor.u32 v3, v2;
	[tilespmem:$0x150] =	vst v0;
	v0 =	vshra.s32 v11, $0x2  }
0x48: {  	[tilespmem:$0x120] =	vst v1;
	v0 =	vand.u32 $0xFFFFE000, v0;
	v1 =	vand.u32 $0x1FFF, v11;
	v3 =	vshra.s32 v8, $0x2  }
0x49: {  	[tilespmem:$0xE0] =	vst v5;
	v0 =	vor.u32 v1, v0;
	v1 =	vand.u32 $0xFFFFE000, v3;
	v3 =	vand.u32 $0x1FFF, v8  }
0x4a: {  	[tilespmem:$0x160] =	vst v0;
	v0 =	vor.u32 v3, v1  }
0x4b: {  	[tilespmem:$0x1C0] =	vst v0  }
0x4c: {  	[tilespmem:$0x130] =	vst v2  }
0x4d: {  	[tilespmem:s6], [sflag:$0x1] =	stream.indirect.gather [hbm4b:s4+s7], $0x80, s2, s7, $0xb8;
	[tilespmem:$0x10200] =	vst v63  }
0x4e: {  	_ = 	snop  }
0x4f: {  	[tilespmem:s11], [sflag:$0x1] =	stream.indirect.gather [hbm4b:s4+s7], $0x80, s7, s7, $0xb8;
	[tilespmem:$0x10200] =	vst v63  }
0x50: {  	_ = 	snop  }
0x51: {  	[tilespmem:s12], [sflag:$0x1] =	stream.indirect.gather [hbm4b:s4+s7], $0x80, s9, s7, $0xb8;
	[tilespmem:$0x10200] =	vst v63  }
0x52: {  	_ = 	snop  }
0x53: {  	[tilespmem:s13], [sflag:$0x1] =	stream.indirect.gather [hbm4b:s4+s7], $0x80, s10, s7, $0xb8;
	[tilespmem:$0x10200] =	vst v63  }
0x54: {  	_ =	swait.ge [sflag:s8], $0x4000  }
0x55: {  	[sflag:s8] =	ssyncset.done $0x0  }
0x56: {  	[sflag:s8] =	ssyncadd.s32 $0xFFFFC000  }
0x57: {  	_ =	swait.ge [sflag:s8], $0x4000  }
0x58: {  	[sflag:s8] =	ssyncset.done $0x0  }
0x59: {  	[sflag:s8] =	ssyncadd.s32 $0xFFFFC000  }
0x5a: {  	_ =	swait.ge [sflag:s8], $0x4000  }
0x5b: {  	[sflag:s8] =	ssyncset.done $0x0  }
0x5c: {  	[sflag:s8] =	ssyncadd.s32 $0xFFFFC000  }
0x5d: {  	_ =	swait.ge [sflag:s8], $0x4000  }
0x5e: {  	[sflag:s8] =	ssyncset.done $0x0  }
0x5f: {  	[sflag:s8] =	ssyncadd.s32 $0xFFFFC000  }
0x60: {  	[hbm4b:s5+s2] =	stream.linear.scatter [tilespmem:s6], [sflag:$0x2], $0x10000, $0x38;
	[tilespmem:$0x10200] =	vst v63  }
0x61: {  	_ =	swait.ge [sflag:s3], $0x10000  }
0x62: {  	[sflag:s3] =	ssyncset.done $0x0  }
0x63: {  	[sflag:s3] =	ssyncadd.s32 $0xFFFF0000  }
0x64: {  	[tilespmem:s2], [sflag:$0x2] =	stream.linear.gather [hbm4b:s14+s2], $0x80, $0x38;
	[tilespmem:$0x10200] =	vst v63  }
0x65: {  	_ =	swait.ge [sflag:s3], $0x80  }
0x66: {  	[sflag:s3] =	ssyncset.done $0x0  }
0x67: {  	[sflag:s3] =	ssyncadd.s32 $0xFFFFFF80  }
0x68: {  	[tilespmem:s7], [sflag:$0x2] =	stream.linear.gather [hbm4b:s16+s2], $0x80, $0x38;
	[tilespmem:$0x10200] =	vst v63  }
.Ltmp1:
0x69: {  	_ =	swait.ge [sflag:s3], $0x80;
	(pc) =	sbr.rel @p0 .LBB2_1-.Ltmp1, $4  }
0x6a: {  	[sflag:s3] =	ssyncset.done $0x0  }
0x6b: {  	[sflag:s3] =	ssyncadd.s32 $0xFFFFFF80  }
0x6c: {  	[tilespmem:s9], [sflag:$0x2] =	stream.linear.gather [hbm4b:s17+s2], $0x80, $0x38;
	[tilespmem:$0x10200] =	vst v63  }
0x6d: {  	_ =	swait.ge [sflag:s3], $0x80  }
.LBB2_2:
0x6e: {  	[sflag:s3] =	ssyncset.done $0x0  }
0x6f: {  	[sflag:s3] =	ssyncadd.s32 $0xFFFFFF80  }
0x70: {  	[tilespmem:s10], [sflag:$0x2] =	stream.linear.gather [hbm4b:s15+s2], $0x80, $0x38;
	[tilespmem:$0x10200] =	vst v63  }
0x71: {  	_ =	swait.ge [sflag:s3], $0x80  }
0x72: {  	[sflag:s3] =	ssyncset.done $0x0  }
0x73: {  	[sflag:s3] =	ssyncadd.s32 $0xFFFFFF80  }
0x74: {  	v0 =	vld [tilespmem:$0x190]  }
0x75: {  	v1 =	vld [tilespmem:$0x1A0]  }
0x76: {  	v2 =	vld [tilespmem:$0x140]  }
0x77: {  	v3 =	vld [tilespmem:$0x1E0]  }
0x78: {  	v4 =	vld [tilespmem:$0x1D0]  }
0x79: {  	v7 =	vld [tilespmem:$0x1F0]  }
0x7a: {  	v8 =	vld [tilespmem:$0x80]  }
0x7b: {  	v31 =	vld [tilespmem:$0x1B0]  }
0x7c: {  	v11 =	vld [tilespmem:$0x30]  }
0x7d: {  	v33 =	vld [tilespmem:$0x70]  }
0x7e: {  	v34 =	vld [tilespmem:$0x20]  }
0x7f: {  	v15 =	vld [tilespmem:$0x60]  }
0x80: {  	v35 =	vld [tilespmem:$0x10]  }
0x81: {  	v17 =	vld [tilespmem:$0xB0]  }
0x82: {  	v38 =	vld [tilespmem:$0x0];
	v5 =	vshra.s32 v0, $0x2  }
0x83: {  	v39 =	vld [tilespmem:$0x40];
	v0 =	vand.u32 $0x1FFF, v0;
	v6 =	vshra.s32 v1, $0x2;
	v9 =	vand.u32 $0x1FFF, v2  }
0x84: {  	v42 =	vld [tilespmem:$0x50];
	v2 =	vshra.s32 v2, $0x2;
	v1 =	vand.u32 $0x1FFF, v1;
	v10 =	vand.u32 $0x1FFF, v3  }
0x85: {  	v47 =	vld [tilespmem:$0xC0];
	v32 =	vshra.s32 v4, $0x2;
	v3 =	vshra.s32 v3, $0x2;
	v4 =	vand.u32 $0x1FFF, v4  }
0x86: {  	v49 =	vld [tilespmem:$0xA0];
	v12 =	vshra.s32 v7, $0x2;
	v7 =	vand.u32 $0x1FFF, v7;
	v13 =	vshra.s32 v8, $0x2  }
0x87: {  	v52 =	vld [tilespmem:$0x90];
	v8 =	vand.u32 $0x1FFF, v8;
	v14 =	vand.u32 $0x1FFF, v31;
	v16 =	vshra.s32 v11, $0x2  }
0x88: {  	v54 =	vld [tilespmem:$0x110];
	v37 =	vshra.s32 v33, $0x2;
	v11 =	vand.u32 $0x1FFF, v11;
	v40 =	vshra.s32 v34, $0x2  }
0x89: {  	v41 =	vand.u32 $0x1FFF, v15;
	v43 =	vshra.s32 v35, $0x2;
	v15 =	vshra.s32 v15, $0x2  }
0x8a: {  	v44 =	vand.u32 $0x1FFF, v35;
	v46 =	vand.u32 $0x1FFF, v17;
	v50 =	vshra.s32 v17, $0x2  }
0x8b: {  	v18 =	vld [tilespmem:$0xF0];
	v51 =	vshra.s32 v38, $0x2;
	v53 =	vshra.s32 v39, $0x2;
	v55 =	vshra.s32 v42, $0x2  }
0x8c: {  	v60 =	vld [tilespmem:$0xD0];
	v58 =	vand.u32 $0x1FFF, v47;
	v59 =	vshra.s32 v49, $0x2;
	v61 =	vshra.s32 v52, $0x2  }
0x8d: {  	v56 =	vld [tilespmem:$0x100];
	v62 =	vand.u32 $0x1FFF, v54;
	v19 =	vand.u32 $0x1FFF, v49;
	v30 =	vand.u32 $0xFFFFE000, v6  }
0x8e: {  	v20 =	vshra.s32 v54, $0x2;
	v2 =	vand.u32 $0xFFFFE000, v2;
	v1 =	vor.u32 v1, v30  }
0x8f: {  	v22 =	vshra.s32 v47, $0x2;
	v5 =	vand.u32 $0xFFFFE000, v5;
	v2 =	vor.u32 v9, v2;
	[tilespmem:$0x1A0] =	vst v1  }
0x90: {  	v23 =	vshra.s32 v18, $0x2;
	v13 =	vand.u32 $0xFFFFE000, v13;
	v0 =	vor.u32 v0, v5;
	[tilespmem:$0x140] =	vst v2  }
0x91: {  	v25 =	vshra.s32 v60, $0x2;
	v3 =	vand.u32 $0xFFFFE000, v3;
	v8 =	vor.u32 v8, v13;
	[tilespmem:$0x190] =	vst v0  }
0x92: {  	v27 =	vand.u32 $0x1FFF, v56;
	v12 =	vand.u32 $0xFFFFE000, v12;
	v3 =	vor.u32 v10, v3;
	[tilespmem:$0x80] =	vst v8  }
0x93: {  	v6 =	vshra.s32 v31, $0x2;
	v36 =	vand.u32 $0xFFFFE000, v16;
	v7 =	vor.u32 v7, v12;
	[tilespmem:$0x1E0] =	vst v3  }
0x94: {  	v16 =	vand.u32 $0xFFFFE000, v37;
	v45 =	vand.u32 $0xFFFFE000, v15;
	v10 =	vor.u32 v11, v36;
	[tilespmem:$0x1F0] =	vst v7  }
0x95: {  	v48 =	vand.u32 $0xFFFFE000, v43;
	v35 =	vand.u32 $0xFFFFE000, v20;
	v12 =	vor.u32 v41, v45;
	[tilespmem:$0x30] =	vst v10  }
0x96: {  	v63 =	vld [tilespmem:$0x180];
	v57 =	vand.u32 $0xFFFFE000, v55;
	v5 =	vand.u32 $0xFFFFE000, v32;
	v37 =	vor.u32 v62, v35;
	[tilespmem:$0x60] =	vst v12  }
0x97: {  	v26 =	vld [tilespmem:$0xE0];
	v29 =	vand.u32 $0xFFFFE000, v23;
	v6 =	vand.u32 $0xFFFFE000, v6;
	v4 =	vor.u32 v4, v5;
	[tilespmem:$0x110] =	vst v37  }
0x98: {  	v31 =	vand.u32 $0x1FFF, v18;
	v9 =	vand.u32 $0x1FFF, v33;
	v6 =	vor.u32 v14, v6;
	[tilespmem:$0x1D0] =	vst v4  }
0x99: {  	v11 =	vand.u32 $0xFFFFE000, v40;
	v9 =	vor.u32 v9, v16;
	v5 =	vand.u32 $0x1FFF, v34;
	[tilespmem:$0x1B0] =	vst v6  }
0x9a: {  	v30 =	vand.u32 $0x1FFF, v60;
	v14 =	vand.u32 $0xFFFFE000, v50;
	v5 =	vor.u32 v5, v11;
	[tilespmem:$0x70] =	vst v9  }
0x9b: {  	v21 =	vld [tilespmem:$0x170];
	v32 =	vand.u32 $0x1FFF, v63;
	v40 =	vand.u32 $0xFFFFE000, v22;
	v14 =	vor.u32 v46, v14;
	[tilespmem:$0x20] =	vst v5  }
0x9c: {  	v41 =	vshra.s32 v26, $0x2;
	v0 =	vand.u32 $0x1FFF, v42;
	v4 =	vor.u32 v44, v48;
	[tilespmem:$0xB0] =	vst v14  }
0x9d: {  	v2 =	vand.u32 $0x1FFF, v39;
	v7 =	vand.u32 $0xFFFFE000, v53;
	v0 =	vor.u32 v0, v57;
	[tilespmem:$0x10] =	vst v4  }
0x9e: {  	v3 =	vand.u32 $0xFFFFE000, v51;
	v1 =	vand.u32 $0x1FFF, v38;
	v2 =	vor.u32 v2, v7;
	[tilespmem:$0x50] =	vst v0  }
0x9f: {  	v34 =	vshra.s32 v56, $0x2;
	v38 =	vshra.s32 v63, $0x2;
	v24 =	vor.u32 v1, v3;
	[tilespmem:$0x40] =	vst v2  }
0xa0: {  	v43 =	vld [tilespmem:$0x130];
	v42 =	vshra.s32 v21, $0x2;
	v6 =	vand.u32 $0xFFFFE000, v59;
	v9 =	vor.u32 v58, v40;
	[tilespmem:$0x0] =	vst v24  }
0xa1: {  	v33 =	vld [tilespmem:$0x120];
	v11 =	vand.u32 $0x1FFF, v52;
	v36 =	vand.u32 $0xFFFFE000, v34;
	v6 =	vor.u32 v19, v6;
	[tilespmem:$0xC0] =	vst v9  }
0xa2: {  	v45 =	vld [tilespmem:$0x160];
	v1 =	vand.u32 $0xFFFFE000, v25;
	v44 =	vand.u32 $0xFFFFE000, v41;
	v2 =	vor.u32 v27, v36;
	[tilespmem:$0xA0] =	vst v6  }
0xa3: {  	v3 =	vand.u32 $0x1FFF, v26;
	v47 =	vand.u32 $0xFFFFE000, v38;
	v0 =	vor.u32 v30, v1;
	[tilespmem:$0x100] =	vst v2  }
0xa4: {  	v39 =	vld [tilespmem:$0x150];
	v5 =	vand.u32 $0xFFFFE000, v61;
	v4 =	vand.u32 $0x1FFF, v21;
	v3 =	vor.u32 v3, v44;
	[tilespmem:$0xD0] =	vst v0  }
0xa5: {  	v28 =	vor.u32 v11, v5;
	v5 =	vor.u32 v31, v29;
	v6 =	vand.u32 $0xFFFFE000, v42;
	[tilespmem:$0xE0] =	vst v3  }
0xa6: {  	v48 =	vld [tilespmem:$0x1C0];
	v55 =	vshra.s32 v43, $0x2;
	v62 =	vand.u32 $0x1FFF, v43;
	[tilespmem:$0x90] =	vst v28;
	v4 =	vor.u32 v4, v6  }
0xa7: {  	[tilespmem:$0xF0] =	vst v5;
	v46 =	vand.u32 $0x1FFF, v33;
	v49 =	vshra.s32 v33, $0x2;
	v57 =	vshra.s32 v45, $0x2  }
0xa8: {  	v58 =	vand.u32 $0x1FFF, v45;
	v1 =	vand.u32 $0xFFFFE000, v55;
	[tilespmem:$0x170] =	vst v4;
	v4 =	vor.u32 v32, v47  }
0xa9: {  	v50 =	vshra.s32 v39, $0x2;
	v53 =	vand.u32 $0xFFFFE000, v49;
	v1 =	vor.u32 v62, v1;
	[tilespmem:$0x180] =	vst v4  }
0xaa: {  	v52 =	vand.u32 $0x1FFF, v39;
	v0 =	vand.u32 $0xFFFFE000, v57;
	v56 =	vor.u32 v46, v53;
	[tilespmem:$0x130] =	vst v1  }
0xab: {  	v51 =	vand.u32 $0xFFFFE000, v50;
	v59 =	vshra.s32 v48, $0x2;
	v0 =	vor.u32 v58, v0;
	[tilespmem:$0x120] =	vst v56  }
0xac: {  	v61 =	vand.u32 $0x1FFF, v48;
	v54 =	vor.u32 v52, v51;
	v60 =	vand.u32 $0xFFFFE000, v59;
	[tilespmem:$0x160] =	vst v0  }
0xad: {  	[tilespmem:$0x150] =	vst v54;
	v63 =	vor.u32 v61, v60  }
0xae: {  	[tilespmem:$0x1C0] =	vst v63  }
0xaf: {  	[tilespmem:s6], [sflag:$0x1] =	stream.indirect.gather [hbm4b:s4+s7], $0x80, s2, s7, $0xb8;
	[tilespmem:$0x10200] =	vst v63  }
0xb0: {  	_ = 	snop  }
0xb1: {  	[tilespmem:s11], [sflag:$0x1] =	stream.indirect.gather [hbm4b:s4+s7], $0x80, s7, s7, $0xb8;
	[tilespmem:$0x10200] =	vst v63  }
0xb2: {  	_ = 	snop  }
0xb3: {  	[tilespmem:s12], [sflag:$0x1] =	stream.indirect.gather [hbm4b:s4+s7], $0x80, s9, s7, $0xb8;
	[tilespmem:$0x10200] =	vst v63  }
0xb4: {  	_ = 	snop  }
0xb5: {  	[tilespmem:s13], [sflag:$0x1] =	stream.indirect.gather [hbm4b:s4+s7], $0x80, s10, s7, $0xb8;
	[tilespmem:$0x10200] =	vst v63  }
0xb6: {  	_ =	swait.ge [sflag:s8], $0x4000  }
0xb7: {  	[sflag:s8] =	ssyncset.done $0x0  }
0xb8: {  	[sflag:s8] =	ssyncadd.s32 $0xFFFFC000  }
0xb9: {  	_ =	swait.ge [sflag:s8], $0x4000  }
0xba: {  	[sflag:s8] =	ssyncset.done $0x0  }
0xbb: {  	[sflag:s8] =	ssyncadd.s32 $0xFFFFC000  }
0xbc: {  	_ =	swait.ge [sflag:s8], $0x4000  }
0xbd: {  	[sflag:s8] =	ssyncset.done $0x0  }
0xbe: {  	[sflag:s8] =	ssyncadd.s32 $0xFFFFC000  }
0xbf: {  	_ =	swait.ge [sflag:s8], $0x4000  }
0xc0: {  	[sflag:s8] =	ssyncset.done $0x0  }
0xc1: {  	[sflag:s8] =	ssyncadd.s32 $0xFFFFC000  }
0xc2: {  	[hbm4b:s5+s2] =	stream.linear.scatter [tilespmem:s6], [sflag:$0x2], $0x10000, $0x38;
	[tilespmem:$0x10200] =	vst v63  }
0xc3: {  	_ =	swait.ge [sflag:s3], $0x10000  }
0xc4: {  	[sflag:s3] =	ssyncset.done $0x0  }
0xc5: {  	[sflag:s3] =	ssyncadd.s32 $0xFFFF0000  }
0xc6: {  	_ =	sfence.sel $0x180000  }
0xc7: {  	[bflag:$0x0] =	sbarrier.arrive $0xFFFF  }
0xc8: {  	p0 =	sne.s32 s1, $0x0;
	_ =	strace $0x90000047  }
0xc9: {  	s0 =	sadd.s32 @!p0 $0x100000, s0;
	[bflag:$0x2] =	sbarrier.arrive $0xFFFF  }
0xca: {  	[sflag:s0] =	ssyncadd.tile.s32 @!p0 $0x1;
	_ =	shalt  }
.Lfunc_end2:
_tile_overlayer_lowered:
.L_overlay_start_2:
0xcb: {  	(tag) =	ssettag $0x2  }
0xcc: {  	s0 =	rddreg [dreg:$0x0];
	s2 =	stileid.u32  }
0xcd: {  	s1 =	rddreg [dreg:$0x1];
	p0 =	sne.s32 s2, $0x0  }
0xce: {  	s3 =	rddreg [dreg:$0x2];
	[bflag:$0x3] =	sbarrier.arrive $0xFFFF;
	s2 =	simm.s32 @!p0 $0x1C02  }
0xcf: {  	[timem:s3], [sflag:s2] =	dma.local @!p0 [hbm:s0], s1  }
0xd0: {  	s0 =	simm.s32 @!p0 $0x2  }
0xd1: {  	_ =	swait.ge @!p0 [sflag:s0], s1  }
0xd2: {  	s1 =	ssub.s32 @!p0 $0x0, s1;
	[sflag:s0] =	ssyncset.done @!p0 $0x0  }
0xd3: {  	[sflag:s0] =	ssyncadd.s32 @!p0 s1  }
0xd4: {  	[bflag:$0x3] =	sbarrier.arrive $0xFFFF  }
0xd5: {  	_ =	shalt  }

</sc_bundles>
